<compile_context>
chip_gen: v7x
topology: tpu7x:2x2x1
jax: 0.10.2.dev20260603
libtpu: 0.0.44.dev20260713+nightly
codegen_flags: <defaults>
</compile_context>

<pallas_src>
import functools

import jax
import jax.numpy as jnp
from jax import lax
from jax.experimental import pallas as pl
from jax.experimental.pallas import tpu as pltpu
from jax.experimental.pallas import tpu_sc as plsc

VOCAB = 256
DIM = 768
CHUNK = 56
GRP = 16
K_CHUNKS = 4


def _make_kernel(num_tokens: int):
  info = plsc.get_sparse_core_info()
  nc, ns = info.num_cores, info.num_subcores
  nw = nc * ns
  assert num_tokens % (nw * 2 * CHUNK) == 0
  per_w = num_tokens // nw
  n_pairs = per_w // (2 * CHUNK)

  mesh = plsc.VectorSubcoreMesh(core_axis_name="c", subcore_axis_name="s")

  @functools.partial(
      pl.kernel,
      out_type=jax.ShapeDtypeStruct((num_tokens, DIM), jnp.float32),
      mesh=mesh,
      scratch_types=[
          pltpu.VMEM((per_w,), jnp.int32),
          pltpu.VMEM((CHUNK, DIM), jnp.float32),
          pltpu.VMEM((CHUNK, DIM), jnp.float32),
          pltpu.SemaphoreType.DMA,
          pltpu.SemaphoreType.DMA,
      ],
      compiler_params=pltpu.CompilerParams(use_tc_tiling_on_sc=True),
  )
  def gather_kernel(ids_hbm, table_hbm, out_hbm,
                    idx_blk, rows0, rows1, sem0, sem1):
    c = lax.axis_index("c")
    s = lax.axis_index("s")
    wid = s * nc + c
    base_w = wid * per_w

    pltpu.sync_copy(ids_hbm.at[pl.ds(base_w, per_w)], idx_blk)

    pltpu.async_copy(table_hbm.at[idx_blk.at[pl.ds(0, CHUNK)]], rows0, sem0)

    def body(i, carry):
      o = i * 2 * CHUNK
      pltpu.async_copy(
          table_hbm.at[idx_blk.at[pl.ds(o + CHUNK, CHUNK)]], rows1, sem1)
      pltpu.make_async_copy(
          table_hbm.at[idx_blk.at[pl.ds(o, CHUNK)]], rows0, sem0).wait()
      pltpu.sync_copy(rows0, out_hbm.at[pl.ds(base_w + o, CHUNK)])

      @pl.when(i < n_pairs - 1)
      def _():
        pltpu.async_copy(
            table_hbm.at[idx_blk.at[pl.ds(o + 2 * CHUNK, CHUNK)]], rows0, sem0)

      pltpu.make_async_copy(
          table_hbm.at[idx_blk.at[pl.ds(o + CHUNK, CHUNK)]], rows1, sem1).wait()
      pltpu.sync_copy(rows1, out_hbm.at[pl.ds(base_w + o + CHUNK, CHUNK)])
      return carry

    lax.fori_loop(0, n_pairs, body, 0)

  return gather_kernel


def _relayout_chunk(x, y_prev, batch: int, seq: int, blk_base: int,
                    n_blocks: int):

  def body(*refs):
    x_ref, y_ref = refs[-2], refs[-1]
    for j in range(GRP):
      y_ref[j] = x_ref[pl.ds(j * seq, seq), :]

  x_spec = pl.BlockSpec((GRP * seq, DIM), lambda g: (g, 0))
  y_spec = pl.BlockSpec((GRP, seq, DIM), lambda g: (blk_base + g, 0, 0))
  out_shape = jax.ShapeDtypeStruct((batch, seq, DIM), jnp.float32)
  if y_prev is None:
    return pl.pallas_call(
        body, out_shape=out_shape, grid=(n_blocks,),
        in_specs=[x_spec], out_specs=y_spec,
    )(x)
  return pl.pallas_call(
      body, out_shape=out_shape, grid=(n_blocks,),
      in_specs=[pl.BlockSpec(memory_space=pl.ANY), x_spec],
      out_specs=y_spec,
      input_output_aliases={0: 0},
  )(y_prev, x)


def kernel(token_ids, table):
  b, t = token_ids.shape
  flat = token_ids.reshape(b * t).astype(jnp.int32)
  bk = b // K_CHUNKS
  nk = bk * t
  sc_gather = _make_kernel(nk)
  y = None
  for k in range(K_CHUNKS):
    xk = sc_gather(lax.slice(flat, (k * nk,), ((k + 1) * nk,)), table)
    y = _relayout_chunk(xk, y, b, t, k * (bk // GRP), bk // GRP)
  return y

# --- scband reference (transcript-rebuilt; emitter-appended) ---
"""Pipeline reference for scband-stub-text-encoder-7576322310437 (READ-ONLY COPY).

The authoritative reference and input builder live on the scoring server;
editing this copy changes nothing except your own understanding.
"""

import jax, jax.numpy as jnp
import numpy as np

BYTE_VOCAB_SIZE = 256
EMBED_DIM = 768

def setup_inputs(seed: int = 0) -> dict:
    key = jax.random.key(seed)
    k1, k2 = jax.random.split(key)
    token_ids = jax.random.randint(k1, (4096, 77), 0, BYTE_VOCAB_SIZE, dtype=jnp.int64 if jax.config.read('jax_enable_x64') else jnp.int32)
    # Embedding table; padding_idx=0 row is zero-initialized (torch zeroes padding row)
    table = jax.random.normal(k2, (BYTE_VOCAB_SIZE, EMBED_DIM), dtype=jnp.float32)
    table = table.at[0].set(0.0)
    return {"token_ids": token_ids, "table": table}

def reference(token_ids, table):
    # nn.Embedding forward: pure gather of rows by token index
    return jnp.take(table, token_ids, axis=0)

if __name__ == "__main__":
    import jax
    _d = setup_inputs()
    print(jax.jit(kernel)(*tuple(_d.values())))

</pallas_src>

<mosaic_0001>
#map = affine_map<(d0, d1) -> (0)>
#map1 = affine_map<(d0, d1) -> (0, 0)>
module attributes {stable_mosaic.version = 14 : i64} {
  func.func @gather_kernel(%arg0: i32, %arg1: i32, %arg2: memref<78848xi32, #tpu.memory_space<hbm>>, %arg3: memref<256x768xf32, #tpu.memory_space<hbm>>, %arg4: memref<78848x768xf32, #tpu.memory_space<hbm>>, %arg5: memref<2464xi32, #tpu.memory_space<vmem>>, %arg6: memref<56x768xf32, #tpu.memory_space<vmem>>, %arg7: memref<56x768xf32, #tpu.memory_space<vmem>>, %arg8: memref<!tpu.dma_semaphore, #tpu.memory_space<semaphore_mem>>, %arg9: memref<!tpu.dma_semaphore, #tpu.memory_space<semaphore_mem>>) attributes {dimension_semantics = [#tpu.dimension_semantics<core_parallel>, #tpu.dimension_semantics<subcore_parallel>], iteration_bounds = array<i64: 2, 16>, scalar_prefetch = 0 : i64, scratch_operands = 5 : i64, tpu.core_type = #tpu.core_type<sc_vector_subcore>, window_params = [{transform_indices = #map}, {transform_indices = #map1}, {transform_indices = #map1}]} {
    %mul3A = arith.constant 2 : i32
    %mul3A_0 = arith.muli %arg1, %mul3A : i32
    %add3A = arith.addi %mul3A_0, %arg0 : i32
    %mul3A_1 = arith.constant 2464 : i32
    %mul3A_2 = arith.muli %add3A, %mul3A_1 : i32
    "tpu.region"() ({
      %run_scoped3A = tpu.sem_alloc : memref<!tpu.dma_semaphore, #tpu.memory_space<semaphore_mem>>
      %dma_start3A_12 = tpu.memref_slice %arg2[%mul3A_2] : memref<78848xi32, #tpu.memory_space<hbm>> -> memref<2464xi32, #tpu.memory_space<hbm>>
      %dma_start3A_13 = tpu.memref_slice %arg2[%mul3A_2] : memref<78848xi32, #tpu.memory_space<hbm>> -> memref<2464xi32, #tpu.memory_space<hbm>>
      tpu.enqueue_dma source(%dma_start3A_13 : memref<2464xi32, #tpu.memory_space<hbm>>) target(%arg5 : memref<2464xi32, #tpu.memory_space<vmem>>) target_semaphore(%run_scoped3A : memref<!tpu.dma_semaphore, #tpu.memory_space<semaphore_mem>>)
      %dma_wait3A = tpu.memref_slice %arg2[%mul3A_2] : memref<78848xi32, #tpu.memory_space<hbm>> -> memref<2464xi32, #tpu.memory_space<hbm>>
      %dma_wait3A_14 = tpu.memref_slice %arg2[%mul3A_2] : memref<78848xi32, #tpu.memory_space<hbm>> -> memref<2464xi32, #tpu.memory_space<hbm>>
      tpu.wait_dma2 semaphore(%run_scoped3A : memref<!tpu.dma_semaphore, #tpu.memory_space<semaphore_mem>>) src(%dma_wait3A_14 : memref<2464xi32, #tpu.memory_space<hbm>>) dst(%arg5 : memref<2464xi32, #tpu.memory_space<vmem>>)
      tpu.yield
    }) : () -> ()
    %dma_start3A = arith.constant 0 : i32
    %dma_start3A_3 = tpu.memref_slice %arg5[%dma_start3A] : memref<2464xi32, #tpu.memory_space<vmem>> -> memref<56xi32, #tpu.memory_space<vmem>>
    %dma_start3A_4 = arith.constant 0 : i32
    %dma_start3A_5 = arith.constant 0 : i32
    %dma_start3A_6 = tpu.memref_slice %arg3[%dma_start3A_4, %dma_start3A_5] : memref<256x768xf32, #tpu.memory_space<hbm>> -> memref<256x768xf32, #tpu.memory_space<hbm>>
    tpu.enqueue_indirect_dma source(%dma_start3A_6 : memref<256x768xf32, #tpu.memory_space<hbm>>) target(%arg6 : memref<56x768xf32, #tpu.memory_space<vmem>>) offsets(%dma_start3A_3 : memref<56xi32, #tpu.memory_space<vmem>>) semaphore(%arg8 : memref<!tpu.dma_semaphore, #tpu.memory_space<semaphore_mem>>)
    %scan3A = arith.constant 0 : i32
    %scan3A_7 = arith.constant 0 : i32
    %scan3A_8 = arith.constant 22 : i32
    %scan3A_9 = arith.addi %scan3A_7, %scan3A_8 : i32
    %scan3A_10 = arith.constant 1 : i32
    scf.for %scan3A_12 = %scan3A_7 to %scan3A_9 step %scan3A_10  : i32 {
      %mul3A_13 = arith.constant 2 : i32
      %mul3A_14 = arith.muli %scan3A_12, %mul3A_13 : i32
      %mul3A_15 = arith.constant 56 : i32
      %mul3A_16 = arith.muli %mul3A_14, %mul3A_15 : i32
      %add3A_17 = arith.constant 56 : i32
      %add3A_18 = arith.addi %mul3A_16, %add3A_17 : i32
      %dma_start3A_19 = tpu.memref_slice %arg5[%add3A_18] : memref<2464xi32, #tpu.memory_space<vmem>> -> memref<56xi32, #tpu.memory_space<vmem>>
      %dma_start3A_20 = arith.constant 0 : i32
      %dma_start3A_21 = arith.constant 0 : i32
      %dma_start3A_22 = tpu.memref_slice %arg3[%dma_start3A_20, %dma_start3A_21] : memref<256x768xf32, #tpu.memory_space<hbm>> -> memref<256x768xf32, #tpu.memory_space<hbm>>
      tpu.enqueue_indirect_dma source(%dma_start3A_22 : memref<256x768xf32, #tpu.memory_space<hbm>>) target(%arg7 : memref<56x768xf32, #tpu.memory_space<vmem>>) offsets(%dma_start3A_19 : memref<56xi32, #tpu.memory_space<vmem>>) semaphore(%arg9 : memref<!tpu.dma_semaphore, #tpu.memory_space<semaphore_mem>>)
      %dma_wait3A = tpu.memref_slice %arg5[%mul3A_16] : memref<2464xi32, #tpu.memory_space<vmem>> -> memref<56xi32, #tpu.memory_space<vmem>>
      %dma_wait3A_23 = arith.constant 0 : i32
      %dma_wait3A_24 = arith.constant 0 : i32
      %dma_wait3A_25 = tpu.memref_slice %arg3[%dma_wait3A_23, %dma_wait3A_24] : memref<256x768xf32, #tpu.memory_space<hbm>> -> memref<256x768xf32, #tpu.memory_space<hbm>>
      tpu.wait_indirect_dma semaphore(%arg8 : memref<!tpu.dma_semaphore, #tpu.memory_space<semaphore_mem>>) src(%dma_wait3A_25 : memref<256x768xf32, #tpu.memory_space<hbm>>) dst(%arg6 : memref<56x768xf32, #tpu.memory_space<vmem>>)
      %add3A_26 = arith.addi %mul3A_2, %mul3A_16 : i32
      "tpu.region"() ({
        %run_scoped3A = tpu.sem_alloc : memref<!tpu.dma_semaphore, #tpu.memory_space<semaphore_mem>>
        %dma_start3A_38 = arith.constant 0 : i32
        %dma_start3A_39 = tpu.memref_slice %arg4[%add3A_26, %dma_start3A_38] : memref<78848x768xf32, #tpu.memory_space<hbm>> -> memref<56x768xf32, #tpu.memory_space<hbm>>
        %dma_start3A_40 = arith.constant 0 : i32
        %dma_start3A_41 = tpu.memref_slice %arg4[%add3A_26, %dma_start3A_40] : memref<78848x768xf32, #tpu.memory_space<hbm>> -> memref<56x768xf32, #tpu.memory_space<hbm>>
        tpu.enqueue_dma source(%arg6 : memref<56x768xf32, #tpu.memory_space<vmem>>) target(%dma_start3A_41 : memref<56x768xf32, #tpu.memory_space<hbm>>) target_semaphore(%run_scoped3A : memref<!tpu.dma_semaphore, #tpu.memory_space<semaphore_mem>>)
        %dma_wait3A_42 = arith.constant 0 : i32
        %dma_wait3A_43 = tpu.memref_slice %arg4[%add3A_26, %dma_wait3A_42] : memref<78848x768xf32, #tpu.memory_space<hbm>> -> memref<56x768xf32, #tpu.memory_space<hbm>>
        %dma_wait3A_44 = arith.constant 0 : i32
        %dma_wait3A_45 = tpu.memref_slice %arg4[%add3A_26, %dma_wait3A_44] : memref<78848x768xf32, #tpu.memory_space<hbm>> -> memref<56x768xf32, #tpu.memory_space<hbm>>
        tpu.wait_dma2 semaphore(%run_scoped3A : memref<!tpu.dma_semaphore, #tpu.memory_space<semaphore_mem>>) src(%arg6 : memref<56x768xf32, #tpu.memory_space<vmem>>) dst(%dma_wait3A_45 : memref<56x768xf32, #tpu.memory_space<hbm>>)
        tpu.yield
      }) : () -> ()
      %lt3A = arith.constant 21 : i32
      %lt3A_27 = arith.cmpi slt, %scan3A_12, %lt3A : i32
      %convert_element_type3A = arith.extui %lt3A_27 : i1 to i32
      %cond3A = arith.constant 0 : i32
      %cond3A_28 = arith.cmpi ne, %convert_element_type3A, %cond3A : i32
      scf.if %cond3A_28 {
        %add3A_38 = arith.constant 112 : i32
        %add3A_39 = arith.addi %mul3A_16, %add3A_38 : i32
        %dma_start3A_40 = tpu.memref_slice %arg5[%add3A_39] : memref<2464xi32, #tpu.memory_space<vmem>> -> memref<56xi32, #tpu.memory_space<vmem>>
        %dma_start3A_41 = arith.constant 0 : i32
        %dma_start3A_42 = arith.constant 0 : i32
        %dma_start3A_43 = tpu.memref_slice %arg3[%dma_start3A_41, %dma_start3A_42] : memref<256x768xf32, #tpu.memory_space<hbm>> -> memref<256x768xf32, #tpu.memory_space<hbm>>
        tpu.enqueue_indirect_dma source(%dma_start3A_43 : memref<256x768xf32, #tpu.memory_space<hbm>>) target(%arg6 : memref<56x768xf32, #tpu.memory_space<vmem>>) offsets(%dma_start3A_40 : memref<56xi32, #tpu.memory_space<vmem>>) semaphore(%arg8 : memref<!tpu.dma_semaphore, #tpu.memory_space<semaphore_mem>>)
      } else {
      }
      %add3A_29 = arith.constant 56 : i32
      %add3A_30 = arith.addi %mul3A_16, %add3A_29 : i32
      %dma_wait3A_31 = tpu.memref_slice %arg5[%add3A_30] : memref<2464xi32, #tpu.memory_space<vmem>> -> memref<56xi32, #tpu.memory_space<vmem>>
      %dma_wait3A_32 = arith.constant 0 : i32
      %dma_wait3A_33 = arith.constant 0 : i32
      %dma_wait3A_34 = tpu.memref_slice %arg3[%dma_wait3A_32, %dma_wait3A_33] : memref<256x768xf32, #tpu.memory_space<hbm>> -> memref<256x768xf32, #tpu.memory_space<hbm>>
      tpu.wait_indirect_dma semaphore(%arg9 : memref<!tpu.dma_semaphore, #tpu.memory_space<semaphore_mem>>) src(%dma_wait3A_34 : memref<256x768xf32, #tpu.memory_space<hbm>>) dst(%arg7 : memref<56x768xf32, #tpu.memory_space<vmem>>)
      %add3A_35 = arith.addi %mul3A_2, %mul3A_16 : i32
      %add3A_36 = arith.constant 56 : i32
      %add3A_37 = arith.addi %add3A_35, %add3A_36 : i32
      "tpu.region"() ({
        %run_scoped3A = tpu.sem_alloc : memref<!tpu.dma_semaphore, #tpu.memory_space<semaphore_mem>>
        %dma_start3A_38 = arith.constant 0 : i32
        %dma_start3A_39 = tpu.memref_slice %arg4[%add3A_37, %dma_start3A_38] : memref<78848x768xf32, #tpu.memory_space<hbm>> -> memref<56x768xf32, #tpu.memory_space<hbm>>
        %dma_start3A_40 = arith.constant 0 : i32
        %dma_start3A_41 = tpu.memref_slice %arg4[%add3A_37, %dma_start3A_40] : memref<78848x768xf32, #tpu.memory_space<hbm>> -> memref<56x768xf32, #tpu.memory_space<hbm>>
        tpu.enqueue_dma source(%arg7 : memref<56x768xf32, #tpu.memory_space<vmem>>) target(%dma_start3A_41 : memref<56x768xf32, #tpu.memory_space<hbm>>) target_semaphore(%run_scoped3A : memref<!tpu.dma_semaphore, #tpu.memory_space<semaphore_mem>>)
        %dma_wait3A_42 = arith.constant 0 : i32
        %dma_wait3A_43 = tpu.memref_slice %arg4[%add3A_37, %dma_wait3A_42] : memref<78848x768xf32, #tpu.memory_space<hbm>> -> memref<56x768xf32, #tpu.memory_space<hbm>>
        %dma_wait3A_44 = arith.constant 0 : i32
        %dma_wait3A_45 = tpu.memref_slice %arg4[%add3A_37, %dma_wait3A_44] : memref<78848x768xf32, #tpu.memory_space<hbm>> -> memref<56x768xf32, #tpu.memory_space<hbm>>
        tpu.wait_dma2 semaphore(%run_scoped3A : memref<!tpu.dma_semaphore, #tpu.memory_space<semaphore_mem>>) src(%arg7 : memref<56x768xf32, #tpu.memory_space<vmem>>) dst(%dma_wait3A_45 : memref<56x768xf32, #tpu.memory_space<hbm>>)
        tpu.yield
      }) : () -> ()
    }
    %scan3A_11 = arith.constant 22 : i32
    return
  }
}

#map = affine_map<(d0, d1) -> (0)>
#map1 = affine_map<(d0, d1) -> (0, 0)>
module attributes {stable_mosaic.version = 14 : i64} {
  func.func @gather_kernel(%arg0: i32, %arg1: i32, %arg2: memref<78848xi32, #tpu.memory_space<hbm>>, %arg3: memref<256x768xf32, #tpu.memory_space<hbm>>, %arg4: memref<78848x768xf32, #tpu.memory_space<hbm>>, %arg5: memref<2464xi32, #tpu.memory_space<vmem>>, %arg6: memref<56x768xf32, #tpu.memory_space<vmem>>, %arg7: memref<56x768xf32, #tpu.memory_space<vmem>>, %arg8: memref<!tpu.dma_semaphore, #tpu.memory_space<semaphore_mem>>, %arg9: memref<!tpu.dma_semaphore, #tpu.memory_space<semaphore_mem>>) attributes {dimension_semantics = [#tpu.dimension_semantics<core_parallel>, #tpu.dimension_semantics<subcore_parallel>], iteration_bounds = array<i64: 2, 16>, scalar_prefetch = 0 : i64, scratch_operands = 5 : i64, tpu.core_type = #tpu.core_type<sc_vector_subcore>, window_params = [{transform_indices = #map}, {transform_indices = #map1}, {transform_indices = #map1}]} {
    %mul3A = arith.constant 2 : i32
    %mul3A_0 = arith.muli %arg1, %mul3A : i32
    %add3A = arith.addi %mul3A_0, %arg0 : i32
    %mul3A_1 = arith.constant 2464 : i32
    %mul3A_2 = arith.muli %add3A, %mul3A_1 : i32
    "tpu.region"() ({
      %run_scoped3A = tpu.sem_alloc : memref<!tpu.dma_semaphore, #tpu.memory_space<semaphore_mem>>
      %dma_start3A_12 = tpu.memref_slice %arg2[%mul3A_2] : memref<78848xi32, #tpu.memory_space<hbm>> -> memref<2464xi32, #tpu.memory_space<hbm>>
      %dma_start3A_13 = tpu.memref_slice %arg2[%mul3A_2] : memref<78848xi32, #tpu.memory_space<hbm>> -> memref<2464xi32, #tpu.memory_space<hbm>>
      tpu.enqueue_dma source(%dma_start3A_13 : memref<2464xi32, #tpu.memory_space<hbm>>) target(%arg5 : memref<2464xi32, #tpu.memory_space<vmem>>) target_semaphore(%run_scoped3A : memref<!tpu.dma_semaphore, #tpu.memory_space<semaphore_mem>>)
      %dma_wait3A = tpu.memref_slice %arg2[%mul3A_2] : memref<78848xi32, #tpu.memory_space<hbm>> -> memref<2464xi32, #tpu.memory_space<hbm>>
      %dma_wait3A_14 = tpu.memref_slice %arg2[%mul3A_2] : memref<78848xi32, #tpu.memory_space<hbm>> -> memref<2464xi32, #tpu.memory_space<hbm>>
      tpu.wait_dma2 semaphore(%run_scoped3A : memref<!tpu.dma_semaphore, #tpu.memory_space<semaphore_mem>>) src(%dma_wait3A_14 : memref<2464xi32, #tpu.memory_space<hbm>>) dst(%arg5 : memref<2464xi32, #tpu.memory_space<vmem>>)
      tpu.yield
    }) : () -> ()
    %dma_start3A = arith.constant 0 : i32
    %dma_start3A_3 = tpu.memref_slice %arg5[%dma_start3A] : memref<2464xi32, #tpu.memory_space<vmem>> -> memref<56xi32, #tpu.memory_space<vmem>>
    %dma_start3A_4 = arith.constant 0 : i32
    %dma_start3A_5 = arith.constant 0 : i32
    %dma_start3A_6 = tpu.memref_slice %arg3[%dma_start3A_4, %dma_start3A_5] : memref<256x768xf32, #tpu.memory_space<hbm>> -> memref<256x768xf32, #tpu.memory_space<hbm>>
    tpu.enqueue_indirect_dma source(%dma_start3A_6 : memref<256x768xf32, #tpu.memory_space<hbm>>) target(%arg6 : memref<56x768xf32, #tpu.memory_space<vmem>>) offsets(%dma_start3A_3 : memref<56xi32, #tpu.memory_space<vmem>>) semaphore(%arg8 : memref<!tpu.dma_semaphore, #tpu.memory_space<semaphore_mem>>)
    %scan3A = arith.constant 0 : i32
    %scan3A_7 = arith.constant 0 : i32
    %scan3A_8 = arith.constant 22 : i32
    %scan3A_9 = arith.addi %scan3A_7, %scan3A_8 : i32
    %scan3A_10 = arith.constant 1 : i32
    scf.for %scan3A_12 = %scan3A_7 to %scan3A_9 step %scan3A_10  : i32 {
      %mul3A_13 = arith.constant 2 : i32
      %mul3A_14 = arith.muli %scan3A_12, %mul3A_13 : i32
      %mul3A_15 = arith.constant 56 : i32
      %mul3A_16 = arith.muli %mul3A_14, %mul3A_15 : i32
      %add3A_17 = arith.constant 56 : i32
      %add3A_18 = arith.addi %mul3A_16, %add3A_17 : i32
      %dma_start3A_19 = tpu.memref_slice %arg5[%add3A_18] : memref<2464xi32, #tpu.memory_space<vmem>> -> memref<56xi32, #tpu.memory_space<vmem>>
      %dma_start3A_20 = arith.constant 0 : i32
      %dma_start3A_21 = arith.constant 0 : i32
      %dma_start3A_22 = tpu.memref_slice %arg3[%dma_start3A_20, %dma_start3A_21] : memref<256x768xf32, #tpu.memory_space<hbm>> -> memref<256x768xf32, #tpu.memory_space<hbm>>
      tpu.enqueue_indirect_dma source(%dma_start3A_22 : memref<256x768xf32, #tpu.memory_space<hbm>>) target(%arg7 : memref<56x768xf32, #tpu.memory_space<vmem>>) offsets(%dma_start3A_19 : memref<56xi32, #tpu.memory_space<vmem>>) semaphore(%arg9 : memref<!tpu.dma_semaphore, #tpu.memory_space<semaphore_mem>>)
      %dma_wait3A = tpu.memref_slice %arg5[%mul3A_16] : memref<2464xi32, #tpu.memory_space<vmem>> -> memref<56xi32, #tpu.memory_space<vmem>>
      %dma_wait3A_23 = arith.constant 0 : i32
      %dma_wait3A_24 = arith.constant 0 : i32
      %dma_wait3A_25 = tpu.memref_slice %arg3[%dma_wait3A_23, %dma_wait3A_24] : memref<256x768xf32, #tpu.memory_space<hbm>> -> memref<256x768xf32, #tpu.memory_space<hbm>>
      tpu.wait_indirect_dma semaphore(%arg8 : memref<!tpu.dma_semaphore, #tpu.memory_space<semaphore_mem>>) src(%dma_wait3A_25 : memref<256x768xf32, #tpu.memory_space<hbm>>) dst(%arg6 : memref<56x768xf32, #tpu.memory_space<vmem>>)
      %add3A_26 = arith.addi %mul3A_2, %mul3A_16 : i32
      "tpu.region"() ({
        %run_scoped3A = tpu.sem_alloc : memref<!tpu.dma_semaphore, #tpu.memory_space<semaphore_mem>>
        %dma_start3A_38 = arith.constant 0 : i32
        %dma_start3A_39 = tpu.memref_slice %arg4[%add3A_26, %dma_start3A_38] : memref<78848x768xf32, #tpu.memory_space<hbm>> -> memref<56x768xf32, #tpu.memory_space<hbm>>
        %dma_start3A_40 = arith.constant 0 : i32
        %dma_start3A_41 = tpu.memref_slice %arg4[%add3A_26, %dma_start3A_40] : memref<78848x768xf32, #tpu.memory_space<hbm>> -> memref<56x768xf32, #tpu.memory_space<hbm>>
        tpu.enqueue_dma source(%arg6 : memref<56x768xf32, #tpu.memory_space<vmem>>) target(%dma_start3A_41 : memref<56x768xf32, #tpu.memory_space<hbm>>) target_semaphore(%run_scoped3A : memref<!tpu.dma_semaphore, #tpu.memory_space<semaphore_mem>>)
        %dma_wait3A_42 = arith.constant 0 : i32
        %dma_wait3A_43 = tpu.memref_slice %arg4[%add3A_26, %dma_wait3A_42] : memref<78848x768xf32, #tpu.memory_space<hbm>> -> memref<56x768xf32, #tpu.memory_space<hbm>>
        %dma_wait3A_44 = arith.constant 0 : i32
        %dma_wait3A_45 = tpu.memref_slice %arg4[%add3A_26, %dma_wait3A_44] : memref<78848x768xf32, #tpu.memory_space<hbm>> -> memref<56x768xf32, #tpu.memory_space<hbm>>
        tpu.wait_dma2 semaphore(%run_scoped3A : memref<!tpu.dma_semaphore, #tpu.memory_space<semaphore_mem>>) src(%arg6 : memref<56x768xf32, #tpu.memory_space<vmem>>) dst(%dma_wait3A_45 : memref<56x768xf32, #tpu.memory_space<hbm>>)
        tpu.yield
      }) : () -> ()
      %lt3A = arith.constant 21 : i32
      %lt3A_27 = arith.cmpi slt, %scan3A_12, %lt3A : i32
      %convert_element_type3A = arith.extui %lt3A_27 : i1 to i32
      %cond3A = arith.constant 0 : i32
      %cond3A_28 = arith.cmpi ne, %convert_element_type3A, %cond3A : i32
      scf.if %cond3A_28 {
        %add3A_38 = arith.constant 112 : i32
        %add3A_39 = arith.addi %mul3A_16, %add3A_38 : i32
        %dma_start3A_40 = tpu.memref_slice %arg5[%add3A_39] : memref<2464xi32, #tpu.memory_space<vmem>> -> memref<56xi32, #tpu.memory_space<vmem>>
        %dma_start3A_41 = arith.constant 0 : i32
        %dma_start3A_42 = arith.constant 0 : i32
        %dma_start3A_43 = tpu.memref_slice %arg3[%dma_start3A_41, %dma_start3A_42] : memref<256x768xf32, #tpu.memory_space<hbm>> -> memref<256x768xf32, #tpu.memory_space<hbm>>
        tpu.enqueue_indirect_dma source(%dma_start3A_43 : memref<256x768xf32, #tpu.memory_space<hbm>>) target(%arg6 : memref<56x768xf32, #tpu.memory_space<vmem>>) offsets(%dma_start3A_40 : memref<56xi32, #tpu.memory_space<vmem>>) semaphore(%arg8 : memref<!tpu.dma_semaphore, #tpu.memory_space<semaphore_mem>>)
      } else {
      }
      %add3A_29 = arith.constant 56 : i32
      %add3A_30 = arith.addi %mul3A_16, %add3A_29 : i32
      %dma_wait3A_31 = tpu.memref_slice %arg5[%add3A_30] : memref<2464xi32, #tpu.memory_space<vmem>> -> memref<56xi32, #tpu.memory_space<vmem>>
      %dma_wait3A_32 = arith.constant 0 : i32
      %dma_wait3A_33 = arith.constant 0 : i32
      %dma_wait3A_34 = tpu.memref_slice %arg3[%dma_wait3A_32, %dma_wait3A_33] : memref<256x768xf32, #tpu.memory_space<hbm>> -> memref<256x768xf32, #tpu.memory_space<hbm>>
      tpu.wait_indirect_dma semaphore(%arg9 : memref<!tpu.dma_semaphore, #tpu.memory_space<semaphore_mem>>) src(%dma_wait3A_34 : memref<256x768xf32, #tpu.memory_space<hbm>>) dst(%arg7 : memref<56x768xf32, #tpu.memory_space<vmem>>)
      %add3A_35 = arith.addi %mul3A_2, %mul3A_16 : i32
      %add3A_36 = arith.constant 56 : i32
      %add3A_37 = arith.addi %add3A_35, %add3A_36 : i32
      "tpu.region"() ({
        %run_scoped3A = tpu.sem_alloc : memref<!tpu.dma_semaphore, #tpu.memory_space<semaphore_mem>>
        %dma_start3A_38 = arith.constant 0 : i32
        %dma_start3A_39 = tpu.memref_slice %arg4[%add3A_37, %dma_start3A_38] : memref<78848x768xf32, #tpu.memory_space<hbm>> -> memref<56x768xf32, #tpu.memory_space<hbm>>
        %dma_start3A_40 = arith.constant 0 : i32
        %dma_start3A_41 = tpu.memref_slice %arg4[%add3A_37, %dma_start3A_40] : memref<78848x768xf32, #tpu.memory_space<hbm>> -> memref<56x768xf32, #tpu.memory_space<hbm>>
        tpu.enqueue_dma source(%arg7 : memref<56x768xf32, #tpu.memory_space<vmem>>) target(%dma_start3A_41 : memref<56x768xf32, #tpu.memory_space<hbm>>) target_semaphore(%run_scoped3A : memref<!tpu.dma_semaphore, #tpu.memory_space<semaphore_mem>>)
        %dma_wait3A_42 = arith.constant 0 : i32
        %dma_wait3A_43 = tpu.memref_slice %arg4[%add3A_37, %dma_wait3A_42] : memref<78848x768xf32, #tpu.memory_space<hbm>> -> memref<56x768xf32, #tpu.memory_space<hbm>>
        %dma_wait3A_44 = arith.constant 0 : i32
        %dma_wait3A_45 = tpu.memref_slice %arg4[%add3A_37, %dma_wait3A_44] : memref<78848x768xf32, #tpu.memory_space<hbm>> -> memref<56x768xf32, #tpu.memory_space<hbm>>
        tpu.wait_dma2 semaphore(%run_scoped3A : memref<!tpu.dma_semaphore, #tpu.memory_space<semaphore_mem>>) src(%arg7 : memref<56x768xf32, #tpu.memory_space<vmem>>) dst(%dma_wait3A_45 : memref<56x768xf32, #tpu.memory_space<hbm>>)
        tpu.yield
      }) : () -> ()
    }
    %scan3A_11 = arith.constant 22 : i32
    return
  }
}

#map = affine_map<(d0, d1) -> (0)>
#map1 = affine_map<(d0, d1) -> (0, 0)>
module attributes {stable_mosaic.version = 14 : i64} {
  func.func @gather_kernel(%arg0: i32, %arg1: i32, %arg2: memref<78848xi32, #tpu.memory_space<hbm>>, %arg3: memref<256x768xf32, #tpu.memory_space<hbm>>, %arg4: memref<78848x768xf32, #tpu.memory_space<hbm>>, %arg5: memref<2464xi32, #tpu.memory_space<vmem>>, %arg6: memref<56x768xf32, #tpu.memory_space<vmem>>, %arg7: memref<56x768xf32, #tpu.memory_space<vmem>>, %arg8: memref<!tpu.dma_semaphore, #tpu.memory_space<semaphore_mem>>, %arg9: memref<!tpu.dma_semaphore, #tpu.memory_space<semaphore_mem>>) attributes {dimension_semantics = [#tpu.dimension_semantics<core_parallel>, #tpu.dimension_semantics<subcore_parallel>], iteration_bounds = array<i64: 2, 16>, scalar_prefetch = 0 : i64, scratch_operands = 5 : i64, tpu.core_type = #tpu.core_type<sc_vector_subcore>, window_params = [{transform_indices = #map}, {transform_indices = #map1}, {transform_indices = #map1}]} {
    %mul3A = arith.constant 2 : i32
    %mul3A_0 = arith.muli %arg1, %mul3A : i32
    %add3A = arith.addi %mul3A_0, %arg0 : i32
    %mul3A_1 = arith.constant 2464 : i32
    %mul3A_2 = arith.muli %add3A, %mul3A_1 : i32
    "tpu.region"() ({
      %run_scoped3A = tpu.sem_alloc : memref<!tpu.dma_semaphore, #tpu.memory_space<semaphore_mem>>
      %dma_start3A_12 = tpu.memref_slice %arg2[%mul3A_2] : memref<78848xi32, #tpu.memory_space<hbm>> -> memref<2464xi32, #tpu.memory_space<hbm>>
      %dma_start3A_13 = tpu.memref_slice %arg2[%mul3A_2] : memref<78848xi32, #tpu.memory_space<hbm>> -> memref<2464xi32, #tpu.memory_space<hbm>>
      tpu.enqueue_dma source(%dma_start3A_13 : memref<2464xi32, #tpu.memory_space<hbm>>) target(%arg5 : memref<2464xi32, #tpu.memory_space<vmem>>) target_semaphore(%run_scoped3A : memref<!tpu.dma_semaphore, #tpu.memory_space<semaphore_mem>>)
      %dma_wait3A = tpu.memref_slice %arg2[%mul3A_2] : memref<78848xi32, #tpu.memory_space<hbm>> -> memref<2464xi32, #tpu.memory_space<hbm>>
      %dma_wait3A_14 = tpu.memref_slice %arg2[%mul3A_2] : memref<78848xi32, #tpu.memory_space<hbm>> -> memref<2464xi32, #tpu.memory_space<hbm>>
      tpu.wait_dma2 semaphore(%run_scoped3A : memref<!tpu.dma_semaphore, #tpu.memory_space<semaphore_mem>>) src(%dma_wait3A_14 : memref<2464xi32, #tpu.memory_space<hbm>>) dst(%arg5 : memref<2464xi32, #tpu.memory_space<vmem>>)
      tpu.yield
    }) : () -> ()
    %dma_start3A = arith.constant 0 : i32
    %dma_start3A_3 = tpu.memref_slice %arg5[%dma_start3A] : memref<2464xi32, #tpu.memory_space<vmem>> -> memref<56xi32, #tpu.memory_space<vmem>>
    %dma_start3A_4 = arith.constant 0 : i32
    %dma_start3A_5 = arith.constant 0 : i32
    %dma_start3A_6 = tpu.memref_slice %arg3[%dma_start3A_4, %dma_start3A_5] : memref<256x768xf32, #tpu.memory_space<hbm>> -> memref<256x768xf32, #tpu.memory_space<hbm>>
    tpu.enqueue_indirect_dma source(%dma_start3A_6 : memref<256x768xf32, #tpu.memory_space<hbm>>) target(%arg6 : memref<56x768xf32, #tpu.memory_space<vmem>>) offsets(%dma_start3A_3 : memref<56xi32, #tpu.memory_space<vmem>>) semaphore(%arg8 : memref<!tpu.dma_semaphore, #tpu.memory_space<semaphore_mem>>)
    %scan3A = arith.constant 0 : i32
    %scan3A_7 = arith.constant 0 : i32
    %scan3A_8 = arith.constant 22 : i32
    %scan3A_9 = arith.addi %scan3A_7, %scan3A_8 : i32
    %scan3A_10 = arith.constant 1 : i32
    scf.for %scan3A_12 = %scan3A_7 to %scan3A_9 step %scan3A_10  : i32 {
      %mul3A_13 = arith.constant 2 : i32
      %mul3A_14 = arith.muli %scan3A_12, %mul3A_13 : i32
      %mul3A_15 = arith.constant 56 : i32
      %mul3A_16 = arith.muli %mul3A_14, %mul3A_15 : i32
      %add3A_17 = arith.constant 56 : i32
      %add3A_18 = arith.addi %mul3A_16, %add3A_17 : i32
      %dma_start3A_19 = tpu.memref_slice %arg5[%add3A_18] : memref<2464xi32, #tpu.memory_space<vmem>> -> memref<56xi32, #tpu.memory_space<vmem>>
      %dma_start3A_20 = arith.constant 0 : i32
      %dma_start3A_21 = arith.constant 0 : i32
      %dma_start3A_22 = tpu.memref_slice %arg3[%dma_start3A_20, %dma_start3A_21] : memref<256x768xf32, #tpu.memory_space<hbm>> -> memref<256x768xf32, #tpu.memory_space<hbm>>
      tpu.enqueue_indirect_dma source(%dma_start3A_22 : memref<256x768xf32, #tpu.memory_space<hbm>>) target(%arg7 : memref<56x768xf32, #tpu.memory_space<vmem>>) offsets(%dma_start3A_19 : memref<56xi32, #tpu.memory_space<vmem>>) semaphore(%arg9 : memref<!tpu.dma_semaphore, #tpu.memory_space<semaphore_mem>>)
      %dma_wait3A = tpu.memref_slice %arg5[%mul3A_16] : memref<2464xi32, #tpu.memory_space<vmem>> -> memref<56xi32, #tpu.memory_space<vmem>>
      %dma_wait3A_23 = arith.constant 0 : i32
      %dma_wait3A_24 = arith.constant 0 : i32
      %dma_wait3A_25 = tpu.memref_slice %arg3[%dma_wait3A_23, %dma_wait3A_24] : memref<256x768xf32, #tpu.memory_space<hbm>> -> memref<256x768xf32, #tpu.memory_space<hbm>>
      tpu.wait_indirect_dma semaphore(%arg8 : memref<!tpu.dma_semaphore, #tpu.memory_space<semaphore_mem>>) src(%dma_wait3A_25 : memref<256x768xf32, #tpu.memory_space<hbm>>) dst(%arg6 : memref<56x768xf32, #tpu.memory_space<vmem>>)
      %add3A_26 = arith.addi %mul3A_2, %mul3A_16 : i32
      "tpu.region"() ({
        %run_scoped3A = tpu.sem_alloc : memref<!tpu.dma_semaphore, #tpu.memory_space<semaphore_mem>>
        %dma_start3A_38 = arith.constant 0 : i32
        %dma_start3A_39 = tpu.memref_slice %arg4[%add3A_26, %dma_start3A_38] : memref<78848x768xf32, #tpu.memory_space<hbm>> -> memref<56x768xf32, #tpu.memory_space<hbm>>
        %dma_start3A_40 = arith.constant 0 : i32
        %dma_start3A_41 = tpu.memref_slice %arg4[%add3A_26, %dma_start3A_40] : memref<78848x768xf32, #tpu.memory_space<hbm>> -> memref<56x768xf32, #tpu.memory_space<hbm>>
        tpu.enqueue_dma source(%arg6 : memref<56x768xf32, #tpu.memory_space<vmem>>) target(%dma_start3A_41 : memref<56x768xf32, #tpu.memory_space<hbm>>) target_semaphore(%run_scoped3A : memref<!tpu.dma_semaphore, #tpu.memory_space<semaphore_mem>>)
        %dma_wait3A_42 = arith.constant 0 : i32
        %dma_wait3A_43 = tpu.memref_slice %arg4[%add3A_26, %dma_wait3A_42] : memref<78848x768xf32, #tpu.memory_space<hbm>> -> memref<56x768xf32, #tpu.memory_space<hbm>>
        %dma_wait3A_44 = arith.constant 0 : i32
        %dma_wait3A_45 = tpu.memref_slice %arg4[%add3A_26, %dma_wait3A_44] : memref<78848x768xf32, #tpu.memory_space<hbm>> -> memref<56x768xf32, #tpu.memory_space<hbm>>
        tpu.wait_dma2 semaphore(%run_scoped3A : memref<!tpu.dma_semaphore, #tpu.memory_space<semaphore_mem>>) src(%arg6 : memref<56x768xf32, #tpu.memory_space<vmem>>) dst(%dma_wait3A_45 : memref<56x768xf32, #tpu.memory_space<hbm>>)
        tpu.yield
      }) : () -> ()
      %lt3A = arith.constant 21 : i32
      %lt3A_27 = arith.cmpi slt, %scan3A_12, %lt3A : i32
      %convert_element_type3A = arith.extui %lt3A_27 : i1 to i32
      %cond3A = arith.constant 0 : i32
      %cond3A_28 = arith.cmpi ne, %convert_element_type3A, %cond3A : i32
      scf.if %cond3A_28 {
        %add3A_38 = arith.constant 112 : i32
        %add3A_39 = arith.addi %mul3A_16, %add3A_38 : i32
        %dma_start3A_40 = tpu.memref_slice %arg5[%add3A_39] : memref<2464xi32, #tpu.memory_space<vmem>> -> memref<56xi32, #tpu.memory_space<vmem>>
        %dma_start3A_41 = arith.constant 0 : i32
        %dma_start3A_42 = arith.constant 0 : i32
        %dma_start3A_43 = tpu.memref_slice %arg3[%dma_start3A_41, %dma_start3A_42] : memref<256x768xf32, #tpu.memory_space<hbm>> -> memref<256x768xf32, #tpu.memory_space<hbm>>
        tpu.enqueue_indirect_dma source(%dma_start3A_43 : memref<256x768xf32, #tpu.memory_space<hbm>>) target(%arg6 : memref<56x768xf32, #tpu.memory_space<vmem>>) offsets(%dma_start3A_40 : memref<56xi32, #tpu.memory_space<vmem>>) semaphore(%arg8 : memref<!tpu.dma_semaphore, #tpu.memory_space<semaphore_mem>>)
      } else {
      }
      %add3A_29 = arith.constant 56 : i32
      %add3A_30 = arith.addi %mul3A_16, %add3A_29 : i32
      %dma_wait3A_31 = tpu.memref_slice %arg5[%add3A_30] : memref<2464xi32, #tpu.memory_space<vmem>> -> memref<56xi32, #tpu.memory_space<vmem>>
      %dma_wait3A_32 = arith.constant 0 : i32
      %dma_wait3A_33 = arith.constant 0 : i32
      %dma_wait3A_34 = tpu.memref_slice %arg3[%dma_wait3A_32, %dma_wait3A_33] : memref<256x768xf32, #tpu.memory_space<hbm>> -> memref<256x768xf32, #tpu.memory_space<hbm>>
      tpu.wait_indirect_dma semaphore(%arg9 : memref<!tpu.dma_semaphore, #tpu.memory_space<semaphore_mem>>) src(%dma_wait3A_34 : memref<256x768xf32, #tpu.memory_space<hbm>>) dst(%arg7 : memref<56x768xf32, #tpu.memory_space<vmem>>)
      %add3A_35 = arith.addi %mul3A_2, %mul3A_16 : i32
      %add3A_36 = arith.constant 56 : i32
      %add3A_37 = arith.addi %add3A_35, %add3A_36 : i32
      "tpu.region"() ({
        %run_scoped3A = tpu.sem_alloc : memref<!tpu.dma_semaphore, #tpu.memory_space<semaphore_mem>>
        %dma_start3A_38 = arith.constant 0 : i32
        %dma_start3A_39 = tpu.memref_slice %arg4[%add3A_37, %dma_start3A_38] : memref<78848x768xf32, #tpu.memory_space<hbm>> -> memref<56x768xf32, #tpu.memory_space<hbm>>
        %dma_start3A_40 = arith.constant 0 : i32
        %dma_start3A_41 = tpu.memref_slice %arg4[%add3A_37, %dma_start3A_40] : memref<78848x768xf32, #tpu.memory_space<hbm>> -> memref<56x768xf32, #tpu.memory_space<hbm>>
        tpu.enqueue_dma source(%arg7 : memref<56x768xf32, #tpu.memory_space<vmem>>) target(%dma_start3A_41 : memref<56x768xf32, #tpu.memory_space<hbm>>) target_semaphore(%run_scoped3A : memref<!tpu.dma_semaphore, #tpu.memory_space<semaphore_mem>>)
        %dma_wait3A_42 = arith.constant 0 : i32
        %dma_wait3A_43 = tpu.memref_slice %arg4[%add3A_37, %dma_wait3A_42] : memref<78848x768xf32, #tpu.memory_space<hbm>> -> memref<56x768xf32, #tpu.memory_space<hbm>>
        %dma_wait3A_44 = arith.constant 0 : i32
        %dma_wait3A_45 = tpu.memref_slice %arg4[%add3A_37, %dma_wait3A_44] : memref<78848x768xf32, #tpu.memory_space<hbm>> -> memref<56x768xf32, #tpu.memory_space<hbm>>
        tpu.wait_dma2 semaphore(%run_scoped3A : memref<!tpu.dma_semaphore, #tpu.memory_space<semaphore_mem>>) src(%arg7 : memref<56x768xf32, #tpu.memory_space<vmem>>) dst(%dma_wait3A_45 : memref<56x768xf32, #tpu.memory_space<hbm>>)
        tpu.yield
      }) : () -> ()
    }
    %scan3A_11 = arith.constant 22 : i32
    return
  }
}

#map = affine_map<(d0, d1) -> (0)>
#map1 = affine_map<(d0, d1) -> (0, 0)>
module attributes {stable_mosaic.version = 14 : i64} {
  func.func @gather_kernel(%arg0: i32, %arg1: i32, %arg2: memref<78848xi32, #tpu.memory_space<hbm>>, %arg3: memref<256x768xf32, #tpu.memory_space<hbm>>, %arg4: memref<78848x768xf32, #tpu.memory_space<hbm>>, %arg5: memref<2464xi32, #tpu.memory_space<vmem>>, %arg6: memref<56x768xf32, #tpu.memory_space<vmem>>, %arg7: memref<56x768xf32, #tpu.memory_space<vmem>>, %arg8: memref<!tpu.dma_semaphore, #tpu.memory_space<semaphore_mem>>, %arg9: memref<!tpu.dma_semaphore, #tpu.memory_space<semaphore_mem>>) attributes {dimension_semantics = [#tpu.dimension_semantics<core_parallel>, #tpu.dimension_semantics<subcore_parallel>], iteration_bounds = array<i64: 2, 16>, scalar_prefetch = 0 : i64, scratch_operands = 5 : i64, tpu.core_type = #tpu.core_type<sc_vector_subcore>, window_params = [{transform_indices = #map}, {transform_indices = #map1}, {transform_indices = #map1}]} {
    %mul3A = arith.constant 2 : i32
    %mul3A_0 = arith.muli %arg1, %mul3A : i32
    %add3A = arith.addi %mul3A_0, %arg0 : i32
    %mul3A_1 = arith.constant 2464 : i32
    %mul3A_2 = arith.muli %add3A, %mul3A_1 : i32
    "tpu.region"() ({
      %run_scoped3A = tpu.sem_alloc : memref<!tpu.dma_semaphore, #tpu.memory_space<semaphore_mem>>
      %dma_start3A_12 = tpu.memref_slice %arg2[%mul3A_2] : memref<78848xi32, #tpu.memory_space<hbm>> -> memref<2464xi32, #tpu.memory_space<hbm>>
      %dma_start3A_13 = tpu.memref_slice %arg2[%mul3A_2] : memref<78848xi32, #tpu.memory_space<hbm>> -> memref<2464xi32, #tpu.memory_space<hbm>>
      tpu.enqueue_dma source(%dma_start3A_13 : memref<2464xi32, #tpu.memory_space<hbm>>) target(%arg5 : memref<2464xi32, #tpu.memory_space<vmem>>) target_semaphore(%run_scoped3A : memref<!tpu.dma_semaphore, #tpu.memory_space<semaphore_mem>>)
      %dma_wait3A = tpu.memref_slice %arg2[%mul3A_2] : memref<78848xi32, #tpu.memory_space<hbm>> -> memref<2464xi32, #tpu.memory_space<hbm>>
      %dma_wait3A_14 = tpu.memref_slice %arg2[%mul3A_2] : memref<78848xi32, #tpu.memory_space<hbm>> -> memref<2464xi32, #tpu.memory_space<hbm>>
      tpu.wait_dma2 semaphore(%run_scoped3A : memref<!tpu.dma_semaphore, #tpu.memory_space<semaphore_mem>>) src(%dma_wait3A_14 : memref<2464xi32, #tpu.memory_space<hbm>>) dst(%arg5 : memref<2464xi32, #tpu.memory_space<vmem>>)
      tpu.yield
    }) : () -> ()
    %dma_start3A = arith.constant 0 : i32
    %dma_start3A_3 = tpu.memref_slice %arg5[%dma_start3A] : memref<2464xi32, #tpu.memory_space<vmem>> -> memref<56xi32, #tpu.memory_space<vmem>>
    %dma_start3A_4 = arith.constant 0 : i32
    %dma_start3A_5 = arith.constant 0 : i32
    %dma_start3A_6 = tpu.memref_slice %arg3[%dma_start3A_4, %dma_start3A_5] : memref<256x768xf32, #tpu.memory_space<hbm>> -> memref<256x768xf32, #tpu.memory_space<hbm>>
    tpu.enqueue_indirect_dma source(%dma_start3A_6 : memref<256x768xf32, #tpu.memory_space<hbm>>) target(%arg6 : memref<56x768xf32, #tpu.memory_space<vmem>>) offsets(%dma_start3A_3 : memref<56xi32, #tpu.memory_space<vmem>>) semaphore(%arg8 : memref<!tpu.dma_semaphore, #tpu.memory_space<semaphore_mem>>)
    %scan3A = arith.constant 0 : i32
    %scan3A_7 = arith.constant 0 : i32
    %scan3A_8 = arith.constant 22 : i32
    %scan3A_9 = arith.addi %scan3A_7, %scan3A_8 : i32
    %scan3A_10 = arith.constant 1 : i32
    scf.for %scan3A_12 = %scan3A_7 to %scan3A_9 step %scan3A_10  : i32 {
      %mul3A_13 = arith.constant 2 : i32
      %mul3A_14 = arith.muli %scan3A_12, %mul3A_13 : i32
      %mul3A_15 = arith.constant 56 : i32
      %mul3A_16 = arith.muli %mul3A_14, %mul3A_15 : i32
      %add3A_17 = arith.constant 56 : i32
      %add3A_18 = arith.addi %mul3A_16, %add3A_17 : i32
      %dma_start3A_19 = tpu.memref_slice %arg5[%add3A_18] : memref<2464xi32, #tpu.memory_space<vmem>> -> memref<56xi32, #tpu.memory_space<vmem>>
      %dma_start3A_20 = arith.constant 0 : i32
      %dma_start3A_21 = arith.constant 0 : i32
      %dma_start3A_22 = tpu.memref_slice %arg3[%dma_start3A_20, %dma_start3A_21] : memref<256x768xf32, #tpu.memory_space<hbm>> -> memref<256x768xf32, #tpu.memory_space<hbm>>
      tpu.enqueue_indirect_dma source(%dma_start3A_22 : memref<256x768xf32, #tpu.memory_space<hbm>>) target(%arg7 : memref<56x768xf32, #tpu.memory_space<vmem>>) offsets(%dma_start3A_19 : memref<56xi32, #tpu.memory_space<vmem>>) semaphore(%arg9 : memref<!tpu.dma_semaphore, #tpu.memory_space<semaphore_mem>>)
      %dma_wait3A = tpu.memref_slice %arg5[%mul3A_16] : memref<2464xi32, #tpu.memory_space<vmem>> -> memref<56xi32, #tpu.memory_space<vmem>>
      %dma_wait3A_23 = arith.constant 0 : i32
      %dma_wait3A_24 = arith.constant 0 : i32
      %dma_wait3A_25 = tpu.memref_slice %arg3[%dma_wait3A_23, %dma_wait3A_24] : memref<256x768xf32, #tpu.memory_space<hbm>> -> memref<256x768xf32, #tpu.memory_space<hbm>>
      tpu.wait_indirect_dma semaphore(%arg8 : memref<!tpu.dma_semaphore, #tpu.memory_space<semaphore_mem>>) src(%dma_wait3A_25 : memref<256x768xf32, #tpu.memory_space<hbm>>) dst(%arg6 : memref<56x768xf32, #tpu.memory_space<vmem>>)
      %add3A_26 = arith.addi %mul3A_2, %mul3A_16 : i32
      "tpu.region"() ({
        %run_scoped3A = tpu.sem_alloc : memref<!tpu.dma_semaphore, #tpu.memory_space<semaphore_mem>>
        %dma_start3A_38 = arith.constant 0 : i32
        %dma_start3A_39 = tpu.memref_slice %arg4[%add3A_26, %dma_start3A_38] : memref<78848x768xf32, #tpu.memory_space<hbm>> -> memref<56x768xf32, #tpu.memory_space<hbm>>
        %dma_start3A_40 = arith.constant 0 : i32
        %dma_start3A_41 = tpu.memref_slice %arg4[%add3A_26, %dma_start3A_40] : memref<78848x768xf32, #tpu.memory_space<hbm>> -> memref<56x768xf32, #tpu.memory_space<hbm>>
        tpu.enqueue_dma source(%arg6 : memref<56x768xf32, #tpu.memory_space<vmem>>) target(%dma_start3A_41 : memref<56x768xf32, #tpu.memory_space<hbm>>) target_semaphore(%run_scoped3A : memref<!tpu.dma_semaphore, #tpu.memory_space<semaphore_mem>>)
        %dma_wait3A_42 = arith.constant 0 : i32
        %dma_wait3A_43 = tpu.memref_slice %arg4[%add3A_26, %dma_wait3A_42] : memref<78848x768xf32, #tpu.memory_space<hbm>> -> memref<56x768xf32, #tpu.memory_space<hbm>>
        %dma_wait3A_44 = arith.constant 0 : i32
        %dma_wait3A_45 = tpu.memref_slice %arg4[%add3A_26, %dma_wait3A_44] : memref<78848x768xf32, #tpu.memory_space<hbm>> -> memref<56x768xf32, #tpu.memory_space<hbm>>
        tpu.wait_dma2 semaphore(%run_scoped3A : memref<!tpu.dma_semaphore, #tpu.memory_space<semaphore_mem>>) src(%arg6 : memref<56x768xf32, #tpu.memory_space<vmem>>) dst(%dma_wait3A_45 : memref<56x768xf32, #tpu.memory_space<hbm>>)
        tpu.yield
      }) : () -> ()
      %lt3A = arith.constant 21 : i32
      %lt3A_27 = arith.cmpi slt, %scan3A_12, %lt3A : i32
      %convert_element_type3A = arith.extui %lt3A_27 : i1 to i32
      %cond3A = arith.constant 0 : i32
      %cond3A_28 = arith.cmpi ne, %convert_element_type3A, %cond3A : i32
      scf.if %cond3A_28 {
        %add3A_38 = arith.constant 112 : i32
        %add3A_39 = arith.addi %mul3A_16, %add3A_38 : i32
        %dma_start3A_40 = tpu.memref_slice %arg5[%add3A_39] : memref<2464xi32, #tpu.memory_space<vmem>> -> memref<56xi32, #tpu.memory_space<vmem>>
        %dma_start3A_41 = arith.constant 0 : i32
        %dma_start3A_42 = arith.constant 0 : i32
        %dma_start3A_43 = tpu.memref_slice %arg3[%dma_start3A_41, %dma_start3A_42] : memref<256x768xf32, #tpu.memory_space<hbm>> -> memref<256x768xf32, #tpu.memory_space<hbm>>
        tpu.enqueue_indirect_dma source(%dma_start3A_43 : memref<256x768xf32, #tpu.memory_space<hbm>>) target(%arg6 : memref<56x768xf32, #tpu.memory_space<vmem>>) offsets(%dma_start3A_40 : memref<56xi32, #tpu.memory_space<vmem>>) semaphore(%arg8 : memref<!tpu.dma_semaphore, #tpu.memory_space<semaphore_mem>>)
      } else {
      }
      %add3A_29 = arith.constant 56 : i32
      %add3A_30 = arith.addi %mul3A_16, %add3A_29 : i32
      %dma_wait3A_31 = tpu.memref_slice %arg5[%add3A_30] : memref<2464xi32, #tpu.memory_space<vmem>> -> memref<56xi32, #tpu.memory_space<vmem>>
      %dma_wait3A_32 = arith.constant 0 : i32
      %dma_wait3A_33 = arith.constant 0 : i32
      %dma_wait3A_34 = tpu.memref_slice %arg3[%dma_wait3A_32, %dma_wait3A_33] : memref<256x768xf32, #tpu.memory_space<hbm>> -> memref<256x768xf32, #tpu.memory_space<hbm>>
      tpu.wait_indirect_dma semaphore(%arg9 : memref<!tpu.dma_semaphore, #tpu.memory_space<semaphore_mem>>) src(%dma_wait3A_34 : memref<256x768xf32, #tpu.memory_space<hbm>>) dst(%arg7 : memref<56x768xf32, #tpu.memory_space<vmem>>)
      %add3A_35 = arith.addi %mul3A_2, %mul3A_16 : i32
      %add3A_36 = arith.constant 56 : i32
      %add3A_37 = arith.addi %add3A_35, %add3A_36 : i32
      "tpu.region"() ({
        %run_scoped3A = tpu.sem_alloc : memref<!tpu.dma_semaphore, #tpu.memory_space<semaphore_mem>>
        %dma_start3A_38 = arith.constant 0 : i32
        %dma_start3A_39 = tpu.memref_slice %arg4[%add3A_37, %dma_start3A_38] : memref<78848x768xf32, #tpu.memory_space<hbm>> -> memref<56x768xf32, #tpu.memory_space<hbm>>
        %dma_start3A_40 = arith.constant 0 : i32
        %dma_start3A_41 = tpu.memref_slice %arg4[%add3A_37, %dma_start3A_40] : memref<78848x768xf32, #tpu.memory_space<hbm>> -> memref<56x768xf32, #tpu.memory_space<hbm>>
        tpu.enqueue_dma source(%arg7 : memref<56x768xf32, #tpu.memory_space<vmem>>) target(%dma_start3A_41 : memref<56x768xf32, #tpu.memory_space<hbm>>) target_semaphore(%run_scoped3A : memref<!tpu.dma_semaphore, #tpu.memory_space<semaphore_mem>>)
        %dma_wait3A_42 = arith.constant 0 : i32
        %dma_wait3A_43 = tpu.memref_slice %arg4[%add3A_37, %dma_wait3A_42] : memref<78848x768xf32, #tpu.memory_space<hbm>> -> memref<56x768xf32, #tpu.memory_space<hbm>>
        %dma_wait3A_44 = arith.constant 0 : i32
        %dma_wait3A_45 = tpu.memref_slice %arg4[%add3A_37, %dma_wait3A_44] : memref<78848x768xf32, #tpu.memory_space<hbm>> -> memref<56x768xf32, #tpu.memory_space<hbm>>
        tpu.wait_dma2 semaphore(%run_scoped3A : memref<!tpu.dma_semaphore, #tpu.memory_space<semaphore_mem>>) src(%arg7 : memref<56x768xf32, #tpu.memory_space<vmem>>) dst(%dma_wait3A_45 : memref<56x768xf32, #tpu.memory_space<hbm>>)
        tpu.yield
      }) : () -> ()
    }
    %scan3A_11 = arith.constant 22 : i32
    return
  }
}

module attributes {stable_mosaic.version = 14 : i64} {
  func.func @body(%arg0: i32, %arg1: memref<4096x77x768xf32, #tpu.memory_space<any>>, %arg2: memref<1232x768xf32, #tpu.memory_space<vmem>>, %arg3: memref<16x77x768xf32, #tpu.memory_space<vmem>>) attributes {dimension_semantics = [#tpu.dimension_semantics<arbitrary>], iteration_bounds = array<i64: 64>, scalar_prefetch = 0 : i64, scratch_operands = 0 : i64, tpu.core_type = #tpu.core_type<tc>, window_params = [{}, {transform_indices = @transform_1, window_bounds = array<i64: 1232, 768>}, {transform_indices = @transform_2, window_bounds = array<i64: 16, 77, 768>}]} {
    %get3A = arith.constant 0 : index
    %get3A_0 = arith.constant 0 : index
    %get3A_1 = vector.load %arg2[%get3A, %get3A_0] : memref<1232x768xf32, #tpu.memory_space<vmem>>, vector<77x768xf32>
    %swap3A = arith.constant 0 : index
    %swap3A_2 = arith.constant 0 : index
    %swap3A_3 = arith.constant 0 : index
    %swap3A_4 = vector.load %arg3[%swap3A, %swap3A_2, %swap3A_3] : memref<16x77x768xf32, #tpu.memory_space<vmem>>, vector<1x77x768xf32>
    %swap3A_5 = vector.shape_cast %swap3A_4 : vector<1x77x768xf32> to vector<77x768xf32>
    %swap3A_6 = vector.shape_cast %get3A_1 : vector<77x768xf32> to vector<1x77x768xf32>
    tpu.vector_store %arg3[%swap3A, %swap3A_2, %swap3A_3], %swap3A_6 {strides = array<i32>} : memref<16x77x768xf32, #tpu.memory_space<vmem>>, vector<1x77x768xf32>,
    %get3A_7 = arith.constant 77 : index
    %get3A_8 = arith.constant 0 : index
    %get3A_9 = vector.load %arg2[%get3A_7, %get3A_8] : memref<1232x768xf32, #tpu.memory_space<vmem>>, vector<77x768xf32>
    %swap3A_10 = arith.constant 1 : index
    %swap3A_11 = arith.constant 0 : index
    %swap3A_12 = arith.constant 0 : index
    %swap3A_13 = vector.load %arg3[%swap3A_10, %swap3A_11, %swap3A_12] : memref<16x77x768xf32, #tpu.memory_space<vmem>>, vector<1x77x768xf32>
    %swap3A_14 = vector.shape_cast %swap3A_13 : vector<1x77x768xf32> to vector<77x768xf32>
    %swap3A_15 = vector.shape_cast %get3A_9 : vector<77x768xf32> to vector<1x77x768xf32>
    tpu.vector_store %arg3[%swap3A_10, %swap3A_11, %swap3A_12], %swap3A_15 {strides = array<i32>} : memref<16x77x768xf32, #tpu.memory_space<vmem>>, vector<1x77x768xf32>,
    %get3A_16 = arith.constant 154 : index
    %get3A_17 = arith.constant 0 : index
    %get3A_18 = vector.load %arg2[%get3A_16, %get3A_17] : memref<1232x768xf32, #tpu.memory_space<vmem>>, vector<77x768xf32>
    %swap3A_19 = arith.constant 2 : index
    %swap3A_20 = arith.constant 0 : index
    %swap3A_21 = arith.constant 0 : index
    %swap3A_22 = vector.load %arg3[%swap3A_19, %swap3A_20, %swap3A_21] : memref<16x77x768xf32, #tpu.memory_space<vmem>>, vector<1x77x768xf32>
    %swap3A_23 = vector.shape_cast %swap3A_22 : vector<1x77x768xf32> to vector<77x768xf32>
    %swap3A_24 = vector.shape_cast %get3A_18 : vector<77x768xf32> to vector<1x77x768xf32>
    tpu.vector_store %arg3[%swap3A_19, %swap3A_20, %swap3A_21], %swap3A_24 {strides = array<i32>} : memref<16x77x768xf32, #tpu.memory_space<vmem>>, vector<1x77x768xf32>,
    %get3A_25 = arith.constant 231 : index
    %get3A_26 = arith.constant 0 : index
    %get3A_27 = vector.load %arg2[%get3A_25, %get3A_26] : memref<1232x768xf32, #tpu.memory_space<vmem>>, vector<77x768xf32>
    %swap3A_28 = arith.constant 3 : index
    %swap3A_29 = arith.constant 0 : index
    %swap3A_30 = arith.constant 0 : index
    %swap3A_31 = vector.load %arg3[%swap3A_28, %swap3A_29, %swap3A_30] : memref<16x77x768xf32, #tpu.memory_space<vmem>>, vector<1x77x768xf32>
    %swap3A_32 = vector.shape_cast %swap3A_31 : vector<1x77x768xf32> to vector<77x768xf32>
    %swap3A_33 = vector.shape_cast %get3A_27 : vector<77x768xf32> to vector<1x77x768xf32>
    tpu.vector_store %arg3[%swap3A_28, %swap3A_29, %swap3A_30], %swap3A_33 {strides = array<i32>} : memref<16x77x768xf32, #tpu.memory_space<vmem>>, vector<1x77x768xf32>,
    %get3A_34 = arith.constant 308 : index
    %get3A_35 = arith.constant 0 : index
    %get3A_36 = vector.load %arg2[%get3A_34, %get3A_35] : memref<1232x768xf32, #tpu.memory_space<vmem>>, vector<77x768xf32>
    %swap3A_37 = arith.constant 4 : index
    %swap3A_38 = arith.constant 0 : index
    %swap3A_39 = arith.constant 0 : index
    %swap3A_40 = vector.load %arg3[%swap3A_37, %swap3A_38, %swap3A_39] : memref<16x77x768xf32, #tpu.memory_space<vmem>>, vector<1x77x768xf32>
    %swap3A_41 = vector.shape_cast %swap3A_40 : vector<1x77x768xf32> to vector<77x768xf32>
    %swap3A_42 = vector.shape_cast %get3A_36 : vector<77x768xf32> to vector<1x77x768xf32>
    tpu.vector_store %arg3[%swap3A_37, %swap3A_38, %swap3A_39], %swap3A_42 {strides = array<i32>} : memref<16x77x768xf32, #tpu.memory_space<vmem>>, vector<1x77x768xf32>,
    %get3A_43 = arith.constant 385 : index
    %get3A_44 = arith.constant 0 : index
    %get3A_45 = vector.load %arg2[%get3A_43, %get3A_44] : memref<1232x768xf32, #tpu.memory_space<vmem>>, vector<77x768xf32>
    %swap3A_46 = arith.constant 5 : index
    %swap3A_47 = arith.constant 0 : index
    %swap3A_48 = arith.constant 0 : index
    %swap3A_49 = vector.load %arg3[%swap3A_46, %swap3A_47, %swap3A_48] : memref<16x77x768xf32, #tpu.memory_space<vmem>>, vector<1x77x768xf32>
    %swap3A_50 = vector.shape_cast %swap3A_49 : vector<1x77x768xf32> to vector<77x768xf32>
    %swap3A_51 = vector.shape_cast %get3A_45 : vector<77x768xf32> to vector<1x77x768xf32>
    tpu.vector_store %arg3[%swap3A_46, %swap3A_47, %swap3A_48], %swap3A_51 {strides = array<i32>} : memref<16x77x768xf32, #tpu.memory_space<vmem>>, vector<1x77x768xf32>,
    %get3A_52 = arith.constant 462 : index
    %get3A_53 = arith.constant 0 : index
    %get3A_54 = vector.load %arg2[%get3A_52, %get3A_53] : memref<1232x768xf32, #tpu.memory_space<vmem>>, vector<77x768xf32>
    %swap3A_55 = arith.constant 6 : index
    %swap3A_56 = arith.constant 0 : index
    %swap3A_57 = arith.constant 0 : index
    %swap3A_58 = vector.load %arg3[%swap3A_55, %swap3A_56, %swap3A_57] : memref<16x77x768xf32, #tpu.memory_space<vmem>>, vector<1x77x768xf32>
    %swap3A_59 = vector.shape_cast %swap3A_58 : vector<1x77x768xf32> to vector<77x768xf32>
    %swap3A_60 = vector.shape_cast %get3A_54 : vector<77x768xf32> to vector<1x77x768xf32>
    tpu.vector_store %arg3[%swap3A_55, %swap3A_56, %swap3A_57], %swap3A_60 {strides = array<i32>} : memref<16x77x768xf32, #tpu.memory_space<vmem>>, vector<1x77x768xf32>,
    %get3A_61 = arith.constant 539 : index
    %get3A_62 = arith.constant 0 : index
    %get3A_63 = vector.load %arg2[%get3A_61, %get3A_62] : memref<1232x768xf32, #tpu.memory_space<vmem>>, vector<77x768xf32>
    %swap3A_64 = arith.constant 7 : index
    %swap3A_65 = arith.constant 0 : index
    %swap3A_66 = arith.constant 0 : index
    %swap3A_67 = vector.load %arg3[%swap3A_64, %swap3A_65, %swap3A_66] : memref<16x77x768xf32, #tpu.memory_space<vmem>>, vector<1x77x768xf32>
    %swap3A_68 = vector.shape_cast %swap3A_67 : vector<1x77x768xf32> to vector<77x768xf32>
    %swap3A_69 = vector.shape_cast %get3A_63 : vector<77x768xf32> to vector<1x77x768xf32>
    tpu.vector_store %arg3[%swap3A_64, %swap3A_65, %swap3A_66], %swap3A_69 {strides = array<i32>} : memref<16x77x768xf32, #tpu.memory_space<vmem>>, vector<1x77x768xf32>,
    %get3A_70 = arith.constant 616 : index
    %get3A_71 = arith.constant 0 : index
    %get3A_72 = vector.load %arg2[%get3A_70, %get3A_71] : memref<1232x768xf32, #tpu.memory_space<vmem>>, vector<77x768xf32>
    %swap3A_73 = arith.constant 8 : index
    %swap3A_74 = arith.constant 0 : index
    %swap3A_75 = arith.constant 0 : index
    %swap3A_76 = vector.load %arg3[%swap3A_73, %swap3A_74, %swap3A_75] : memref<16x77x768xf32, #tpu.memory_space<vmem>>, vector<1x77x768xf32>
    %swap3A_77 = vector.shape_cast %swap3A_76 : vector<1x77x768xf32> to vector<77x768xf32>
    %swap3A_78 = vector.shape_cast %get3A_72 : vector<77x768xf32> to vector<1x77x768xf32>
    tpu.vector_store %arg3[%swap3A_73, %swap3A_74, %swap3A_75], %swap3A_78 {strides = array<i32>} : memref<16x77x768xf32, #tpu.memory_space<vmem>>, vector<1x77x768xf32>,
    %get3A_79 = arith.constant 693 : index
    %get3A_80 = arith.constant 0 : index
    %get3A_81 = vector.load %arg2[%get3A_79, %get3A_80] : memref<1232x768xf32, #tpu.memory_space<vmem>>, vector<77x768xf32>
    %swap3A_82 = arith.constant 9 : index
    %swap3A_83 = arith.constant 0 : index
    %swap3A_84 = arith.constant 0 : index
    %swap3A_85 = vector.load %arg3[%swap3A_82, %swap3A_83, %swap3A_84] : memref<16x77x768xf32, #tpu.memory_space<vmem>>, vector<1x77x768xf32>
    %swap3A_86 = vector.shape_cast %swap3A_85 : vector<1x77x768xf32> to vector<77x768xf32>
    %swap3A_87 = vector.shape_cast %get3A_81 : vector<77x768xf32> to vector<1x77x768xf32>
    tpu.vector_store %arg3[%swap3A_82, %swap3A_83, %swap3A_84], %swap3A_87 {strides = array<i32>} : memref<16x77x768xf32, #tpu.memory_space<vmem>>, vector<1x77x768xf32>,
    %get3A_88 = arith.constant 770 : index
    %get3A_89 = arith.constant 0 : index
    %get3A_90 = vector.load %arg2[%get3A_88, %get3A_89] : memref<1232x768xf32, #tpu.memory_space<vmem>>, vector<77x768xf32>
    %swap3A_91 = arith.constant 10 : index
    %swap3A_92 = arith.constant 0 : index
    %swap3A_93 = arith.constant 0 : index
    %swap3A_94 = vector.load %arg3[%swap3A_91, %swap3A_92, %swap3A_93] : memref<16x77x768xf32, #tpu.memory_space<vmem>>, vector<1x77x768xf32>
    %swap3A_95 = vector.shape_cast %swap3A_94 : vector<1x77x768xf32> to vector<77x768xf32>
    %swap3A_96 = vector.shape_cast %get3A_90 : vector<77x768xf32> to vector<1x77x768xf32>
    tpu.vector_store %arg3[%swap3A_91, %swap3A_92, %swap3A_93], %swap3A_96 {strides = array<i32>} : memref<16x77x768xf32, #tpu.memory_space<vmem>>, vector<1x77x768xf32>,
    %get3A_97 = arith.constant 847 : index
    %get3A_98 = arith.constant 0 : index
    %get3A_99 = vector.load %arg2[%get3A_97, %get3A_98] : memref<1232x768xf32, #tpu.memory_space<vmem>>, vector<77x768xf32>
    %swap3A_100 = arith.constant 11 : index
    %swap3A_101 = arith.constant 0 : index
    %swap3A_102 = arith.constant 0 : index
    %swap3A_103 = vector.load %arg3[%swap3A_100, %swap3A_101, %swap3A_102] : memref<16x77x768xf32, #tpu.memory_space<vmem>>, vector<1x77x768xf32>
    %swap3A_104 = vector.shape_cast %swap3A_103 : vector<1x77x768xf32> to vector<77x768xf32>
    %swap3A_105 = vector.shape_cast %get3A_99 : vector<77x768xf32> to vector<1x77x768xf32>
    tpu.vector_store %arg3[%swap3A_100, %swap3A_101, %swap3A_102], %swap3A_105 {strides = array<i32>} : memref<16x77x768xf32, #tpu.memory_space<vmem>>, vector<1x77x768xf32>,
    %get3A_106 = arith.constant 924 : index
    %get3A_107 = arith.constant 0 : index
    %get3A_108 = vector.load %arg2[%get3A_106, %get3A_107] : memref<1232x768xf32, #tpu.memory_space<vmem>>, vector<77x768xf32>
    %swap3A_109 = arith.constant 12 : index
    %swap3A_110 = arith.constant 0 : index
    %swap3A_111 = arith.constant 0 : index
    %swap3A_112 = vector.load %arg3[%swap3A_109, %swap3A_110, %swap3A_111] : memref<16x77x768xf32, #tpu.memory_space<vmem>>, vector<1x77x768xf32>
    %swap3A_113 = vector.shape_cast %swap3A_112 : vector<1x77x768xf32> to vector<77x768xf32>
    %swap3A_114 = vector.shape_cast %get3A_108 : vector<77x768xf32> to vector<1x77x768xf32>
    tpu.vector_store %arg3[%swap3A_109, %swap3A_110, %swap3A_111], %swap3A_114 {strides = array<i32>} : memref<16x77x768xf32, #tpu.memory_space<vmem>>, vector<1x77x768xf32>,
    %get3A_115 = arith.constant 1001 : index
    %get3A_116 = arith.constant 0 : index
    %get3A_117 = vector.load %arg2[%get3A_115, %get3A_116] : memref<1232x768xf32, #tpu.memory_space<vmem>>, vector<77x768xf32>
    %swap3A_118 = arith.constant 13 : index
    %swap3A_119 = arith.constant 0 : index
    %swap3A_120 = arith.constant 0 : index
    %swap3A_121 = vector.load %arg3[%swap3A_118, %swap3A_119, %swap3A_120] : memref<16x77x768xf32, #tpu.memory_space<vmem>>, vector<1x77x768xf32>
    %swap3A_122 = vector.shape_cast %swap3A_121 : vector<1x77x768xf32> to vector<77x768xf32>
    %swap3A_123 = vector.shape_cast %get3A_117 : vector<77x768xf32> to vector<1x77x768xf32>
    tpu.vector_store %arg3[%swap3A_118, %swap3A_119, %swap3A_120], %swap3A_123 {strides = array<i32>} : memref<16x77x768xf32, #tpu.memory_space<vmem>>, vector<1x77x768xf32>,
    %get3A_124 = arith.constant 1078 : index
    %get3A_125 = arith.constant 0 : index
    %get3A_126 = vector.load %arg2[%get3A_124, %get3A_125] : memref<1232x768xf32, #tpu.memory_space<vmem>>, vector<77x768xf32>
    %swap3A_127 = arith.constant 14 : index
    %swap3A_128 = arith.constant 0 : index
    %swap3A_129 = arith.constant 0 : index
    %swap3A_130 = vector.load %arg3[%swap3A_127, %swap3A_128, %swap3A_129] : memref<16x77x768xf32, #tpu.memory_space<vmem>>, vector<1x77x768xf32>
    %swap3A_131 = vector.shape_cast %swap3A_130 : vector<1x77x768xf32> to vector<77x768xf32>
    %swap3A_132 = vector.shape_cast %get3A_126 : vector<77x768xf32> to vector<1x77x768xf32>
    tpu.vector_store %arg3[%swap3A_127, %swap3A_128, %swap3A_129], %swap3A_132 {strides = array<i32>} : memref<16x77x768xf32, #tpu.memory_space<vmem>>, vector<1x77x768xf32>,
    %get3A_133 = arith.constant 1155 : index
    %get3A_134 = arith.constant 0 : index
    %get3A_135 = vector.load %arg2[%get3A_133, %get3A_134] : memref<1232x768xf32, #tpu.memory_space<vmem>>, vector<77x768xf32>
    %swap3A_136 = arith.constant 15 : index
    %swap3A_137 = arith.constant 0 : index
    %swap3A_138 = arith.constant 0 : index
    %swap3A_139 = vector.load %arg3[%swap3A_136, %swap3A_137, %swap3A_138] : memref<16x77x768xf32, #tpu.memory_space<vmem>>, vector<1x77x768xf32>
    %swap3A_140 = vector.shape_cast %swap3A_139 : vector<1x77x768xf32> to vector<77x768xf32>
    %swap3A_141 = vector.shape_cast %get3A_135 : vector<77x768xf32> to vector<1x77x768xf32>
    tpu.vector_store %arg3[%swap3A_136, %swap3A_137, %swap3A_138], %swap3A_141 {strides = array<i32>} : memref<16x77x768xf32, #tpu.memory_space<vmem>>, vector<1x77x768xf32>,
    return
  }
  func.func @transform_1(%arg0: i32) -> (i32, i32) {
    %c0_i32 = arith.constant 0 : i32
    %c0_i32_0 = arith.constant 0 : i32
    return %arg0, %c0_i32 : i32, i32
  }
  func.func @transform_2(%arg0: i32) -> (i32, i32, i32) {
    %add3A = arith.constant 64 : i32
    %add3A_0 = arith.addi %add3A, %arg0 : i32
    %c0_i32 = arith.constant 0 : i32
    %c0_i32_1 = arith.constant 0 : i32
    %c0_i32_2 = arith.constant 0 : i32
    return %add3A_0, %c0_i32, %c0_i32_1 : i32, i32, i32
  }
}

module attributes {stable_mosaic.version = 14 : i64} {
  func.func @body(%arg0: i32, %arg1: memref<1232x768xf32, #tpu.memory_space<vmem>>, %arg2: memref<16x77x768xf32, #tpu.memory_space<vmem>>) attributes {dimension_semantics = [#tpu.dimension_semantics<arbitrary>], iteration_bounds = array<i64: 64>, scalar_prefetch = 0 : i64, scratch_operands = 0 : i64, tpu.core_type = #tpu.core_type<tc>, window_params = [{transform_indices = @transform_0, window_bounds = array<i64: 1232, 768>}, {transform_indices = @transform_1, window_bounds = array<i64: 16, 77, 768>}]} {
    %get3A = arith.constant 0 : index
    %get3A_0 = arith.constant 0 : index
    %get3A_1 = vector.load %arg1[%get3A, %get3A_0] : memref<1232x768xf32, #tpu.memory_space<vmem>>, vector<77x768xf32>
    %swap3A = arith.constant 0 : index
    %swap3A_2 = arith.constant 0 : index
    %swap3A_3 = arith.constant 0 : index
    %swap3A_4 = vector.load %arg2[%swap3A, %swap3A_2, %swap3A_3] : memref<16x77x768xf32, #tpu.memory_space<vmem>>, vector<1x77x768xf32>
    %swap3A_5 = vector.shape_cast %swap3A_4 : vector<1x77x768xf32> to vector<77x768xf32>
    %swap3A_6 = vector.shape_cast %get3A_1 : vector<77x768xf32> to vector<1x77x768xf32>
    tpu.vector_store %arg2[%swap3A, %swap3A_2, %swap3A_3], %swap3A_6 {strides = array<i32>} : memref<16x77x768xf32, #tpu.memory_space<vmem>>, vector<1x77x768xf32>,
    %get3A_7 = arith.constant 77 : index
    %get3A_8 = arith.constant 0 : index
    %get3A_9 = vector.load %arg1[%get3A_7, %get3A_8] : memref<1232x768xf32, #tpu.memory_space<vmem>>, vector<77x768xf32>
    %swap3A_10 = arith.constant 1 : index
    %swap3A_11 = arith.constant 0 : index
    %swap3A_12 = arith.constant 0 : index
    %swap3A_13 = vector.load %arg2[%swap3A_10, %swap3A_11, %swap3A_12] : memref<16x77x768xf32, #tpu.memory_space<vmem>>, vector<1x77x768xf32>
    %swap3A_14 = vector.shape_cast %swap3A_13 : vector<1x77x768xf32> to vector<77x768xf32>
    %swap3A_15 = vector.shape_cast %get3A_9 : vector<77x768xf32> to vector<1x77x768xf32>
    tpu.vector_store %arg2[%swap3A_10, %swap3A_11, %swap3A_12], %swap3A_15 {strides = array<i32>} : memref<16x77x768xf32, #tpu.memory_space<vmem>>, vector<1x77x768xf32>,
    %get3A_16 = arith.constant 154 : index
    %get3A_17 = arith.constant 0 : index
    %get3A_18 = vector.load %arg1[%get3A_16, %get3A_17] : memref<1232x768xf32, #tpu.memory_space<vmem>>, vector<77x768xf32>
    %swap3A_19 = arith.constant 2 : index
    %swap3A_20 = arith.constant 0 : index
    %swap3A_21 = arith.constant 0 : index
    %swap3A_22 = vector.load %arg2[%swap3A_19, %swap3A_20, %swap3A_21] : memref<16x77x768xf32, #tpu.memory_space<vmem>>, vector<1x77x768xf32>
    %swap3A_23 = vector.shape_cast %swap3A_22 : vector<1x77x768xf32> to vector<77x768xf32>
    %swap3A_24 = vector.shape_cast %get3A_18 : vector<77x768xf32> to vector<1x77x768xf32>
    tpu.vector_store %arg2[%swap3A_19, %swap3A_20, %swap3A_21], %swap3A_24 {strides = array<i32>} : memref<16x77x768xf32, #tpu.memory_space<vmem>>, vector<1x77x768xf32>,
    %get3A_25 = arith.constant 231 : index
    %get3A_26 = arith.constant 0 : index
    %get3A_27 = vector.load %arg1[%get3A_25, %get3A_26] : memref<1232x768xf32, #tpu.memory_space<vmem>>, vector<77x768xf32>
    %swap3A_28 = arith.constant 3 : index
    %swap3A_29 = arith.constant 0 : index
    %swap3A_30 = arith.constant 0 : index
    %swap3A_31 = vector.load %arg2[%swap3A_28, %swap3A_29, %swap3A_30] : memref<16x77x768xf32, #tpu.memory_space<vmem>>, vector<1x77x768xf32>
    %swap3A_32 = vector.shape_cast %swap3A_31 : vector<1x77x768xf32> to vector<77x768xf32>
    %swap3A_33 = vector.shape_cast %get3A_27 : vector<77x768xf32> to vector<1x77x768xf32>
    tpu.vector_store %arg2[%swap3A_28, %swap3A_29, %swap3A_30], %swap3A_33 {strides = array<i32>} : memref<16x77x768xf32, #tpu.memory_space<vmem>>, vector<1x77x768xf32>,
    %get3A_34 = arith.constant 308 : index
    %get3A_35 = arith.constant 0 : index
    %get3A_36 = vector.load %arg1[%get3A_34, %get3A_35] : memref<1232x768xf32, #tpu.memory_space<vmem>>, vector<77x768xf32>
    %swap3A_37 = arith.constant 4 : index
    %swap3A_38 = arith.constant 0 : index
    %swap3A_39 = arith.constant 0 : index
    %swap3A_40 = vector.load %arg2[%swap3A_37, %swap3A_38, %swap3A_39] : memref<16x77x768xf32, #tpu.memory_space<vmem>>, vector<1x77x768xf32>
    %swap3A_41 = vector.shape_cast %swap3A_40 : vector<1x77x768xf32> to vector<77x768xf32>
    %swap3A_42 = vector.shape_cast %get3A_36 : vector<77x768xf32> to vector<1x77x768xf32>
    tpu.vector_store %arg2[%swap3A_37, %swap3A_38, %swap3A_39], %swap3A_42 {strides = array<i32>} : memref<16x77x768xf32, #tpu.memory_space<vmem>>, vector<1x77x768xf32>,
    %get3A_43 = arith.constant 385 : index
    %get3A_44 = arith.constant 0 : index
    %get3A_45 = vector.load %arg1[%get3A_43, %get3A_44] : memref<1232x768xf32, #tpu.memory_space<vmem>>, vector<77x768xf32>
    %swap3A_46 = arith.constant 5 : index
    %swap3A_47 = arith.constant 0 : index
    %swap3A_48 = arith.constant 0 : index
    %swap3A_49 = vector.load %arg2[%swap3A_46, %swap3A_47, %swap3A_48] : memref<16x77x768xf32, #tpu.memory_space<vmem>>, vector<1x77x768xf32>
    %swap3A_50 = vector.shape_cast %swap3A_49 : vector<1x77x768xf32> to vector<77x768xf32>
    %swap3A_51 = vector.shape_cast %get3A_45 : vector<77x768xf32> to vector<1x77x768xf32>
    tpu.vector_store %arg2[%swap3A_46, %swap3A_47, %swap3A_48], %swap3A_51 {strides = array<i32>} : memref<16x77x768xf32, #tpu.memory_space<vmem>>, vector<1x77x768xf32>,
    %get3A_52 = arith.constant 462 : index
    %get3A_53 = arith.constant 0 : index
    %get3A_54 = vector.load %arg1[%get3A_52, %get3A_53] : memref<1232x768xf32, #tpu.memory_space<vmem>>, vector<77x768xf32>
    %swap3A_55 = arith.constant 6 : index
    %swap3A_56 = arith.constant 0 : index
    %swap3A_57 = arith.constant 0 : index
    %swap3A_58 = vector.load %arg2[%swap3A_55, %swap3A_56, %swap3A_57] : memref<16x77x768xf32, #tpu.memory_space<vmem>>, vector<1x77x768xf32>
    %swap3A_59 = vector.shape_cast %swap3A_58 : vector<1x77x768xf32> to vector<77x768xf32>
    %swap3A_60 = vector.shape_cast %get3A_54 : vector<77x768xf32> to vector<1x77x768xf32>
    tpu.vector_store %arg2[%swap3A_55, %swap3A_56, %swap3A_57], %swap3A_60 {strides = array<i32>} : memref<16x77x768xf32, #tpu.memory_space<vmem>>, vector<1x77x768xf32>,
    %get3A_61 = arith.constant 539 : index
    %get3A_62 = arith.constant 0 : index
    %get3A_63 = vector.load %arg1[%get3A_61, %get3A_62] : memref<1232x768xf32, #tpu.memory_space<vmem>>, vector<77x768xf32>
    %swap3A_64 = arith.constant 7 : index
    %swap3A_65 = arith.constant 0 : index
    %swap3A_66 = arith.constant 0 : index
    %swap3A_67 = vector.load %arg2[%swap3A_64, %swap3A_65, %swap3A_66] : memref<16x77x768xf32, #tpu.memory_space<vmem>>, vector<1x77x768xf32>
    %swap3A_68 = vector.shape_cast %swap3A_67 : vector<1x77x768xf32> to vector<77x768xf32>
    %swap3A_69 = vector.shape_cast %get3A_63 : vector<77x768xf32> to vector<1x77x768xf32>
    tpu.vector_store %arg2[%swap3A_64, %swap3A_65, %swap3A_66], %swap3A_69 {strides = array<i32>} : memref<16x77x768xf32, #tpu.memory_space<vmem>>, vector<1x77x768xf32>,
    %get3A_70 = arith.constant 616 : index
    %get3A_71 = arith.constant 0 : index
    %get3A_72 = vector.load %arg1[%get3A_70, %get3A_71] : memref<1232x768xf32, #tpu.memory_space<vmem>>, vector<77x768xf32>
    %swap3A_73 = arith.constant 8 : index
    %swap3A_74 = arith.constant 0 : index
    %swap3A_75 = arith.constant 0 : index
    %swap3A_76 = vector.load %arg2[%swap3A_73, %swap3A_74, %swap3A_75] : memref<16x77x768xf32, #tpu.memory_space<vmem>>, vector<1x77x768xf32>
    %swap3A_77 = vector.shape_cast %swap3A_76 : vector<1x77x768xf32> to vector<77x768xf32>
    %swap3A_78 = vector.shape_cast %get3A_72 : vector<77x768xf32> to vector<1x77x768xf32>
    tpu.vector_store %arg2[%swap3A_73, %swap3A_74, %swap3A_75], %swap3A_78 {strides = array<i32>} : memref<16x77x768xf32, #tpu.memory_space<vmem>>, vector<1x77x768xf32>,
    %get3A_79 = arith.constant 693 : index
    %get3A_80 = arith.constant 0 : index
    %get3A_81 = vector.load %arg1[%get3A_79, %get3A_80] : memref<1232x768xf32, #tpu.memory_space<vmem>>, vector<77x768xf32>
    %swap3A_82 = arith.constant 9 : index
    %swap3A_83 = arith.constant 0 : index
    %swap3A_84 = arith.constant 0 : index
    %swap3A_85 = vector.load %arg2[%swap3A_82, %swap3A_83, %swap3A_84] : memref<16x77x768xf32, #tpu.memory_space<vmem>>, vector<1x77x768xf32>
    %swap3A_86 = vector.shape_cast %swap3A_85 : vector<1x77x768xf32> to vector<77x768xf32>
    %swap3A_87 = vector.shape_cast %get3A_81 : vector<77x768xf32> to vector<1x77x768xf32>
    tpu.vector_store %arg2[%swap3A_82, %swap3A_83, %swap3A_84], %swap3A_87 {strides = array<i32>} : memref<16x77x768xf32, #tpu.memory_space<vmem>>, vector<1x77x768xf32>,
    %get3A_88 = arith.constant 770 : index
    %get3A_89 = arith.constant 0 : index
    %get3A_90 = vector.load %arg1[%get3A_88, %get3A_89] : memref<1232x768xf32, #tpu.memory_space<vmem>>, vector<77x768xf32>
    %swap3A_91 = arith.constant 10 : index
    %swap3A_92 = arith.constant 0 : index
    %swap3A_93 = arith.constant 0 : index
    %swap3A_94 = vector.load %arg2[%swap3A_91, %swap3A_92, %swap3A_93] : memref<16x77x768xf32, #tpu.memory_space<vmem>>, vector<1x77x768xf32>
    %swap3A_95 = vector.shape_cast %swap3A_94 : vector<1x77x768xf32> to vector<77x768xf32>
    %swap3A_96 = vector.shape_cast %get3A_90 : vector<77x768xf32> to vector<1x77x768xf32>
    tpu.vector_store %arg2[%swap3A_91, %swap3A_92, %swap3A_93], %swap3A_96 {strides = array<i32>} : memref<16x77x768xf32, #tpu.memory_space<vmem>>, vector<1x77x768xf32>,
    %get3A_97 = arith.constant 847 : index
    %get3A_98 = arith.constant 0 : index
    %get3A_99 = vector.load %arg1[%get3A_97, %get3A_98] : memref<1232x768xf32, #tpu.memory_space<vmem>>, vector<77x768xf32>
    %swap3A_100 = arith.constant 11 : index
    %swap3A_101 = arith.constant 0 : index
    %swap3A_102 = arith.constant 0 : index
    %swap3A_103 = vector.load %arg2[%swap3A_100, %swap3A_101, %swap3A_102] : memref<16x77x768xf32, #tpu.memory_space<vmem>>, vector<1x77x768xf32>
    %swap3A_104 = vector.shape_cast %swap3A_103 : vector<1x77x768xf32> to vector<77x768xf32>
    %swap3A_105 = vector.shape_cast %get3A_99 : vector<77x768xf32> to vector<1x77x768xf32>
    tpu.vector_store %arg2[%swap3A_100, %swap3A_101, %swap3A_102], %swap3A_105 {strides = array<i32>} : memref<16x77x768xf32, #tpu.memory_space<vmem>>, vector<1x77x768xf32>,
    %get3A_106 = arith.constant 924 : index
    %get3A_107 = arith.constant 0 : index
    %get3A_108 = vector.load %arg1[%get3A_106, %get3A_107] : memref<1232x768xf32, #tpu.memory_space<vmem>>, vector<77x768xf32>
    %swap3A_109 = arith.constant 12 : index
    %swap3A_110 = arith.constant 0 : index
    %swap3A_111 = arith.constant 0 : index
    %swap3A_112 = vector.load %arg2[%swap3A_109, %swap3A_110, %swap3A_111] : memref<16x77x768xf32, #tpu.memory_space<vmem>>, vector<1x77x768xf32>
    %swap3A_113 = vector.shape_cast %swap3A_112 : vector<1x77x768xf32> to vector<77x768xf32>
    %swap3A_114 = vector.shape_cast %get3A_108 : vector<77x768xf32> to vector<1x77x768xf32>
    tpu.vector_store %arg2[%swap3A_109, %swap3A_110, %swap3A_111], %swap3A_114 {strides = array<i32>} : memref<16x77x768xf32, #tpu.memory_space<vmem>>, vector<1x77x768xf32>,
    %get3A_115 = arith.constant 1001 : index
    %get3A_116 = arith.constant 0 : index
    %get3A_117 = vector.load %arg1[%get3A_115, %get3A_116] : memref<1232x768xf32, #tpu.memory_space<vmem>>, vector<77x768xf32>
    %swap3A_118 = arith.constant 13 : index
    %swap3A_119 = arith.constant 0 : index
    %swap3A_120 = arith.constant 0 : index
    %swap3A_121 = vector.load %arg2[%swap3A_118, %swap3A_119, %swap3A_120] : memref<16x77x768xf32, #tpu.memory_space<vmem>>, vector<1x77x768xf32>
    %swap3A_122 = vector.shape_cast %swap3A_121 : vector<1x77x768xf32> to vector<77x768xf32>
    %swap3A_123 = vector.shape_cast %get3A_117 : vector<77x768xf32> to vector<1x77x768xf32>
    tpu.vector_store %arg2[%swap3A_118, %swap3A_119, %swap3A_120], %swap3A_123 {strides = array<i32>} : memref<16x77x768xf32, #tpu.memory_space<vmem>>, vector<1x77x768xf32>,
    %get3A_124 = arith.constant 1078 : index
    %get3A_125 = arith.constant 0 : index
    %get3A_126 = vector.load %arg1[%get3A_124, %get3A_125] : memref<1232x768xf32, #tpu.memory_space<vmem>>, vector<77x768xf32>
    %swap3A_127 = arith.constant 14 : index
    %swap3A_128 = arith.constant 0 : index
    %swap3A_129 = arith.constant 0 : index
    %swap3A_130 = vector.load %arg2[%swap3A_127, %swap3A_128, %swap3A_129] : memref<16x77x768xf32, #tpu.memory_space<vmem>>, vector<1x77x768xf32>
    %swap3A_131 = vector.shape_cast %swap3A_130 : vector<1x77x768xf32> to vector<77x768xf32>
    %swap3A_132 = vector.shape_cast %get3A_126 : vector<77x768xf32> to vector<1x77x768xf32>
    tpu.vector_store %arg2[%swap3A_127, %swap3A_128, %swap3A_129], %swap3A_132 {strides = array<i32>} : memref<16x77x768xf32, #tpu.memory_space<vmem>>, vector<1x77x768xf32>,
    %get3A_133 = arith.constant 1155 : index
    %get3A_134 = arith.constant 0 : index
    %get3A_135 = vector.load %arg1[%get3A_133, %get3A_134] : memref<1232x768xf32, #tpu.memory_space<vmem>>, vector<77x768xf32>
    %swap3A_136 = arith.constant 15 : index
    %swap3A_137 = arith.constant 0 : index
    %swap3A_138 = arith.constant 0 : index
    %swap3A_139 = vector.load %arg2[%swap3A_136, %swap3A_137, %swap3A_138] : memref<16x77x768xf32, #tpu.memory_space<vmem>>, vector<1x77x768xf32>
    %swap3A_140 = vector.shape_cast %swap3A_139 : vector<1x77x768xf32> to vector<77x768xf32>
    %swap3A_141 = vector.shape_cast %get3A_135 : vector<77x768xf32> to vector<1x77x768xf32>
    tpu.vector_store %arg2[%swap3A_136, %swap3A_137, %swap3A_138], %swap3A_141 {strides = array<i32>} : memref<16x77x768xf32, #tpu.memory_space<vmem>>, vector<1x77x768xf32>,
    return
  }
  func.func @transform_0(%arg0: i32) -> (i32, i32) {
    %c0_i32 = arith.constant 0 : i32
    %c0_i32_0 = arith.constant 0 : i32
    return %arg0, %c0_i32 : i32, i32
  }
  func.func @transform_1(%arg0: i32) -> (i32, i32, i32) {
    %add3A = arith.constant 0 : i32
    %add3A_0 = arith.addi %add3A, %arg0 : i32
    %c0_i32 = arith.constant 0 : i32
    %c0_i32_1 = arith.constant 0 : i32
    %c0_i32_2 = arith.constant 0 : i32
    return %add3A_0, %c0_i32, %c0_i32_1 : i32, i32, i32
  }
}

module attributes {stable_mosaic.version = 14 : i64} {
  func.func @body(%arg0: i32, %arg1: memref<4096x77x768xf32, #tpu.memory_space<any>>, %arg2: memref<1232x768xf32, #tpu.memory_space<vmem>>, %arg3: memref<16x77x768xf32, #tpu.memory_space<vmem>>) attributes {dimension_semantics = [#tpu.dimension_semantics<arbitrary>], iteration_bounds = array<i64: 64>, scalar_prefetch = 0 : i64, scratch_operands = 0 : i64, tpu.core_type = #tpu.core_type<tc>, window_params = [{}, {transform_indices = @transform_1, window_bounds = array<i64: 1232, 768>}, {transform_indices = @transform_2, window_bounds = array<i64: 16, 77, 768>}]} {
    %get3A = arith.constant 0 : index
    %get3A_0 = arith.constant 0 : index
    %get3A_1 = vector.load %arg2[%get3A, %get3A_0] : memref<1232x768xf32, #tpu.memory_space<vmem>>, vector<77x768xf32>
    %swap3A = arith.constant 0 : index
    %swap3A_2 = arith.constant 0 : index
    %swap3A_3 = arith.constant 0 : index
    %swap3A_4 = vector.load %arg3[%swap3A, %swap3A_2, %swap3A_3] : memref<16x77x768xf32, #tpu.memory_space<vmem>>, vector<1x77x768xf32>
    %swap3A_5 = vector.shape_cast %swap3A_4 : vector<1x77x768xf32> to vector<77x768xf32>
    %swap3A_6 = vector.shape_cast %get3A_1 : vector<77x768xf32> to vector<1x77x768xf32>
    tpu.vector_store %arg3[%swap3A, %swap3A_2, %swap3A_3], %swap3A_6 {strides = array<i32>} : memref<16x77x768xf32, #tpu.memory_space<vmem>>, vector<1x77x768xf32>,
    %get3A_7 = arith.constant 77 : index
    %get3A_8 = arith.constant 0 : index
    %get3A_9 = vector.load %arg2[%get3A_7, %get3A_8] : memref<1232x768xf32, #tpu.memory_space<vmem>>, vector<77x768xf32>
    %swap3A_10 = arith.constant 1 : index
    %swap3A_11 = arith.constant 0 : index
    %swap3A_12 = arith.constant 0 : index
    %swap3A_13 = vector.load %arg3[%swap3A_10, %swap3A_11, %swap3A_12] : memref<16x77x768xf32, #tpu.memory_space<vmem>>, vector<1x77x768xf32>
    %swap3A_14 = vector.shape_cast %swap3A_13 : vector<1x77x768xf32> to vector<77x768xf32>
    %swap3A_15 = vector.shape_cast %get3A_9 : vector<77x768xf32> to vector<1x77x768xf32>
    tpu.vector_store %arg3[%swap3A_10, %swap3A_11, %swap3A_12], %swap3A_15 {strides = array<i32>} : memref<16x77x768xf32, #tpu.memory_space<vmem>>, vector<1x77x768xf32>,
    %get3A_16 = arith.constant 154 : index
    %get3A_17 = arith.constant 0 : index
    %get3A_18 = vector.load %arg2[%get3A_16, %get3A_17] : memref<1232x768xf32, #tpu.memory_space<vmem>>, vector<77x768xf32>
    %swap3A_19 = arith.constant 2 : index
    %swap3A_20 = arith.constant 0 : index
    %swap3A_21 = arith.constant 0 : index
    %swap3A_22 = vector.load %arg3[%swap3A_19, %swap3A_20, %swap3A_21] : memref<16x77x768xf32, #tpu.memory_space<vmem>>, vector<1x77x768xf32>
    %swap3A_23 = vector.shape_cast %swap3A_22 : vector<1x77x768xf32> to vector<77x768xf32>
    %swap3A_24 = vector.shape_cast %get3A_18 : vector<77x768xf32> to vector<1x77x768xf32>
    tpu.vector_store %arg3[%swap3A_19, %swap3A_20, %swap3A_21], %swap3A_24 {strides = array<i32>} : memref<16x77x768xf32, #tpu.memory_space<vmem>>, vector<1x77x768xf32>,
    %get3A_25 = arith.constant 231 : index
    %get3A_26 = arith.constant 0 : index
    %get3A_27 = vector.load %arg2[%get3A_25, %get3A_26] : memref<1232x768xf32, #tpu.memory_space<vmem>>, vector<77x768xf32>
    %swap3A_28 = arith.constant 3 : index
    %swap3A_29 = arith.constant 0 : index
    %swap3A_30 = arith.constant 0 : index
    %swap3A_31 = vector.load %arg3[%swap3A_28, %swap3A_29, %swap3A_30] : memref<16x77x768xf32, #tpu.memory_space<vmem>>, vector<1x77x768xf32>
    %swap3A_32 = vector.shape_cast %swap3A_31 : vector<1x77x768xf32> to vector<77x768xf32>
    %swap3A_33 = vector.shape_cast %get3A_27 : vector<77x768xf32> to vector<1x77x768xf32>
    tpu.vector_store %arg3[%swap3A_28, %swap3A_29, %swap3A_30], %swap3A_33 {strides = array<i32>} : memref<16x77x768xf32, #tpu.memory_space<vmem>>, vector<1x77x768xf32>,
    %get3A_34 = arith.constant 308 : index
    %get3A_35 = arith.constant 0 : index
    %get3A_36 = vector.load %arg2[%get3A_34, %get3A_35] : memref<1232x768xf32, #tpu.memory_space<vmem>>, vector<77x768xf32>
    %swap3A_37 = arith.constant 4 : index
    %swap3A_38 = arith.constant 0 : index
    %swap3A_39 = arith.constant 0 : index
    %swap3A_40 = vector.load %arg3[%swap3A_37, %swap3A_38, %swap3A_39] : memref<16x77x768xf32, #tpu.memory_space<vmem>>, vector<1x77x768xf32>
    %swap3A_41 = vector.shape_cast %swap3A_40 : vector<1x77x768xf32> to vector<77x768xf32>
    %swap3A_42 = vector.shape_cast %get3A_36 : vector<77x768xf32> to vector<1x77x768xf32>
    tpu.vector_store %arg3[%swap3A_37, %swap3A_38, %swap3A_39], %swap3A_42 {strides = array<i32>} : memref<16x77x768xf32, #tpu.memory_space<vmem>>, vector<1x77x768xf32>,
    %get3A_43 = arith.constant 385 : index
    %get3A_44 = arith.constant 0 : index
    %get3A_45 = vector.load %arg2[%get3A_43, %get3A_44] : memref<1232x768xf32, #tpu.memory_space<vmem>>, vector<77x768xf32>
    %swap3A_46 = arith.constant 5 : index
    %swap3A_47 = arith.constant 0 : index
    %swap3A_48 = arith.constant 0 : index
    %swap3A_49 = vector.load %arg3[%swap3A_46, %swap3A_47, %swap3A_48] : memref<16x77x768xf32, #tpu.memory_space<vmem>>, vector<1x77x768xf32>
    %swap3A_50 = vector.shape_cast %swap3A_49 : vector<1x77x768xf32> to vector<77x768xf32>
    %swap3A_51 = vector.shape_cast %get3A_45 : vector<77x768xf32> to vector<1x77x768xf32>
    tpu.vector_store %arg3[%swap3A_46, %swap3A_47, %swap3A_48], %swap3A_51 {strides = array<i32>} : memref<16x77x768xf32, #tpu.memory_space<vmem>>, vector<1x77x768xf32>,
    %get3A_52 = arith.constant 462 : index
    %get3A_53 = arith.constant 0 : index
    %get3A_54 = vector.load %arg2[%get3A_52, %get3A_53] : memref<1232x768xf32, #tpu.memory_space<vmem>>, vector<77x768xf32>
    %swap3A_55 = arith.constant 6 : index
    %swap3A_56 = arith.constant 0 : index
    %swap3A_57 = arith.constant 0 : index
    %swap3A_58 = vector.load %arg3[%swap3A_55, %swap3A_56, %swap3A_57] : memref<16x77x768xf32, #tpu.memory_space<vmem>>, vector<1x77x768xf32>
    %swap3A_59 = vector.shape_cast %swap3A_58 : vector<1x77x768xf32> to vector<77x768xf32>
    %swap3A_60 = vector.shape_cast %get3A_54 : vector<77x768xf32> to vector<1x77x768xf32>
    tpu.vector_store %arg3[%swap3A_55, %swap3A_56, %swap3A_57], %swap3A_60 {strides = array<i32>} : memref<16x77x768xf32, #tpu.memory_space<vmem>>, vector<1x77x768xf32>,
    %get3A_61 = arith.constant 539 : index
    %get3A_62 = arith.constant 0 : index
    %get3A_63 = vector.load %arg2[%get3A_61, %get3A_62] : memref<1232x768xf32, #tpu.memory_space<vmem>>, vector<77x768xf32>
    %swap3A_64 = arith.constant 7 : index
    %swap3A_65 = arith.constant 0 : index
    %swap3A_66 = arith.constant 0 : index
    %swap3A_67 = vector.load %arg3[%swap3A_64, %swap3A_65, %swap3A_66] : memref<16x77x768xf32, #tpu.memory_space<vmem>>, vector<1x77x768xf32>
    %swap3A_68 = vector.shape_cast %swap3A_67 : vector<1x77x768xf32> to vector<77x768xf32>
    %swap3A_69 = vector.shape_cast %get3A_63 : vector<77x768xf32> to vector<1x77x768xf32>
    tpu.vector_store %arg3[%swap3A_64, %swap3A_65, %swap3A_66], %swap3A_69 {strides = array<i32>} : memref<16x77x768xf32, #tpu.memory_space<vmem>>, vector<1x77x768xf32>,
    %get3A_70 = arith.constant 616 : index
    %get3A_71 = arith.constant 0 : index
    %get3A_72 = vector.load %arg2[%get3A_70, %get3A_71] : memref<1232x768xf32, #tpu.memory_space<vmem>>, vector<77x768xf32>
    %swap3A_73 = arith.constant 8 : index
    %swap3A_74 = arith.constant 0 : index
    %swap3A_75 = arith.constant 0 : index
    %swap3A_76 = vector.load %arg3[%swap3A_73, %swap3A_74, %swap3A_75] : memref<16x77x768xf32, #tpu.memory_space<vmem>>, vector<1x77x768xf32>
    %swap3A_77 = vector.shape_cast %swap3A_76 : vector<1x77x768xf32> to vector<77x768xf32>
    %swap3A_78 = vector.shape_cast %get3A_72 : vector<77x768xf32> to vector<1x77x768xf32>
    tpu.vector_store %arg3[%swap3A_73, %swap3A_74, %swap3A_75], %swap3A_78 {strides = array<i32>} : memref<16x77x768xf32, #tpu.memory_space<vmem>>, vector<1x77x768xf32>,
    %get3A_79 = arith.constant 693 : index
    %get3A_80 = arith.constant 0 : index
    %get3A_81 = vector.load %arg2[%get3A_79, %get3A_80] : memref<1232x768xf32, #tpu.memory_space<vmem>>, vector<77x768xf32>
    %swap3A_82 = arith.constant 9 : index
    %swap3A_83 = arith.constant 0 : index
    %swap3A_84 = arith.constant 0 : index
    %swap3A_85 = vector.load %arg3[%swap3A_82, %swap3A_83, %swap3A_84] : memref<16x77x768xf32, #tpu.memory_space<vmem>>, vector<1x77x768xf32>
    %swap3A_86 = vector.shape_cast %swap3A_85 : vector<1x77x768xf32> to vector<77x768xf32>
    %swap3A_87 = vector.shape_cast %get3A_81 : vector<77x768xf32> to vector<1x77x768xf32>
    tpu.vector_store %arg3[%swap3A_82, %swap3A_83, %swap3A_84], %swap3A_87 {strides = array<i32>} : memref<16x77x768xf32, #tpu.memory_space<vmem>>, vector<1x77x768xf32>,
    %get3A_88 = arith.constant 770 : index
    %get3A_89 = arith.constant 0 : index
    %get3A_90 = vector.load %arg2[%get3A_88, %get3A_89] : memref<1232x768xf32, #tpu.memory_space<vmem>>, vector<77x768xf32>
    %swap3A_91 = arith.constant 10 : index
    %swap3A_92 = arith.constant 0 : index
    %swap3A_93 = arith.constant 0 : index
    %swap3A_94 = vector.load %arg3[%swap3A_91, %swap3A_92, %swap3A_93] : memref<16x77x768xf32, #tpu.memory_space<vmem>>, vector<1x77x768xf32>
    %swap3A_95 = vector.shape_cast %swap3A_94 : vector<1x77x768xf32> to vector<77x768xf32>
    %swap3A_96 = vector.shape_cast %get3A_90 : vector<77x768xf32> to vector<1x77x768xf32>
    tpu.vector_store %arg3[%swap3A_91, %swap3A_92, %swap3A_93], %swap3A_96 {strides = array<i32>} : memref<16x77x768xf32, #tpu.memory_space<vmem>>, vector<1x77x768xf32>,
    %get3A_97 = arith.constant 847 : index
    %get3A_98 = arith.constant 0 : index
    %get3A_99 = vector.load %arg2[%get3A_97, %get3A_98] : memref<1232x768xf32, #tpu.memory_space<vmem>>, vector<77x768xf32>
    %swap3A_100 = arith.constant 11 : index
    %swap3A_101 = arith.constant 0 : index
    %swap3A_102 = arith.constant 0 : index
    %swap3A_103 = vector.load %arg3[%swap3A_100, %swap3A_101, %swap3A_102] : memref<16x77x768xf32, #tpu.memory_space<vmem>>, vector<1x77x768xf32>
    %swap3A_104 = vector.shape_cast %swap3A_103 : vector<1x77x768xf32> to vector<77x768xf32>
    %swap3A_105 = vector.shape_cast %get3A_99 : vector<77x768xf32> to vector<1x77x768xf32>
    tpu.vector_store %arg3[%swap3A_100, %swap3A_101, %swap3A_102], %swap3A_105 {strides = array<i32>} : memref<16x77x768xf32, #tpu.memory_space<vmem>>, vector<1x77x768xf32>,
    %get3A_106 = arith.constant 924 : index
    %get3A_107 = arith.constant 0 : index
    %get3A_108 = vector.load %arg2[%get3A_106, %get3A_107] : memref<1232x768xf32, #tpu.memory_space<vmem>>, vector<77x768xf32>
    %swap3A_109 = arith.constant 12 : index
    %swap3A_110 = arith.constant 0 : index
    %swap3A_111 = arith.constant 0 : index
    %swap3A_112 = vector.load %arg3[%swap3A_109, %swap3A_110, %swap3A_111] : memref<16x77x768xf32, #tpu.memory_space<vmem>>, vector<1x77x768xf32>
    %swap3A_113 = vector.shape_cast %swap3A_112 : vector<1x77x768xf32> to vector<77x768xf32>
    %swap3A_114 = vector.shape_cast %get3A_108 : vector<77x768xf32> to vector<1x77x768xf32>
    tpu.vector_store %arg3[%swap3A_109, %swap3A_110, %swap3A_111], %swap3A_114 {strides = array<i32>} : memref<16x77x768xf32, #tpu.memory_space<vmem>>, vector<1x77x768xf32>,
    %get3A_115 = arith.constant 1001 : index
    %get3A_116 = arith.constant 0 : index
    %get3A_117 = vector.load %arg2[%get3A_115, %get3A_116] : memref<1232x768xf32, #tpu.memory_space<vmem>>, vector<77x768xf32>
    %swap3A_118 = arith.constant 13 : index
    %swap3A_119 = arith.constant 0 : index
    %swap3A_120 = arith.constant 0 : index
    %swap3A_121 = vector.load %arg3[%swap3A_118, %swap3A_119, %swap3A_120] : memref<16x77x768xf32, #tpu.memory_space<vmem>>, vector<1x77x768xf32>
    %swap3A_122 = vector.shape_cast %swap3A_121 : vector<1x77x768xf32> to vector<77x768xf32>
    %swap3A_123 = vector.shape_cast %get3A_117 : vector<77x768xf32> to vector<1x77x768xf32>
    tpu.vector_store %arg3[%swap3A_118, %swap3A_119, %swap3A_120], %swap3A_123 {strides = array<i32>} : memref<16x77x768xf32, #tpu.memory_space<vmem>>, vector<1x77x768xf32>,
    %get3A_124 = arith.constant 1078 : index
    %get3A_125 = arith.constant 0 : index
    %get3A_126 = vector.load %arg2[%get3A_124, %get3A_125] : memref<1232x768xf32, #tpu.memory_space<vmem>>, vector<77x768xf32>
    %swap3A_127 = arith.constant 14 : index
    %swap3A_128 = arith.constant 0 : index
    %swap3A_129 = arith.constant 0 : index
    %swap3A_130 = vector.load %arg3[%swap3A_127, %swap3A_128, %swap3A_129] : memref<16x77x768xf32, #tpu.memory_space<vmem>>, vector<1x77x768xf32>
    %swap3A_131 = vector.shape_cast %swap3A_130 : vector<1x77x768xf32> to vector<77x768xf32>
    %swap3A_132 = vector.shape_cast %get3A_126 : vector<77x768xf32> to vector<1x77x768xf32>
    tpu.vector_store %arg3[%swap3A_127, %swap3A_128, %swap3A_129], %swap3A_132 {strides = array<i32>} : memref<16x77x768xf32, #tpu.memory_space<vmem>>, vector<1x77x768xf32>,
    %get3A_133 = arith.constant 1155 : index
    %get3A_134 = arith.constant 0 : index
    %get3A_135 = vector.load %arg2[%get3A_133, %get3A_134] : memref<1232x768xf32, #tpu.memory_space<vmem>>, vector<77x768xf32>
    %swap3A_136 = arith.constant 15 : index
    %swap3A_137 = arith.constant 0 : index
    %swap3A_138 = arith.constant 0 : index
    %swap3A_139 = vector.load %arg3[%swap3A_136, %swap3A_137, %swap3A_138] : memref<16x77x768xf32, #tpu.memory_space<vmem>>, vector<1x77x768xf32>
    %swap3A_140 = vector.shape_cast %swap3A_139 : vector<1x77x768xf32> to vector<77x768xf32>
    %swap3A_141 = vector.shape_cast %get3A_135 : vector<77x768xf32> to vector<1x77x768xf32>
    tpu.vector_store %arg3[%swap3A_136, %swap3A_137, %swap3A_138], %swap3A_141 {strides = array<i32>} : memref<16x77x768xf32, #tpu.memory_space<vmem>>, vector<1x77x768xf32>,
    return
  }
  func.func @transform_1(%arg0: i32) -> (i32, i32) {
    %c0_i32 = arith.constant 0 : i32
    %c0_i32_0 = arith.constant 0 : i32
    return %arg0, %c0_i32 : i32, i32
  }
  func.func @transform_2(%arg0: i32) -> (i32, i32, i32) {
    %add3A = arith.constant 128 : i32
    %add3A_0 = arith.addi %add3A, %arg0 : i32
    %c0_i32 = arith.constant 0 : i32
    %c0_i32_1 = arith.constant 0 : i32
    %c0_i32_2 = arith.constant 0 : i32
    return %add3A_0, %c0_i32, %c0_i32_1 : i32, i32, i32
  }
}

module attributes {stable_mosaic.version = 14 : i64} {
  func.func @body(%arg0: i32, %arg1: memref<4096x77x768xf32, #tpu.memory_space<any>>, %arg2: memref<1232x768xf32, #tpu.memory_space<vmem>>, %arg3: memref<16x77x768xf32, #tpu.memory_space<vmem>>) attributes {dimension_semantics = [#tpu.dimension_semantics<arbitrary>], iteration_bounds = array<i64: 64>, scalar_prefetch = 0 : i64, scratch_operands = 0 : i64, tpu.core_type = #tpu.core_type<tc>, window_params = [{}, {transform_indices = @transform_1, window_bounds = array<i64: 1232, 768>}, {transform_indices = @transform_2, window_bounds = array<i64: 16, 77, 768>}]} {
    %get3A = arith.constant 0 : index
    %get3A_0 = arith.constant 0 : index
    %get3A_1 = vector.load %arg2[%get3A, %get3A_0] : memref<1232x768xf32, #tpu.memory_space<vmem>>, vector<77x768xf32>
    %swap3A = arith.constant 0 : index
    %swap3A_2 = arith.constant 0 : index
    %swap3A_3 = arith.constant 0 : index
    %swap3A_4 = vector.load %arg3[%swap3A, %swap3A_2, %swap3A_3] : memref<16x77x768xf32, #tpu.memory_space<vmem>>, vector<1x77x768xf32>
    %swap3A_5 = vector.shape_cast %swap3A_4 : vector<1x77x768xf32> to vector<77x768xf32>
    %swap3A_6 = vector.shape_cast %get3A_1 : vector<77x768xf32> to vector<1x77x768xf32>
    tpu.vector_store %arg3[%swap3A, %swap3A_2, %swap3A_3], %swap3A_6 {strides = array<i32>} : memref<16x77x768xf32, #tpu.memory_space<vmem>>, vector<1x77x768xf32>,
    %get3A_7 = arith.constant 77 : index
    %get3A_8 = arith.constant 0 : index
    %get3A_9 = vector.load %arg2[%get3A_7, %get3A_8] : memref<1232x768xf32, #tpu.memory_space<vmem>>, vector<77x768xf32>
    %swap3A_10 = arith.constant 1 : index
    %swap3A_11 = arith.constant 0 : index
    %swap3A_12 = arith.constant 0 : index
    %swap3A_13 = vector.load %arg3[%swap3A_10, %swap3A_11, %swap3A_12] : memref<16x77x768xf32, #tpu.memory_space<vmem>>, vector<1x77x768xf32>
    %swap3A_14 = vector.shape_cast %swap3A_13 : vector<1x77x768xf32> to vector<77x768xf32>
    %swap3A_15 = vector.shape_cast %get3A_9 : vector<77x768xf32> to vector<1x77x768xf32>
    tpu.vector_store %arg3[%swap3A_10, %swap3A_11, %swap3A_12], %swap3A_15 {strides = array<i32>} : memref<16x77x768xf32, #tpu.memory_space<vmem>>, vector<1x77x768xf32>,
    %get3A_16 = arith.constant 154 : index
    %get3A_17 = arith.constant 0 : index
    %get3A_18 = vector.load %arg2[%get3A_16, %get3A_17] : memref<1232x768xf32, #tpu.memory_space<vmem>>, vector<77x768xf32>
    %swap3A_19 = arith.constant 2 : index
    %swap3A_20 = arith.constant 0 : index
    %swap3A_21 = arith.constant 0 : index
    %swap3A_22 = vector.load %arg3[%swap3A_19, %swap3A_20, %swap3A_21] : memref<16x77x768xf32, #tpu.memory_space<vmem>>, vector<1x77x768xf32>
    %swap3A_23 = vector.shape_cast %swap3A_22 : vector<1x77x768xf32> to vector<77x768xf32>
    %swap3A_24 = vector.shape_cast %get3A_18 : vector<77x768xf32> to vector<1x77x768xf32>
    tpu.vector_store %arg3[%swap3A_19, %swap3A_20, %swap3A_21], %swap3A_24 {strides = array<i32>} : memref<16x77x768xf32, #tpu.memory_space<vmem>>, vector<1x77x768xf32>,
    %get3A_25 = arith.constant 231 : index
    %get3A_26 = arith.constant 0 : index
    %get3A_27 = vector.load %arg2[%get3A_25, %get3A_26] : memref<1232x768xf32, #tpu.memory_space<vmem>>, vector<77x768xf32>
    %swap3A_28 = arith.constant 3 : index
    %swap3A_29 = arith.constant 0 : index
    %swap3A_30 = arith.constant 0 : index
    %swap3A_31 = vector.load %arg3[%swap3A_28, %swap3A_29, %swap3A_30] : memref<16x77x768xf32, #tpu.memory_space<vmem>>, vector<1x77x768xf32>
    %swap3A_32 = vector.shape_cast %swap3A_31 : vector<1x77x768xf32> to vector<77x768xf32>
    %swap3A_33 = vector.shape_cast %get3A_27 : vector<77x768xf32> to vector<1x77x768xf32>
    tpu.vector_store %arg3[%swap3A_28, %swap3A_29, %swap3A_30], %swap3A_33 {strides = array<i32>} : memref<16x77x768xf32, #tpu.memory_space<vmem>>, vector<1x77x768xf32>,
    %get3A_34 = arith.constant 308 : index
    %get3A_35 = arith.constant 0 : index
    %get3A_36 = vector.load %arg2[%get3A_34, %get3A_35] : memref<1232x768xf32, #tpu.memory_space<vmem>>, vector<77x768xf32>
    %swap3A_37 = arith.constant 4 : index
    %swap3A_38 = arith.constant 0 : index
    %swap3A_39 = arith.constant 0 : index
    %swap3A_40 = vector.load %arg3[%swap3A_37, %swap3A_38, %swap3A_39] : memref<16x77x768xf32, #tpu.memory_space<vmem>>, vector<1x77x768xf32>
    %swap3A_41 = vector.shape_cast %swap3A_40 : vector<1x77x768xf32> to vector<77x768xf32>
    %swap3A_42 = vector.shape_cast %get3A_36 : vector<77x768xf32> to vector<1x77x768xf32>
    tpu.vector_store %arg3[%swap3A_37, %swap3A_38, %swap3A_39], %swap3A_42 {strides = array<i32>} : memref<16x77x768xf32, #tpu.memory_space<vmem>>, vector<1x77x768xf32>,
    %get3A_43 = arith.constant 385 : index
    %get3A_44 = arith.constant 0 : index
    %get3A_45 = vector.load %arg2[%get3A_43, %get3A_44] : memref<1232x768xf32, #tpu.memory_space<vmem>>, vector<77x768xf32>
    %swap3A_46 = arith.constant 5 : index
    %swap3A_47 = arith.constant 0 : index
    %swap3A_48 = arith.constant 0 : index
    %swap3A_49 = vector.load %arg3[%swap3A_46, %swap3A_47, %swap3A_48] : memref<16x77x768xf32, #tpu.memory_space<vmem>>, vector<1x77x768xf32>
    %swap3A_50 = vector.shape_cast %swap3A_49 : vector<1x77x768xf32> to vector<77x768xf32>
    %swap3A_51 = vector.shape_cast %get3A_45 : vector<77x768xf32> to vector<1x77x768xf32>
    tpu.vector_store %arg3[%swap3A_46, %swap3A_47, %swap3A_48], %swap3A_51 {strides = array<i32>} : memref<16x77x768xf32, #tpu.memory_space<vmem>>, vector<1x77x768xf32>,
    %get3A_52 = arith.constant 462 : index
    %get3A_53 = arith.constant 0 : index
    %get3A_54 = vector.load %arg2[%get3A_52, %get3A_53] : memref<1232x768xf32, #tpu.memory_space<vmem>>, vector<77x768xf32>
    %swap3A_55 = arith.constant 6 : index
    %swap3A_56 = arith.constant 0 : index
    %swap3A_57 = arith.constant 0 : index
    %swap3A_58 = vector.load %arg3[%swap3A_55, %swap3A_56, %swap3A_57] : memref<16x77x768xf32, #tpu.memory_space<vmem>>, vector<1x77x768xf32>
    %swap3A_59 = vector.shape_cast %swap3A_58 : vector<1x77x768xf32> to vector<77x768xf32>
    %swap3A_60 = vector.shape_cast %get3A_54 : vector<77x768xf32> to vector<1x77x768xf32>
    tpu.vector_store %arg3[%swap3A_55, %swap3A_56, %swap3A_57], %swap3A_60 {strides = array<i32>} : memref<16x77x768xf32, #tpu.memory_space<vmem>>, vector<1x77x768xf32>,
    %get3A_61 = arith.constant 539 : index
    %get3A_62 = arith.constant 0 : index
    %get3A_63 = vector.load %arg2[%get3A_61, %get3A_62] : memref<1232x768xf32, #tpu.memory_space<vmem>>, vector<77x768xf32>
    %swap3A_64 = arith.constant 7 : index
    %swap3A_65 = arith.constant 0 : index
    %swap3A_66 = arith.constant 0 : index
    %swap3A_67 = vector.load %arg3[%swap3A_64, %swap3A_65, %swap3A_66] : memref<16x77x768xf32, #tpu.memory_space<vmem>>, vector<1x77x768xf32>
    %swap3A_68 = vector.shape_cast %swap3A_67 : vector<1x77x768xf32> to vector<77x768xf32>
    %swap3A_69 = vector.shape_cast %get3A_63 : vector<77x768xf32> to vector<1x77x768xf32>
    tpu.vector_store %arg3[%swap3A_64, %swap3A_65, %swap3A_66], %swap3A_69 {strides = array<i32>} : memref<16x77x768xf32, #tpu.memory_space<vmem>>, vector<1x77x768xf32>,
    %get3A_70 = arith.constant 616 : index
    %get3A_71 = arith.constant 0 : index
    %get3A_72 = vector.load %arg2[%get3A_70, %get3A_71] : memref<1232x768xf32, #tpu.memory_space<vmem>>, vector<77x768xf32>
    %swap3A_73 = arith.constant 8 : index
    %swap3A_74 = arith.constant 0 : index
    %swap3A_75 = arith.constant 0 : index
    %swap3A_76 = vector.load %arg3[%swap3A_73, %swap3A_74, %swap3A_75] : memref<16x77x768xf32, #tpu.memory_space<vmem>>, vector<1x77x768xf32>
    %swap3A_77 = vector.shape_cast %swap3A_76 : vector<1x77x768xf32> to vector<77x768xf32>
    %swap3A_78 = vector.shape_cast %get3A_72 : vector<77x768xf32> to vector<1x77x768xf32>
    tpu.vector_store %arg3[%swap3A_73, %swap3A_74, %swap3A_75], %swap3A_78 {strides = array<i32>} : memref<16x77x768xf32, #tpu.memory_space<vmem>>, vector<1x77x768xf32>,
    %get3A_79 = arith.constant 693 : index
    %get3A_80 = arith.constant 0 : index
    %get3A_81 = vector.load %arg2[%get3A_79, %get3A_80] : memref<1232x768xf32, #tpu.memory_space<vmem>>, vector<77x768xf32>
    %swap3A_82 = arith.constant 9 : index
    %swap3A_83 = arith.constant 0 : index
    %swap3A_84 = arith.constant 0 : index
    %swap3A_85 = vector.load %arg3[%swap3A_82, %swap3A_83, %swap3A_84] : memref<16x77x768xf32, #tpu.memory_space<vmem>>, vector<1x77x768xf32>
    %swap3A_86 = vector.shape_cast %swap3A_85 : vector<1x77x768xf32> to vector<77x768xf32>
    %swap3A_87 = vector.shape_cast %get3A_81 : vector<77x768xf32> to vector<1x77x768xf32>
    tpu.vector_store %arg3[%swap3A_82, %swap3A_83, %swap3A_84], %swap3A_87 {strides = array<i32>} : memref<16x77x768xf32, #tpu.memory_space<vmem>>, vector<1x77x768xf32>,
    %get3A_88 = arith.constant 770 : index
    %get3A_89 = arith.constant 0 : index
    %get3A_90 = vector.load %arg2[%get3A_88, %get3A_89] : memref<1232x768xf32, #tpu.memory_space<vmem>>, vector<77x768xf32>
    %swap3A_91 = arith.constant 10 : index
    %swap3A_92 = arith.constant 0 : index
    %swap3A_93 = arith.constant 0 : index
    %swap3A_94 = vector.load %arg3[%swap3A_91, %swap3A_92, %swap3A_93] : memref<16x77x768xf32, #tpu.memory_space<vmem>>, vector<1x77x768xf32>
    %swap3A_95 = vector.shape_cast %swap3A_94 : vector<1x77x768xf32> to vector<77x768xf32>
    %swap3A_96 = vector.shape_cast %get3A_90 : vector<77x768xf32> to vector<1x77x768xf32>
    tpu.vector_store %arg3[%swap3A_91, %swap3A_92, %swap3A_93], %swap3A_96 {strides = array<i32>} : memref<16x77x768xf32, #tpu.memory_space<vmem>>, vector<1x77x768xf32>,
    %get3A_97 = arith.constant 847 : index
    %get3A_98 = arith.constant 0 : index
    %get3A_99 = vector.load %arg2[%get3A_97, %get3A_98] : memref<1232x768xf32, #tpu.memory_space<vmem>>, vector<77x768xf32>
    %swap3A_100 = arith.constant 11 : index
    %swap3A_101 = arith.constant 0 : index
    %swap3A_102 = arith.constant 0 : index
    %swap3A_103 = vector.load %arg3[%swap3A_100, %swap3A_101, %swap3A_102] : memref<16x77x768xf32, #tpu.memory_space<vmem>>, vector<1x77x768xf32>
    %swap3A_104 = vector.shape_cast %swap3A_103 : vector<1x77x768xf32> to vector<77x768xf32>
    %swap3A_105 = vector.shape_cast %get3A_99 : vector<77x768xf32> to vector<1x77x768xf32>
    tpu.vector_store %arg3[%swap3A_100, %swap3A_101, %swap3A_102], %swap3A_105 {strides = array<i32>} : memref<16x77x768xf32, #tpu.memory_space<vmem>>, vector<1x77x768xf32>,
    %get3A_106 = arith.constant 924 : index
    %get3A_107 = arith.constant 0 : index
    %get3A_108 = vector.load %arg2[%get3A_106, %get3A_107] : memref<1232x768xf32, #tpu.memory_space<vmem>>, vector<77x768xf32>
    %swap3A_109 = arith.constant 12 : index
    %swap3A_110 = arith.constant 0 : index
    %swap3A_111 = arith.constant 0 : index
    %swap3A_112 = vector.load %arg3[%swap3A_109, %swap3A_110, %swap3A_111] : memref<16x77x768xf32, #tpu.memory_space<vmem>>, vector<1x77x768xf32>
    %swap3A_113 = vector.shape_cast %swap3A_112 : vector<1x77x768xf32> to vector<77x768xf32>
    %swap3A_114 = vector.shape_cast %get3A_108 : vector<77x768xf32> to vector<1x77x768xf32>
    tpu.vector_store %arg3[%swap3A_109, %swap3A_110, %swap3A_111], %swap3A_114 {strides = array<i32>} : memref<16x77x768xf32, #tpu.memory_space<vmem>>, vector<1x77x768xf32>,
    %get3A_115 = arith.constant 1001 : index
    %get3A_116 = arith.constant 0 : index
    %get3A_117 = vector.load %arg2[%get3A_115, %get3A_116] : memref<1232x768xf32, #tpu.memory_space<vmem>>, vector<77x768xf32>
    %swap3A_118 = arith.constant 13 : index
    %swap3A_119 = arith.constant 0 : index
    %swap3A_120 = arith.constant 0 : index
    %swap3A_121 = vector.load %arg3[%swap3A_118, %swap3A_119, %swap3A_120] : memref<16x77x768xf32, #tpu.memory_space<vmem>>, vector<1x77x768xf32>
    %swap3A_122 = vector.shape_cast %swap3A_121 : vector<1x77x768xf32> to vector<77x768xf32>
    %swap3A_123 = vector.shape_cast %get3A_117 : vector<77x768xf32> to vector<1x77x768xf32>
    tpu.vector_store %arg3[%swap3A_118, %swap3A_119, %swap3A_120], %swap3A_123 {strides = array<i32>} : memref<16x77x768xf32, #tpu.memory_space<vmem>>, vector<1x77x768xf32>,
    %get3A_124 = arith.constant 1078 : index
    %get3A_125 = arith.constant 0 : index
    %get3A_126 = vector.load %arg2[%get3A_124, %get3A_125] : memref<1232x768xf32, #tpu.memory_space<vmem>>, vector<77x768xf32>
    %swap3A_127 = arith.constant 14 : index
    %swap3A_128 = arith.constant 0 : index
    %swap3A_129 = arith.constant 0 : index
    %swap3A_130 = vector.load %arg3[%swap3A_127, %swap3A_128, %swap3A_129] : memref<16x77x768xf32, #tpu.memory_space<vmem>>, vector<1x77x768xf32>
    %swap3A_131 = vector.shape_cast %swap3A_130 : vector<1x77x768xf32> to vector<77x768xf32>
    %swap3A_132 = vector.shape_cast %get3A_126 : vector<77x768xf32> to vector<1x77x768xf32>
    tpu.vector_store %arg3[%swap3A_127, %swap3A_128, %swap3A_129], %swap3A_132 {strides = array<i32>} : memref<16x77x768xf32, #tpu.memory_space<vmem>>, vector<1x77x768xf32>,
    %get3A_133 = arith.constant 1155 : index
    %get3A_134 = arith.constant 0 : index
    %get3A_135 = vector.load %arg2[%get3A_133, %get3A_134] : memref<1232x768xf32, #tpu.memory_space<vmem>>, vector<77x768xf32>
    %swap3A_136 = arith.constant 15 : index
    %swap3A_137 = arith.constant 0 : index
    %swap3A_138 = arith.constant 0 : index
    %swap3A_139 = vector.load %arg3[%swap3A_136, %swap3A_137, %swap3A_138] : memref<16x77x768xf32, #tpu.memory_space<vmem>>, vector<1x77x768xf32>
    %swap3A_140 = vector.shape_cast %swap3A_139 : vector<1x77x768xf32> to vector<77x768xf32>
    %swap3A_141 = vector.shape_cast %get3A_135 : vector<77x768xf32> to vector<1x77x768xf32>
    tpu.vector_store %arg3[%swap3A_136, %swap3A_137, %swap3A_138], %swap3A_141 {strides = array<i32>} : memref<16x77x768xf32, #tpu.memory_space<vmem>>, vector<1x77x768xf32>,
    return
  }
  func.func @transform_1(%arg0: i32) -> (i32, i32) {
    %c0_i32 = arith.constant 0 : i32
    %c0_i32_0 = arith.constant 0 : i32
    return %arg0, %c0_i32 : i32, i32
  }
  func.func @transform_2(%arg0: i32) -> (i32, i32, i32) {
    %add3A = arith.constant 192 : i32
    %add3A_0 = arith.addi %add3A, %arg0 : i32
    %c0_i32 = arith.constant 0 : i32
    %c0_i32_1 = arith.constant 0 : i32
    %c0_i32_2 = arith.constant 0 : i32
    return %add3A_0, %c0_i32, %c0_i32_1 : i32, i32, i32
  }
}

</mosaic_0001>

<sc_bundles>
// kernel: kernel.10.cloned.1.call-start
scs
__scs_entry_jumppad:
0x0: {  	(pc) =	sbr.rel $0x88, $3  }
0x1: {  	(tag) =	ssettag $0x0;
	lr =	simm.s32 $0x1  }
0x2: {  	[smem:$0x3F9F] =	sst lr;
	_ =	strace $0xD0000000  }
0x3: {  	_ = 	snop  }
0x4: {  	_ = 	snop  }
0x5: {  	_ = 	snop  }
0x6: {  	_ = 	snop  }
0x7: {  	_ = 	snop  }
__scs_overlays_trampoline_lowered:
0x8: {  	[smem:$0x3FAE] =	sst s0  }
0x9: {  	[smem:$0x3FAF] =	sst s1  }
0xa: {  	[smem:$0x3FB0] =	sst s2  }
0xb: {  	[smem:$0x3FB1] =	sst s3  }
0xc: {  	[smem:$0x3FB2] =	sst s4  }
0xd: {  	[smem:$0x3FB3] =	sst s5  }
0xe: {  	[smem:$0x3FB4] =	sst s6  }
0xf: {  	[smem:$0x3FB5] =	sst s7  }
0x10: {  	[smem:$0x3FB6] =	sst s8  }
0x11: {  	[smem:$0x3FB7] =	sst s9;
	s0 =	simm.s32 @!p0 $0x0  }
0x12: {  	s1 =	sld [smem:$0x3F9D];
	s0 =	simm.s32 @p0 $0x1  }
0x13: {  	[smem:$0x3FB8] =	sst s0;
	s0 =	simm.s32 @!p1 $0x0  }
0x14: {  	s2 =	sld [smem:$0x3F9C];
	s0 =	simm.s32 @p1 $0x1  }
0x15: {  	[smem:$0x3FB9] =	sst s0;
	s0 =	simm.s32 @!p2 $0x0  }
0x16: {  	s3 =	sld [smem:$0x3FDB];
	s0 =	simm.s32 @p2 $0x1  }
0x17: {  	s4 =	simm.s32 $0x1BF5;
	[smem:$0x3FBB] =	sst s0  }
0x18: {  	s0 =	sld [smem:$0x3F9E];
	_ =	swait.ge [sflag:s4], $0x0  }
0x19: {  	s7 =	sld [smem:$0x3F9F]  }
0x1a: {  	s8 =	sadd.s32 $0xFFFFE003, lr  }
0x1b: {  	s9 =	sadd.s32 $0xFFFFFEF7, lr;
	s5 =	simm.s32 $0xFFFFFFFF;
	p2 =	slt.u32 s8, $0xFFFFF086  }
0x1c: {  	p1 =	slt.u32 s9, $0xF7A;
	s5 =	simm.s32 @!p2 $0x0  }
0x1d: {  	s5 =	simm.s32 @p1 $0x1;
	p0 =	seq.s32 s7, s2  }
0x1e: {  	s7 =	smul.u32 @!p0 $0xF7A, s2;
	p2 =	seq.s32 @!p0 s5, $0x0  }
0x1f: {  	s9 =	smul.u32 $0xF7A, s1;
	s8 =	simm.s32 @!p0 $0x1BF5;
	p2 =	por !p2, p0  }
0x20: {  	[sflag:s8] =	ssyncset.s32 @!p0 $0xFFFFF086;
	s6 =	sadd.s32 @!p0 s3, s7;
	s7 =	simm.s32 @!p0 $0x108  }
0x21: {  	s3 =	sadd.s32 s3, s9;
	s6 =	sadd.s32 @!p0 $0x88, s6;
	s7 =	simm.s32 @p2 $0x1082  }
0x22: {  	[simem:s7], [sflag:s8] =	dma.local @!p0 [hbm:s6], $0xF7A  }
0x23: {  	s9 =	sor.u32 $0xD0000000, s2;
	s6 =	simm.s32 $0x108;
	_ =	swait.ge @!p0 [sflag:s8], $0x0  }
0x24: {  	s3 =	sadd.s32 $0x88, s3;
	s6 =	simm.s32 @!p1 $0x1082;
	[sflag:s4] =	ssyncset.s32 $0xFFFFF086  }
0x25: {  	[simem:s6], [sflag:s4] =	dma.local [hbm:s3], $0xF7A  }
0x26: {  	[smem:$0x3F9F] =	sst s1;
	(tag) =	ssettag s2;
	_ =	strace s9  }
0x27: {  	s1 =	sld [smem:$0x3FAF]  }
0x28: {  	s2 =	sld [smem:$0x3FB0]  }
0x29: {  	s4 =	sld [smem:$0x3FB2]  }
0x2a: {  	p0 =	seq.s32 s5, $0x0;
	s5 =	sld [smem:$0x3FB3]  }
0x2b: {  	s6 =	sld [smem:$0x3FB4]  }
0x2c: {  	s7 =	sld [smem:$0x3FB5]  }
0x2d: {  	s3 =	simm.s32 $0x108;
	s8 =	sld [smem:$0x3FB6]  }
0x2e: {  	s3 =	simm.s32 @!p0 $0x1082;
	s9 =	sld [smem:$0x3FB7]  }
0x2f: {  	lr =	sadd.s32 s0, s3;
	s0 =	sld [smem:$0x3FAE]  }
0x30: {  	s3 =	sld [smem:$0x3FB1]  }
0x31: {  	[smem:$0x3FBA] =	sst s10  }
0x32: {  	s10 =	sld [smem:$0x3FB8];
	_ =	sdelay $0x3  }
0x33: {  	p0 =	seq.s32 s10, $0x1;
	s10 =	sld [smem:$0x3FBA];
	_ =	sdelay $0x3  }
0x34: {  	[smem:$0x3FBA] =	sst s10  }
0x35: {  	s10 =	sld [smem:$0x3FB9];
	_ =	sdelay $0x3  }
0x36: {  	p1 =	seq.s32 s10, $0x1;
	s10 =	sld [smem:$0x3FBA];
	_ =	sdelay $0x3  }
0x37: {  	[smem:$0x3FBA] =	sst s10  }
0x38: {  	s10 =	sld [smem:$0x3FBB]  }
0x39: {  	_ = 	snop;
	(pc) =	sbr.ind lr, $3  }
0x3a: {  	_ = 	snop  }
0x3b: {  	_ = 	snop  }
0x3c: {  	p2 =	seq.s32 s10, $0x1;
	s10 =	sld [smem:$0x3FBA]  }
0x3d: {  	_ =	shalt  }
0x3e: {  	_ =	shalt  }
0x3f: {  	_ =	shalt  }
0x40: {  	_ =	shalt  }
0x41: {  	_ =	shalt  }
0x42: {  	_ =	shalt  }
0x43: {  	_ =	shalt  }
0x44: {  	_ =	shalt  }
0x45: {  	_ =	shalt  }
0x46: {  	_ =	shalt  }
0x47: {  	_ =	shalt  }
0x48: {  	_ =	shalt  }
0x49: {  	_ =	shalt  }
0x4a: {  	_ =	shalt  }
0x4b: {  	_ =	shalt  }
0x4c: {  	_ =	shalt  }
0x4d: {  	_ =	shalt  }
0x4e: {  	_ =	shalt  }
0x4f: {  	_ =	shalt  }
0x50: {  	_ =	shalt  }
0x51: {  	_ =	shalt  }
0x52: {  	_ =	shalt  }
0x53: {  	_ =	shalt  }
0x54: {  	_ =	shalt  }
0x55: {  	_ =	shalt  }
0x56: {  	_ =	shalt  }
0x57: {  	_ =	shalt  }
0x58: {  	_ =	shalt  }
0x59: {  	_ =	shalt  }
0x5a: {  	_ =	shalt  }
0x5b: {  	_ =	shalt  }
0x5c: {  	_ =	shalt  }
0x5d: {  	_ =	shalt  }
0x5e: {  	_ =	shalt  }
0x5f: {  	_ =	shalt  }
0x60: {  	_ =	shalt  }
0x61: {  	_ =	shalt  }
0x62: {  	_ =	shalt  }
0x63: {  	_ =	shalt  }
0x64: {  	_ =	shalt  }
0x65: {  	_ =	shalt  }
0x66: {  	_ =	shalt  }
0x67: {  	_ =	shalt  }
0x68: {  	_ =	shalt  }
0x69: {  	_ =	shalt  }
0x6a: {  	_ =	shalt  }
0x6b: {  	_ =	shalt  }
0x6c: {  	_ =	shalt  }
0x6d: {  	_ =	shalt  }
0x6e: {  	_ =	shalt  }
0x6f: {  	_ =	shalt  }
0x70: {  	_ =	shalt  }
0x71: {  	_ =	shalt  }
0x72: {  	_ =	shalt  }
0x73: {  	_ =	shalt  }
0x74: {  	_ =	shalt  }
0x75: {  	_ =	shalt  }
0x76: {  	_ =	shalt  }
0x77: {  	_ =	shalt  }
0x78: {  	_ =	shalt  }
0x79: {  	_ =	shalt  }
0x7a: {  	_ =	shalt  }
0x7b: {  	_ =	shalt  }
0x7c: {  	_ =	shalt  }
0x7d: {  	_ =	shalt  }
0x7e: {  	_ =	shalt  }
0x7f: {  	_ =	shalt  }
0x80: {  	_ =	shalt  }
0x81: {  	_ =	shalt  }
0x82: {  	_ =	shalt  }
0x83: {  	_ =	shalt  }
0x84: {  	_ =	shalt  }
0x85: {  	_ =	shalt  }
0x86: {  	_ =	shalt  }
0x87: {  	_ =	shalt  }
.Lfunc_end0:
.L_simem_size_0:
called_computation_lowered:
.L_overlay_start_0:
0x88: {  	s2 =	sld [smem:$0x3FD9]  }
0x89: {  	s3 =	sld [smem:$0x3FFE];
	_ =	sdelay $0x1  }
0x8a: {  	s1 =	srdreg.scid  }
0x8b: {  	s0 =	sand.u32 $0x1, s1  }
0x8c: {  	s17 =	sshll.u32 s0, $0xA;
	s2 =	sadd.s32 s3, s2  }
0x8d: {  	s2 =	sadd.s32 s2, s17  }
0x8e: {  	[smem:$0x3FC6] =	sst s2  }
0x8f: {  	_ = 	snop  }
0x90: {  	s2 =	sld [smem:$0x3FC8];
	(tm) =	ssettm $0x1  }
0x91: {  	s18 =	sld [smem:$0x3FFB];
	_ =	sdelay $0x3  }
0x92: {  	_ =	strace s18  }
0x93: {  	s3 =	sld [smem:$0x3FFC];
	_ =	sdelay $0x3  }
0x94: {  	_ =	strace s3  }
0x95: {  	s3 =	sld [smem:$0x3FFD];
	_ =	sdelay $0x3  }
0x96: {  	_ =	strace s3  }
0x97: {  	_ =	strace $0x8FFFFFFF  }
0x98: {  	s19 =	sld [smem:$0x3FDB];
	_ =	sdelay $0x1  }
0x99: {  	s4 =	simm.s32 $_scs_section_size  }
0x9a: {  	s5 =	simm.s32 $_size__tile_overlayer_lowered;
	s6 =	simm.s32 $_tile_overlayer_lowered  }
0x9b: {  	s22 =	simm.s32 $0x1BFF;
	s21 =	sshll.u32 s6, $0x1;
	s3 =	sadd.s32 s4, s19  }
0x9c: {  	s7 =	simm.s32 $0x0;
	s20 =	sshll.u32 s5, $0x1;
	s5 =	sadd.s32 s21, s3  }
0x9d: {  	[timem:s7], [sflag:s22] =	dma.local [hbm:s5], s20  }
0x9e: {  	_ =	swait.ge [sflag:s22], s20  }
0x9f: {  	s4 =	ssub.s32 $0x0, s20;
	[sflag:s22] =	ssyncset.done $0x0  }
0xa0: {  	[sflag:s22] =	ssyncadd.s32 s4;
	_ =	sdelay $0x1  }
0xa1: {  	s23 =	simm.s32 $0x1B8B  }
0xa2: {  	_ =	swait.ge [sflag:s23], $0x1  }
0xa3: {  	[sflag:s23] =	ssyncset.done $0x0  }
0xa4: {  	s25 =	simm.s32 $0x1B8E;
	s24 =	sld [smem:$0x3FFE];
	[sflag:s23] =	ssyncadd.s32 $0xFFFFFFFF  }
0xa5: {  	s26 =	simm.s32 $execute0_lowered;
	[smem:$0x3FD2] =	sst s25  }
0xa6: {  	s5 =	sshll.u32 s26, $0x1;
	_ =	strace $0x80000046;
	[dreg:$0x1] =	wrdreg $0xFFFFFFFF  }
0xa7: {  	s28 =	simm.s32 $_size_execute0_lowered;
	s3 =	sadd.s32 s3, s5;
	[dreg:$0x0] =	wrdreg $0x0  }
0xa8: {  	s5 =	sshll.u32 s28, $0x1;
	[dreg:$0x2] =	wrdreg s3  }
0xa9: {  	[dreg:$0x3] =	wrdreg s5  }
0xaa: {  	[dreg:$0x4] =	wrdreg $0xC0  }
0xab: {  	_ =	task [dreg:s7], $0x5FFFF  }
0xac: {  	[dreg:$0x1] =	wrdreg $0xFFFFFFFF  }
0xad: {  	[dreg:$0x0] =	wrdreg $0x60  }
0xae: {  	[dreg:$0x2] =	wrdreg s24  }
0xaf: {  	[dreg:$0x3] =	wrdreg s2  }
0xb0: {  	[dreg:$0x4] =	wrdreg $0x9  }
0xb1: {  	_ =	task.clear_ibuf [dreg:s7], $0x5FFFF;
	_ =	strace $0x90000046  }
0xb2: {  	s29 =	simm.s32 $0x9;
	_ =	strace $0x80000048  }
0xb3: {  	_ =	swait.ge [sflag:s29], $0x1  }
0xb4: {  	[sflag:s29] =	ssyncadd.s32 $0xFFFFFFFF  }
0xb5: {  	_ =	strace $0x90000048  }
0xb6: {  	_ =	sfence  }
0xb7: {  	s30 =	sld [smem:$0x0];
	_ =	sdelay $0x2  }
0xb8: {  	s31 =	sshll.u32 s1, $0xD;
	s1 =	sshrl.u32 s1, $0x2  }
0xb9: {  	s3 =	sand.u32 $0x4000, s31;
	s1 =	sadd.s32 s1, s30  }
0xba: {  	s0 =	sor.u32 s3, s0;
	s1 =	sshll.u32 s1, $0x11  }
0xbb: {  	s0 =	sor.u32 s1, s0  }
0xbc: {  	s0 =	sadd.s32 $0x8F2B, s0  }
0xbd: {  	[sflag:s0] =	ssyncadd.remote.s32 $0x1  }
0xbe: {  	_ =	sfence.sel $0xFFFF  }
0xbf: {  	[dreg:$0x0] =	wrdreg $0xFFFFFFFF;
	(pc) =	sbr.abs _section_cstart, $3  }
0xc0: {  	[dreg:$0x1] =	wrdreg $0xFFFFFFFF  }
0xc1: {  	_ =	task.clear_ibuf [dreg:s7], $0x2FFFF;
	_ =	strace $0x9FFFFFFF  }
0xc2: {  	(tm) =	ssettm $0x7FFFFFFF  }
0xc3: {  	_ =	shalt  }
tec
execute0_lowered:
.L_overlay_start_1:
0x0: {  	(tag) =	ssettag $0x1  }
0x1: {  	s0 =	srdreg.scid  }
0x2: {  	s2 =	stileid.u32;
	s4 =	rddreg [dreg:$0x0]  }
0x3: {  	s3 =	simm.s32 $0x0;
	s10 =	simm.s32 $0x3;
	s11 =	simm.s32 $0xA00  }
0x4: {  	s13 =	simm.s32 $0xD200;
	s14 =	simm.s32 $0xDA00;
	s15 =	simm.s32 $0xE200  }
0x5: {  	s16 =	simm.s32 $0xEA00;
	s17 =	simm.s32 $0xF200;
	s18 =	simm.s32 $0xFA00  }
0x6: {  	s19 =	simm.s32 $0x10200;
	s20 =	simm.s32 $0x10A00;
	s21 =	simm.s32 $0x11200  }
0x7: {  	s22 =	simm.s32 $0x11A00;
	s23 =	simm.s32 $0x12200;
	s24 =	simm.s32 $0x12A00  }
0x8: {  	s25 =	simm.s32 $0x13200;
	s28 =	simm.s32 $0x14200;
	s29 =	simm.s32 $0x14A00  }
0x9: {  	s30 =	simm.s32 $0x15200;
	s31 =	simm.s32 $0x1;
	s0 =	sand.u32 $0x1, s0  }
0xa: {  	s1 =	sshll.u32 s2, $0x1;
	s5 =	smul.u32 $0x1340, s2;
	s2 =	rddreg [dreg:$0x1]  }
0xb: {  	s1 =	sor.u32 s0, s1;
	s6 =	smul.u32 $0x9A0, s0;
	s0 =	ssub.s32 $0x2, s0  }
0xc: {  	[smem:$0x7FF] =	sst s3;
	s1 =	smul.u32 $0x9A0, s1;
	s7 =	sshrl.u32 s0, $0x1  }
0xd: {  	_ =	strace $0x80000047;
	s5 =	sadd.s32 s6, s5;
	s0 =	ssub.s32 s0, s7  }
0xe: {  	s7 =	simm.s32 $0x0;
	s1 =	sshrl.u32 s1, $0x3;
	s6 =	sadd.s32 $0x38, s5  }
0xf: {  	s5 =	sshrl.u32 s5, $0x3;
	s0 =	smax.u32 s0, $0x1;
	s1 =	sadd.s32 s1, s4  }
.Ltmp0:
0x10: {  	s4 =	sadd.s32 $0x3C00, s4;
	s6 =	sshrl.u32 s6, $0x3;
	(pc) =	sbr.rel .LBB2_1-.Ltmp0, $4  }
0x11: {  	s26 =	smul.u32 $0x300, s5;
	s5 =	sadd.s32 $0x100, s2;
	[dreg:$0x4] =	wrdreg s0  }
0x12: {  	v2 =	vlaneseq.u32;
	s0 =	simm.s32 $0xB200;
	s8 =	smul.u32 $0x300, s6;
	s1 =	sadd.s32 $0x1400, s1  }
0x13: {  	vm0 =	vmmov $0xffff;
	v1 =	vshrl.u32 v2, $0x3;
	s6 =	sadd.s32 $0x200, s2;
	[dreg:$0x3] =	wrdreg s1;
	s9 =	sadd.s32 s26, s4  }
0x14: {  	v0 =	vand.u32 $0x7, v2;
	v2 =	vor.u32 $0x8, v2;
	v1 =	vmul.u32 $0x8, v1;
	s26 =	simm.s32 $0x13A00;
	s1 =	simm.s32 $0x2;
	s8 =	sadd.s32 s8, s4  }
.LBB2_5:
0x15: {  	s7 =	rddreg [dreg:$0x5]  }
0x16: {  	s4 =	rddreg [dreg:$0x4];
	s7 =	sadd.s32 $0x1, s7  }
0x17: {  	p0 =	sne.s32 s7, s4  }
.Ltmp1:
0x18: {  	_ = 	snop;
	(pc) =	sbr.rel @!p0 .LBB2_6-.Ltmp1, $1  }
0x19: {  	_ =	sdelay $0x3  }
.LBB2_1:
0x1a: {  	[dreg:$0x5] =	wrdreg s7  }
0x1b: {  	s4 =	rddreg [dreg:$0x3]  }
0x1c: {  	[tilespmem:s3], [sflag:$0x3] =	stream.linear.gather [hbm4b:s4+s3], $0x9A0, $0x38;
	[tilespmem:$0x15A00] =	vst v63  }
0x1d: {  	_ =	swait.ge [sflag:s10], $0x9A0  }
0x1e: {  	[sflag:s10] =	ssyncset.done $0x0  }
0x1f: {  	[sflag:s10] =	ssyncadd.s32 $0xFFFFF660  }
0x20: {  	v3 =	vld [tilespmem:$0x0];
	_ =	sdelay $0x4  }
0x21: {  	v4 =	vshrl.u32 v3, $0x3  }
0x22: {  	v4 =	vmul.u32 $0x30, v4  }
0x23: {  	v3 =	vand.u32 $0x7, v3  }
0x24: {  	v3 =	vor.u32 v3, v4  }
0x25: {  	v4 =	vperm.xlane v3, v0;
	_ =	sdelay $0x1  }
0x26: {  	v4 =	vadd.s32 v1, v4;
	_ =	sdelay $0x3  }
0x27: {  	v3 =	vperm.xlane v3, v2  }
0x28: {  	[tilespmem:s11], [sflag:$0x1] =	stream.indirect_vreg.gather [hbm4b:s2+s3], $0x80, v4, vm0, $0xb8;
	[tilespmem:$0x15A00] =	vst v63  }
0x29: {  	s7 =	simm.s32 $0x1200;
	v3 =	vadd.s32 v1, v3  }
0x2a: {  	[tilespmem:s7], [sflag:$0x1] =	stream.indirect_vreg.gather [hbm4b:s5+s3], $0x80, v4, vm0, $0xb8;
	[tilespmem:$0x15A00] =	vst v63  }
0x2b: {  	s12 =	simm.s32 $0x1A00  }
0x2c: {  	[tilespmem:s12], [sflag:$0x1] =	stream.indirect_vreg.gather [hbm4b:s6+s3], $0x80, v4, vm0, $0xb8;
	[tilespmem:$0x15A00] =	vst v63  }
0x2d: {  	s7 =	simm.s32 $0x2200  }
0x2e: {  	[tilespmem:s7], [sflag:$0x1] =	stream.indirect_vreg.gather [hbm4b:s2+s3], $0x80, v3, vm0, $0xb8;
	[tilespmem:$0x15A00] =	vst v63  }
0x2f: {  	s12 =	simm.s32 $0x2A00  }
0x30: {  	[tilespmem:s12], [sflag:$0x1] =	stream.indirect_vreg.gather [hbm4b:s5+s3], $0x80, v3, vm0, $0xb8;
	[tilespmem:$0x15A00] =	vst v63  }
0x31: {  	s7 =	simm.s32 $0x3200  }
0x32: {  	[tilespmem:s7], [sflag:$0x1] =	stream.indirect_vreg.gather [hbm4b:s6+s3], $0x80, v3, vm0, $0xb8;
	[tilespmem:$0x15A00] =	vst v63  }
0x33: {  	v3 =	vld [tilespmem:$0x10];
	_ =	sdelay $0x4  }
0x34: {  	v61 =	vshrl.u32 v3, $0x3  }
0x35: {  	v4 =	vmul.u32 $0x30, v61  }
0x36: {  	v3 =	vand.u32 $0x7, v3  }
0x37: {  	v3 =	vor.u32 v3, v4  }
0x38: {  	v4 =	vperm.xlane v3, v0;
	_ =	sdelay $0x1  }
0x39: {  	v4 =	vadd.s32 v1, v4;
	_ =	sdelay $0x3  }
0x3a: {  	s12 =	simm.s32 $0x3A00;
	v3 =	vperm.xlane v3, v2  }
0x3b: {  	[tilespmem:s12], [sflag:$0x1] =	stream.indirect_vreg.gather [hbm4b:s2+s3], $0x80, v4, vm0, $0xb8;
	[tilespmem:$0x15A00] =	vst v63  }
0x3c: {  	s7 =	simm.s32 $0x4200;
	v3 =	vadd.s32 v1, v3  }
0x3d: {  	[tilespmem:s7], [sflag:$0x1] =	stream.indirect_vreg.gather [hbm4b:s5+s3], $0x80, v4, vm0, $0xb8;
	[tilespmem:$0x15A00] =	vst v63  }
0x3e: {  	s12 =	simm.s32 $0x4A00  }
0x3f: {  	[tilespmem:s12], [sflag:$0x1] =	stream.indirect_vreg.gather [hbm4b:s6+s3], $0x80, v4, vm0, $0xb8;
	[tilespmem:$0x15A00] =	vst v63  }
0x40: {  	s7 =	simm.s32 $0x5200  }
0x41: {  	[tilespmem:s7], [sflag:$0x1] =	stream.indirect_vreg.gather [hbm4b:s2+s3], $0x80, v3, vm0, $0xb8;
	[tilespmem:$0x15A00] =	vst v63  }
0x42: {  	s12 =	simm.s32 $0x5A00  }
0x43: {  	[tilespmem:s12], [sflag:$0x1] =	stream.indirect_vreg.gather [hbm4b:s5+s3], $0x80, v3, vm0, $0xb8;
	[tilespmem:$0x15A00] =	vst v63  }
0x44: {  	s7 =	simm.s32 $0x6200  }
0x45: {  	[tilespmem:s7], [sflag:$0x1] =	stream.indirect_vreg.gather [hbm4b:s6+s3], $0x80, v3, vm0, $0xb8;
	[tilespmem:$0x15A00] =	vst v63  }
0x46: {  	v3 =	vld [tilespmem:$0x20];
	_ =	sdelay $0x4  }
0x47: {  	v62 =	vshrl.u32 v3, $0x3  }
0x48: {  	v4 =	vmul.u32 $0x30, v62  }
0x49: {  	v3 =	vand.u32 $0x7, v3  }
0x4a: {  	v3 =	vor.u32 v3, v4  }
0x4b: {  	v4 =	vperm.xlane v3, v0;
	_ =	sdelay $0x1  }
0x4c: {  	v4 =	vadd.s32 v1, v4;
	_ =	sdelay $0x3  }
0x4d: {  	s12 =	simm.s32 $0x6A00;
	v3 =	vperm.xlane v3, v2  }
0x4e: {  	[tilespmem:s12], [sflag:$0x1] =	stream.indirect_vreg.gather [hbm4b:s2+s3], $0x80, v4, vm0, $0xb8;
	[tilespmem:$0x15A00] =	vst v63  }
0x4f: {  	s7 =	simm.s32 $0x7200;
	v3 =	vadd.s32 v1, v3  }
0x50: {  	[tilespmem:s7], [sflag:$0x1] =	stream.indirect_vreg.gather [hbm4b:s5+s3], $0x80, v4, vm0, $0xb8;
	[tilespmem:$0x15A00] =	vst v63  }
0x51: {  	s12 =	simm.s32 $0x7A00  }
0x52: {  	[tilespmem:s12], [sflag:$0x1] =	stream.indirect_vreg.gather [hbm4b:s6+s3], $0x80, v4, vm0, $0xb8;
	[tilespmem:$0x15A00] =	vst v63  }
0x53: {  	s7 =	simm.s32 $0x8200  }
0x54: {  	[tilespmem:s7], [sflag:$0x1] =	stream.indirect_vreg.gather [hbm4b:s2+s3], $0x80, v3, vm0, $0xb8;
	[tilespmem:$0x15A00] =	vst v63  }
0x55: {  	s12 =	simm.s32 $0x8A00  }
0x56: {  	[tilespmem:s12], [sflag:$0x1] =	stream.indirect_vreg.gather [hbm4b:s5+s3], $0x80, v3, vm0, $0xb8;
	[tilespmem:$0x15A00] =	vst v63  }
0x57: {  	s7 =	simm.s32 $0x9200  }
0x58: {  	[tilespmem:s7], [sflag:$0x1] =	stream.indirect_vreg.gather [hbm4b:s6+s3], $0x80, v3, vm0, $0xb8;
	[tilespmem:$0x15A00] =	vst v63  }
0x59: {  	v3 =	vld.msk [tilespmem:$0x30], $0xff;
	_ =	sdelay $0x4  }
0x5a: {  	v63 =	vshrl.u32 v3, $0x3  }
0x5b: {  	v4 =	vmul.u32 $0x30, v63  }
0x5c: {  	v3 =	vand.u32 $0x7, v3  }
0x5d: {  	v3 =	vor.u32 v3, v4  }
0x5e: {  	v3 =	vperm.xlane v3, v0;
	_ =	sdelay $0x1  }
0x5f: {  	v3 =	vadd.s32 v1, v3;
	_ =	sdelay $0x3  }
0x60: {  	s12 =	simm.s32 $0x9A00  }
0x61: {  	[tilespmem:s12], [sflag:$0x1] =	stream.indirect_vreg.gather [hbm4b:s2+s3], $0x80, v3, vm0, $0xb8;
	[tilespmem:$0x15A00] =	vst v63  }
.Ltmp2:
0x62: {  	_ = 	snop;
	(pc) =	sbr.rel .LBB2_2-.Ltmp2, $4  }
0x63: {  	s7 =	simm.s32 $0xA200  }
0x64: {  	[tilespmem:s7], [sflag:$0x1] =	stream.indirect_vreg.gather [hbm4b:s5+s3], $0x80, v3, vm0, $0xb8;
	[tilespmem:$0x15A00] =	vst v63  }
0x65: {  	s4 =	simm.s32 $0x58;
	s12 =	simm.s32 $0xAA00;
	s7 =	simm.s32 $0x0  }
0x66: {  	[tilespmem:s12], [sflag:$0x1] =	stream.indirect_vreg.gather [hbm4b:s6+s3], $0x80, v3, vm0, $0xb8;
	[tilespmem:$0x15A00] =	vst v63  }
.LBB2_4:
0x67: {  	_ =	swait.ge [sflag:s1], $0xA800;
	s12 =	sadd.s32 s7, s8;
	s7 =	sadd.s32 $0x2A00, s7  }
0x68: {  	[sflag:s1] =	ssyncset.done $0x0;
	p0 =	sne.s32 s7, $0x39C00  }
.Ltmp3:
0x69: {  	[sflag:s1] =	ssyncadd.s32 $0xFFFF5800;
	(pc) =	sbr.rel @!p0 .LBB2_5-.Ltmp3, $4  }
0x6a: {  	[hbm4b:s12+s3] =	stream.linear.scatter [tilespmem:s0], [sflag:$0x3], $0xA800, $0x38;
	[tilespmem:$0x15A00] =	vst v63  }
0x6b: {  	_ =	swait.ge [sflag:s10], $0xA800  }
0x6c: {  	[sflag:s10] =	ssyncset.done $0x0  }
0x6d: {  	s4 =	sadd.s32 $0x70, s4;
	[sflag:s10] =	ssyncadd.s32 $0xFFFF5800  }
.LBB2_2:
0x6e: {  	v3 =	vld [tilespmem:s4+$0xFFFFFFE0];
	_ =	sdelay $0x4  }
0x6f: {  	v4 =	vshrl.u32 v3, $0x3  }
0x70: {  	v4 =	vmul.u32 $0x30, v4  }
0x71: {  	v3 =	vand.u32 $0x7, v3  }
0x72: {  	v3 =	vor.u32 v3, v4  }
0x73: {  	v4 =	vperm.xlane v3, v0;
	_ =	sdelay $0x1  }
0x74: {  	v4 =	vadd.s32 v1, v4;
	_ =	sdelay $0x3  }
0x75: {  	v3 =	vperm.xlane v3, v2  }
0x76: {  	[tilespmem:s0], [sflag:$0x2] =	stream.indirect_vreg.gather [hbm4b:s2+s3], $0x80, v4, vm0, $0xb8;
	[tilespmem:$0x15A00] =	vst v63  }
0x77: {  	s12 =	simm.s32 $0xBA00;
	v3 =	vadd.s32 v1, v3  }
0x78: {  	[tilespmem:s12], [sflag:$0x2] =	stream.indirect_vreg.gather [hbm4b:s5+s3], $0x80, v4, vm0, $0xb8;
	[tilespmem:$0x15A00] =	vst v63  }
0x79: {  	s12 =	simm.s32 $0xC200  }
0x7a: {  	[tilespmem:s12], [sflag:$0x2] =	stream.indirect_vreg.gather [hbm4b:s6+s3], $0x80, v4, vm0, $0xb8;
	[tilespmem:$0x15A00] =	vst v63  }
0x7b: {  	s12 =	simm.s32 $0xCA00  }
0x7c: {  	[tilespmem:s12], [sflag:$0x2] =	stream.indirect_vreg.gather [hbm4b:s2+s3], $0x80, v3, vm0, $0xb8;
	[tilespmem:$0x15A00] =	vst v63  }
0x7d: {  	_ = 	snop  }
0x7e: {  	[tilespmem:s13], [sflag:$0x2] =	stream.indirect_vreg.gather [hbm4b:s5+s3], $0x80, v3, vm0, $0xb8;
	[tilespmem:$0x15A00] =	vst v63  }
0x7f: {  	_ = 	snop  }
0x80: {  	[tilespmem:s14], [sflag:$0x2] =	stream.indirect_vreg.gather [hbm4b:s6+s3], $0x80, v3, vm0, $0xb8;
	[tilespmem:$0x15A00] =	vst v63  }
0x81: {  	v3 =	vld [tilespmem:s4+$0xFFFFFFF0];
	_ =	sdelay $0x4  }
0x82: {  	v61 =	vshrl.u32 v3, $0x3  }
0x83: {  	v4 =	vmul.u32 $0x30, v61  }
0x84: {  	v3 =	vand.u32 $0x7, v3  }
0x85: {  	v3 =	vor.u32 v3, v4  }
0x86: {  	v4 =	vperm.xlane v3, v0;
	_ =	sdelay $0x1  }
0x87: {  	v4 =	vadd.s32 v1, v4;
	_ =	sdelay $0x3  }
0x88: {  	v3 =	vperm.xlane v3, v2  }
0x89: {  	[tilespmem:s15], [sflag:$0x2] =	stream.indirect_vreg.gather [hbm4b:s2+s3], $0x80, v4, vm0, $0xb8;
	[tilespmem:$0x15A00] =	vst v63  }
0x8a: {  	v3 =	vadd.s32 v1, v3  }
0x8b: {  	[tilespmem:s16], [sflag:$0x2] =	stream.indirect_vreg.gather [hbm4b:s5+s3], $0x80, v4, vm0, $0xb8;
	[tilespmem:$0x15A00] =	vst v63  }
0x8c: {  	_ = 	snop  }
0x8d: {  	[tilespmem:s17], [sflag:$0x2] =	stream.indirect_vreg.gather [hbm4b:s6+s3], $0x80, v4, vm0, $0xb8;
	[tilespmem:$0x15A00] =	vst v63  }
0x8e: {  	_ = 	snop  }
0x8f: {  	[tilespmem:s18], [sflag:$0x2] =	stream.indirect_vreg.gather [hbm4b:s2+s3], $0x80, v3, vm0, $0xb8;
	[tilespmem:$0x15A00] =	vst v63  }
0x90: {  	_ = 	snop  }
0x91: {  	[tilespmem:s19], [sflag:$0x2] =	stream.indirect_vreg.gather [hbm4b:s5+s3], $0x80, v3, vm0, $0xb8;
	[tilespmem:$0x15A00] =	vst v63  }
0x92: {  	_ = 	snop  }
0x93: {  	[tilespmem:s20], [sflag:$0x2] =	stream.indirect_vreg.gather [hbm4b:s6+s3], $0x80, v3, vm0, $0xb8;
	[tilespmem:$0x15A00] =	vst v63  }
0x94: {  	v3 =	vld [tilespmem:s4+$0x0];
	_ =	sdelay $0x4  }
0x95: {  	v62 =	vshrl.u32 v3, $0x3  }
0x96: {  	v4 =	vmul.u32 $0x30, v62  }
0x97: {  	v3 =	vand.u32 $0x7, v3  }
0x98: {  	v3 =	vor.u32 v3, v4  }
0x99: {  	v4 =	vperm.xlane v3, v0;
	_ =	sdelay $0x1  }
0x9a: {  	v4 =	vadd.s32 v1, v4;
	_ =	sdelay $0x3  }
0x9b: {  	v3 =	vperm.xlane v3, v2  }
0x9c: {  	[tilespmem:s21], [sflag:$0x2] =	stream.indirect_vreg.gather [hbm4b:s2+s3], $0x80, v4, vm0, $0xb8;
	[tilespmem:$0x15A00] =	vst v63  }
0x9d: {  	v3 =	vadd.s32 v1, v3  }
0x9e: {  	[tilespmem:s22], [sflag:$0x2] =	stream.indirect_vreg.gather [hbm4b:s5+s3], $0x80, v4, vm0, $0xb8;
	[tilespmem:$0x15A00] =	vst v63  }
0x9f: {  	_ = 	snop  }
0xa0: {  	[tilespmem:s23], [sflag:$0x2] =	stream.indirect_vreg.gather [hbm4b:s6+s3], $0x80, v4, vm0, $0xb8;
	[tilespmem:$0x15A00] =	vst v63  }
0xa1: {  	_ = 	snop  }
0xa2: {  	[tilespmem:s24], [sflag:$0x2] =	stream.indirect_vreg.gather [hbm4b:s2+s3], $0x80, v3, vm0, $0xb8;
	[tilespmem:$0x15A00] =	vst v63  }
0xa3: {  	_ = 	snop  }
0xa4: {  	[tilespmem:s25], [sflag:$0x2] =	stream.indirect_vreg.gather [hbm4b:s5+s3], $0x80, v3, vm0, $0xb8;
	[tilespmem:$0x15A00] =	vst v63  }
0xa5: {  	_ = 	snop  }
0xa6: {  	[tilespmem:s26], [sflag:$0x2] =	stream.indirect_vreg.gather [hbm4b:s6+s3], $0x80, v3, vm0, $0xb8;
	[tilespmem:$0x15A00] =	vst v63  }
0xa7: {  	v3 =	vld.msk [tilespmem:s4+$0x10], $0xff;
	_ =	sdelay $0x4  }
0xa8: {  	v63 =	vshrl.u32 v3, $0x3  }
0xa9: {  	v4 =	vmul.u32 $0x30, v63  }
0xaa: {  	v3 =	vand.u32 $0x7, v3  }
0xab: {  	v3 =	vor.u32 v3, v4  }
0xac: {  	v3 =	vperm.xlane v3, v0;
	_ =	sdelay $0x1  }
0xad: {  	v3 =	vadd.s32 v1, v3;
	_ =	sdelay $0x4  }
0xae: {  	[tilespmem:s28], [sflag:$0x2] =	stream.indirect_vreg.gather [hbm4b:s2+s3], $0x80, v3, vm0, $0xb8;
	[tilespmem:$0x15A00] =	vst v63  }
0xaf: {  	_ = 	snop  }
0xb0: {  	[tilespmem:s29], [sflag:$0x2] =	stream.indirect_vreg.gather [hbm4b:s5+s3], $0x80, v3, vm0, $0xb8;
	[tilespmem:$0x15A00] =	vst v63  }
0xb1: {  	_ = 	snop  }
0xb2: {  	[tilespmem:s30], [sflag:$0x2] =	stream.indirect_vreg.gather [hbm4b:s6+s3], $0x80, v3, vm0, $0xb8;
	[tilespmem:$0x15A00] =	vst v63  }
0xb3: {  	_ =	swait.ge [sflag:s31], $0xA800  }
0xb4: {  	p0 =	seq.s32 s7, $0x37200;
	[sflag:s31] =	ssyncset.done $0x0  }
.Ltmp4:
0xb5: {  	s12 =	sadd.s32 s7, s9;
	[sflag:s31] =	ssyncadd.s32 $0xFFFF5800;
	(pc) =	sbr.rel @p0 .LBB2_4-.Ltmp4, $4  }
0xb6: {  	[hbm4b:s12+s3] =	stream.linear.scatter [tilespmem:s11], [sflag:$0x3], $0xA800, $0x38;
	[tilespmem:$0x15A00] =	vst v63  }
0xb7: {  	_ =	swait.ge [sflag:s10], $0xA800  }
0xb8: {  	[sflag:s10] =	ssyncset.done $0x0  }
0xb9: {  	[sflag:s10] =	ssyncadd.s32 $0xFFFF5800  }
0xba: {  	v3 =	vld [tilespmem:s4+$0x18];
	_ =	sdelay $0x4  }
0xbb: {  	v4 =	vshrl.u32 v3, $0x3  }
0xbc: {  	v4 =	vmul.u32 $0x30, v4  }
0xbd: {  	v3 =	vand.u32 $0x7, v3  }
0xbe: {  	v3 =	vor.u32 v3, v4  }
0xbf: {  	v4 =	vperm.xlane v3, v0;
	_ =	sdelay $0x1  }
0xc0: {  	v4 =	vadd.s32 v1, v4;
	_ =	sdelay $0x3  }
0xc1: {  	v3 =	vperm.xlane v3, v2  }
0xc2: {  	[tilespmem:s11], [sflag:$0x1] =	stream.indirect_vreg.gather [hbm4b:s2+s3], $0x80, v4, vm0, $0xb8;
	[tilespmem:$0x15A00] =	vst v63  }
0xc3: {  	s12 =	simm.s32 $0x1200;
	v3 =	vadd.s32 v1, v3  }
0xc4: {  	[tilespmem:s12], [sflag:$0x1] =	stream.indirect_vreg.gather [hbm4b:s5+s3], $0x80, v4, vm0, $0xb8;
	[tilespmem:$0x15A00] =	vst v63  }
0xc5: {  	s12 =	simm.s32 $0x1A00  }
0xc6: {  	[tilespmem:s12], [sflag:$0x1] =	stream.indirect_vreg.gather [hbm4b:s6+s3], $0x80, v4, vm0, $0xb8;
	[tilespmem:$0x15A00] =	vst v63  }
0xc7: {  	s12 =	simm.s32 $0x2200  }
0xc8: {  	[tilespmem:s12], [sflag:$0x1] =	stream.indirect_vreg.gather [hbm4b:s2+s3], $0x80, v3, vm0, $0xb8;
	[tilespmem:$0x15A00] =	vst v63  }
0xc9: {  	s12 =	simm.s32 $0x2A00  }
0xca: {  	[tilespmem:s12], [sflag:$0x1] =	stream.indirect_vreg.gather [hbm4b:s5+s3], $0x80, v3, vm0, $0xb8;
	[tilespmem:$0x15A00] =	vst v63  }
0xcb: {  	s12 =	simm.s32 $0x3200  }
0xcc: {  	[tilespmem:s12], [sflag:$0x1] =	stream.indirect_vreg.gather [hbm4b:s6+s3], $0x80, v3, vm0, $0xb8;
	[tilespmem:$0x15A00] =	vst v63  }
0xcd: {  	v3 =	vld [tilespmem:s4+$0x28];
	_ =	sdelay $0x4  }
0xce: {  	v61 =	vshrl.u32 v3, $0x3  }
0xcf: {  	v4 =	vmul.u32 $0x30, v61  }
0xd0: {  	v3 =	vand.u32 $0x7, v3  }
0xd1: {  	v3 =	vor.u32 v3, v4  }
0xd2: {  	v4 =	vperm.xlane v3, v0;
	_ =	sdelay $0x1  }
0xd3: {  	v4 =	vadd.s32 v1, v4;
	_ =	sdelay $0x3  }
0xd4: {  	s12 =	simm.s32 $0x3A00;
	v3 =	vperm.xlane v3, v2  }
0xd5: {  	[tilespmem:s12], [sflag:$0x1] =	stream.indirect_vreg.gather [hbm4b:s2+s3], $0x80, v4, vm0, $0xb8;
	[tilespmem:$0x15A00] =	vst v63  }
0xd6: {  	v3 =	vadd.s32 v1, v3;
	s12 =	simm.s32 $0x4200  }
0xd7: {  	[tilespmem:s12], [sflag:$0x1] =	stream.indirect_vreg.gather [hbm4b:s5+s3], $0x80, v4, vm0, $0xb8;
	[tilespmem:$0x15A00] =	vst v63  }
0xd8: {  	s12 =	simm.s32 $0x4A00  }
0xd9: {  	[tilespmem:s12], [sflag:$0x1] =	stream.indirect_vreg.gather [hbm4b:s6+s3], $0x80, v4, vm0, $0xb8;
	[tilespmem:$0x15A00] =	vst v63  }
0xda: {  	s12 =	simm.s32 $0x5200  }
0xdb: {  	[tilespmem:s12], [sflag:$0x1] =	stream.indirect_vreg.gather [hbm4b:s2+s3], $0x80, v3, vm0, $0xb8;
	[tilespmem:$0x15A00] =	vst v63  }
0xdc: {  	s12 =	simm.s32 $0x5A00  }
0xdd: {  	[tilespmem:s12], [sflag:$0x1] =	stream.indirect_vreg.gather [hbm4b:s5+s3], $0x80, v3, vm0, $0xb8;
	[tilespmem:$0x15A00] =	vst v63  }
0xde: {  	s12 =	simm.s32 $0x6200  }
0xdf: {  	[tilespmem:s12], [sflag:$0x1] =	stream.indirect_vreg.gather [hbm4b:s6+s3], $0x80, v3, vm0, $0xb8;
	[tilespmem:$0x15A00] =	vst v63  }
0xe0: {  	v3 =	vld [tilespmem:s4+$0x38];
	_ =	sdelay $0x4  }
0xe1: {  	v62 =	vshrl.u32 v3, $0x3  }
0xe2: {  	v4 =	vmul.u32 $0x30, v62  }
0xe3: {  	v3 =	vand.u32 $0x7, v3  }
0xe4: {  	v3 =	vor.u32 v3, v4  }
0xe5: {  	v4 =	vperm.xlane v3, v0;
	_ =	sdelay $0x1  }
0xe6: {  	v4 =	vadd.s32 v1, v4;
	_ =	sdelay $0x3  }
0xe7: {  	s12 =	simm.s32 $0x6A00;
	v3 =	vperm.xlane v3, v2  }
0xe8: {  	[tilespmem:s12], [sflag:$0x1] =	stream.indirect_vreg.gather [hbm4b:s2+s3], $0x80, v4, vm0, $0xb8;
	[tilespmem:$0x15A00] =	vst v63  }
0xe9: {  	v3 =	vadd.s32 v1, v3;
	s12 =	simm.s32 $0x7200  }
0xea: {  	[tilespmem:s12], [sflag:$0x1] =	stream.indirect_vreg.gather [hbm4b:s5+s3], $0x80, v4, vm0, $0xb8;
	[tilespmem:$0x15A00] =	vst v63  }
0xeb: {  	s12 =	simm.s32 $0x7A00  }
0xec: {  	[tilespmem:s12], [sflag:$0x1] =	stream.indirect_vreg.gather [hbm4b:s6+s3], $0x80, v4, vm0, $0xb8;
	[tilespmem:$0x15A00] =	vst v63  }
0xed: {  	s12 =	simm.s32 $0x8200  }
0xee: {  	[tilespmem:s12], [sflag:$0x1] =	stream.indirect_vreg.gather [hbm4b:s2+s3], $0x80, v3, vm0, $0xb8;
	[tilespmem:$0x15A00] =	vst v63  }
0xef: {  	s12 =	simm.s32 $0x8A00  }
0xf0: {  	[tilespmem:s12], [sflag:$0x1] =	stream.indirect_vreg.gather [hbm4b:s5+s3], $0x80, v3, vm0, $0xb8;
	[tilespmem:$0x15A00] =	vst v63  }
0xf1: {  	s12 =	simm.s32 $0x9200  }
0xf2: {  	[tilespmem:s12], [sflag:$0x1] =	stream.indirect_vreg.gather [hbm4b:s6+s3], $0x80, v3, vm0, $0xb8;
	[tilespmem:$0x15A00] =	vst v63  }
0xf3: {  	v3 =	vld.msk [tilespmem:s4+$0x48], $0xff;
	_ =	sdelay $0x4  }
0xf4: {  	v63 =	vshrl.u32 v3, $0x3  }
0xf5: {  	v4 =	vmul.u32 $0x30, v63  }
0xf6: {  	v3 =	vand.u32 $0x7, v3  }
0xf7: {  	v3 =	vor.u32 v3, v4  }
0xf8: {  	v3 =	vperm.xlane v3, v0;
	_ =	sdelay $0x1  }
0xf9: {  	v3 =	vadd.s32 v1, v3;
	_ =	sdelay $0x3  }
0xfa: {  	s12 =	simm.s32 $0x9A00  }
0xfb: {  	[tilespmem:s12], [sflag:$0x1] =	stream.indirect_vreg.gather [hbm4b:s2+s3], $0x80, v3, vm0, $0xb8;
	[tilespmem:$0x15A00] =	vst v63  }
.Ltmp5:
0xfc: {  	_ = 	snop;
	(pc) =	sbr.rel .LBB2_4-.Ltmp5, $4  }
0xfd: {  	s12 =	simm.s32 $0xA200  }
0xfe: {  	[tilespmem:s12], [sflag:$0x1] =	stream.indirect_vreg.gather [hbm4b:s5+s3], $0x80, v3, vm0, $0xb8;
	[tilespmem:$0x15A00] =	vst v63  }
0xff: {  	s12 =	simm.s32 $0xAA00  }
0x100: {  	[tilespmem:s12], [sflag:$0x1] =	stream.indirect_vreg.gather [hbm4b:s6+s3], $0x80, v3, vm0, $0xb8;
	[tilespmem:$0x15A00] =	vst v63  }
.LBB2_6:
0x101: {  	_ =	sfence.sel $0x180000  }
0x102: {  	[bflag:$0x0] =	sbarrier.arrive $0xFFFF  }
0x103: {  	_ =	strace $0x90000047  }
0x104: {  	s0 =	stileid.u32;
	[bflag:$0x2] =	sbarrier.arrive $0xFFFF  }
0x105: {  	p0 =	sne.s32 s0, $0x0;
	s0 =	rddreg [dreg:$0x2]  }
0x106: {  	s0 =	sadd.s32 @!p0 $0x100000, s0  }
0x107: {  	[sflag:s0] =	ssyncadd.tile.s32 @!p0 $0x1;
	_ =	shalt  }
.Lfunc_end2:
_tile_overlayer_lowered:
.L_overlay_start_2:
0x108: {  	(tag) =	ssettag $0x2  }
0x109: {  	s0 =	rddreg [dreg:$0x0];
	s2 =	stileid.u32  }
0x10a: {  	s1 =	rddreg [dreg:$0x1];
	p0 =	sne.s32 s2, $0x0  }
0x10b: {  	s3 =	rddreg [dreg:$0x2];
	[bflag:$0x3] =	sbarrier.arrive $0xFFFF;
	s2 =	simm.s32 @!p0 $0x1C03  }
0x10c: {  	[timem:s3], [sflag:s2] =	dma.local @!p0 [hbm:s0], s1  }
0x10d: {  	s0 =	simm.s32 @!p0 $0x3  }
0x10e: {  	_ =	swait.ge @!p0 [sflag:s0], s1  }
0x10f: {  	s1 =	ssub.s32 @!p0 $0x0, s1;
	[sflag:s0] =	ssyncset.done @!p0 $0x0  }
0x110: {  	[sflag:s0] =	ssyncadd.s32 @!p0 s1  }
0x111: {  	[bflag:$0x3] =	sbarrier.arrive $0xFFFF  }
0x112: {  	_ =	shalt  }

// kernel: kernel.13.cloned.1.call-start
scs
__scs_entry_jumppad:
0x0: {  	(pc) =	sbr.rel $0x88, $3  }
0x1: {  	(tag) =	ssettag $0x0;
	lr =	simm.s32 $0x1  }
0x2: {  	[smem:$0x3F9F] =	sst lr;
	_ =	strace $0xD0000000  }
0x3: {  	_ = 	snop  }
0x4: {  	_ = 	snop  }
0x5: {  	_ = 	snop  }
0x6: {  	_ = 	snop  }
0x7: {  	_ = 	snop  }
__scs_overlays_trampoline_lowered:
0x8: {  	[smem:$0x3FAE] =	sst s0  }
0x9: {  	[smem:$0x3FAF] =	sst s1  }
0xa: {  	[smem:$0x3FB0] =	sst s2  }
0xb: {  	[smem:$0x3FB1] =	sst s3  }
0xc: {  	[smem:$0x3FB2] =	sst s4  }
0xd: {  	[smem:$0x3FB3] =	sst s5  }
0xe: {  	[smem:$0x3FB4] =	sst s6  }
0xf: {  	[smem:$0x3FB5] =	sst s7  }
0x10: {  	[smem:$0x3FB6] =	sst s8  }
0x11: {  	[smem:$0x3FB7] =	sst s9;
	s0 =	simm.s32 @!p0 $0x0  }
0x12: {  	s1 =	sld [smem:$0x3F9D];
	s0 =	simm.s32 @p0 $0x1  }
0x13: {  	[smem:$0x3FB8] =	sst s0;
	s0 =	simm.s32 @!p1 $0x0  }
0x14: {  	s2 =	sld [smem:$0x3F9C];
	s0 =	simm.s32 @p1 $0x1  }
0x15: {  	[smem:$0x3FB9] =	sst s0;
	s0 =	simm.s32 @!p2 $0x0  }
0x16: {  	s3 =	sld [smem:$0x3FDB];
	s0 =	simm.s32 @p2 $0x1  }
0x17: {  	s4 =	simm.s32 $0x1BF5;
	[smem:$0x3FBB] =	sst s0  }
0x18: {  	s0 =	sld [smem:$0x3F9E];
	_ =	swait.ge [sflag:s4], $0x0  }
0x19: {  	s7 =	sld [smem:$0x3F9F]  }
0x1a: {  	s8 =	sadd.s32 $0xFFFFE003, lr  }
0x1b: {  	s9 =	sadd.s32 $0xFFFFFEF7, lr;
	s5 =	simm.s32 $0xFFFFFFFF;
	p2 =	slt.u32 s8, $0xFFFFF086  }
0x1c: {  	p1 =	slt.u32 s9, $0xF7A;
	s5 =	simm.s32 @!p2 $0x0  }
0x1d: {  	s5 =	simm.s32 @p1 $0x1;
	p0 =	seq.s32 s7, s2  }
0x1e: {  	s7 =	smul.u32 @!p0 $0xF7A, s2;
	p2 =	seq.s32 @!p0 s5, $0x0  }
0x1f: {  	s9 =	smul.u32 $0xF7A, s1;
	s8 =	simm.s32 @!p0 $0x1BF5;
	p2 =	por !p2, p0  }
0x20: {  	[sflag:s8] =	ssyncset.s32 @!p0 $0xFFFFF086;
	s6 =	sadd.s32 @!p0 s3, s7;
	s7 =	simm.s32 @!p0 $0x108  }
0x21: {  	s3 =	sadd.s32 s3, s9;
	s6 =	sadd.s32 @!p0 $0x88, s6;
	s7 =	simm.s32 @p2 $0x1082  }
0x22: {  	[simem:s7], [sflag:s8] =	dma.local @!p0 [hbm:s6], $0xF7A  }
0x23: {  	s9 =	sor.u32 $0xD0000000, s2;
	s6 =	simm.s32 $0x108;
	_ =	swait.ge @!p0 [sflag:s8], $0x0  }
0x24: {  	s3 =	sadd.s32 $0x88, s3;
	s6 =	simm.s32 @!p1 $0x1082;
	[sflag:s4] =	ssyncset.s32 $0xFFFFF086  }
0x25: {  	[simem:s6], [sflag:s4] =	dma.local [hbm:s3], $0xF7A  }
0x26: {  	[smem:$0x3F9F] =	sst s1;
	(tag) =	ssettag s2;
	_ =	strace s9  }
0x27: {  	s1 =	sld [smem:$0x3FAF]  }
0x28: {  	s2 =	sld [smem:$0x3FB0]  }
0x29: {  	s4 =	sld [smem:$0x3FB2]  }
0x2a: {  	p0 =	seq.s32 s5, $0x0;
	s5 =	sld [smem:$0x3FB3]  }
0x2b: {  	s6 =	sld [smem:$0x3FB4]  }
0x2c: {  	s7 =	sld [smem:$0x3FB5]  }
0x2d: {  	s3 =	simm.s32 $0x108;
	s8 =	sld [smem:$0x3FB6]  }
0x2e: {  	s3 =	simm.s32 @!p0 $0x1082;
	s9 =	sld [smem:$0x3FB7]  }
0x2f: {  	lr =	sadd.s32 s0, s3;
	s0 =	sld [smem:$0x3FAE]  }
0x30: {  	s3 =	sld [smem:$0x3FB1]  }
0x31: {  	[smem:$0x3FBA] =	sst s10  }
0x32: {  	s10 =	sld [smem:$0x3FB8];
	_ =	sdelay $0x3  }
0x33: {  	p0 =	seq.s32 s10, $0x1;
	s10 =	sld [smem:$0x3FBA];
	_ =	sdelay $0x3  }
0x34: {  	[smem:$0x3FBA] =	sst s10  }
0x35: {  	s10 =	sld [smem:$0x3FB9];
	_ =	sdelay $0x3  }
0x36: {  	p1 =	seq.s32 s10, $0x1;
	s10 =	sld [smem:$0x3FBA];
	_ =	sdelay $0x3  }
0x37: {  	[smem:$0x3FBA] =	sst s10  }
0x38: {  	s10 =	sld [smem:$0x3FBB]  }
0x39: {  	_ = 	snop;
	(pc) =	sbr.ind lr, $3  }
0x3a: {  	_ = 	snop  }
0x3b: {  	_ = 	snop  }
0x3c: {  	p2 =	seq.s32 s10, $0x1;
	s10 =	sld [smem:$0x3FBA]  }
0x3d: {  	_ =	shalt  }
0x3e: {  	_ =	shalt  }
0x3f: {  	_ =	shalt  }
0x40: {  	_ =	shalt  }
0x41: {  	_ =	shalt  }
0x42: {  	_ =	shalt  }
0x43: {  	_ =	shalt  }
0x44: {  	_ =	shalt  }
0x45: {  	_ =	shalt  }
0x46: {  	_ =	shalt  }
0x47: {  	_ =	shalt  }
0x48: {  	_ =	shalt  }
0x49: {  	_ =	shalt  }
0x4a: {  	_ =	shalt  }
0x4b: {  	_ =	shalt  }
0x4c: {  	_ =	shalt  }
0x4d: {  	_ =	shalt  }
0x4e: {  	_ =	shalt  }
0x4f: {  	_ =	shalt  }
0x50: {  	_ =	shalt  }
0x51: {  	_ =	shalt  }
0x52: {  	_ =	shalt  }
0x53: {  	_ =	shalt  }
0x54: {  	_ =	shalt  }
0x55: {  	_ =	shalt  }
0x56: {  	_ =	shalt  }
0x57: {  	_ =	shalt  }
0x58: {  	_ =	shalt  }
0x59: {  	_ =	shalt  }
0x5a: {  	_ =	shalt  }
0x5b: {  	_ =	shalt  }
0x5c: {  	_ =	shalt  }
0x5d: {  	_ =	shalt  }
0x5e: {  	_ =	shalt  }
0x5f: {  	_ =	shalt  }
0x60: {  	_ =	shalt  }
0x61: {  	_ =	shalt  }
0x62: {  	_ =	shalt  }
0x63: {  	_ =	shalt  }
0x64: {  	_ =	shalt  }
0x65: {  	_ =	shalt  }
0x66: {  	_ =	shalt  }
0x67: {  	_ =	shalt  }
0x68: {  	_ =	shalt  }
0x69: {  	_ =	shalt  }
0x6a: {  	_ =	shalt  }
0x6b: {  	_ =	shalt  }
0x6c: {  	_ =	shalt  }
0x6d: {  	_ =	shalt  }
0x6e: {  	_ =	shalt  }
0x6f: {  	_ =	shalt  }
0x70: {  	_ =	shalt  }
0x71: {  	_ =	shalt  }
0x72: {  	_ =	shalt  }
0x73: {  	_ =	shalt  }
0x74: {  	_ =	shalt  }
0x75: {  	_ =	shalt  }
0x76: {  	_ =	shalt  }
0x77: {  	_ =	shalt  }
0x78: {  	_ =	shalt  }
0x79: {  	_ =	shalt  }
0x7a: {  	_ =	shalt  }
0x7b: {  	_ =	shalt  }
0x7c: {  	_ =	shalt  }
0x7d: {  	_ =	shalt  }
0x7e: {  	_ =	shalt  }
0x7f: {  	_ =	shalt  }
0x80: {  	_ =	shalt  }
0x81: {  	_ =	shalt  }
0x82: {  	_ =	shalt  }
0x83: {  	_ =	shalt  }
0x84: {  	_ =	shalt  }
0x85: {  	_ =	shalt  }
0x86: {  	_ =	shalt  }
0x87: {  	_ =	shalt  }
.Lfunc_end0:
.L_simem_size_0:
called_computation.1_lowered:
.L_overlay_start_0:
0x88: {  	s2 =	sld [smem:$0x3FD9]  }
0x89: {  	s3 =	sld [smem:$0x3FFE];
	_ =	sdelay $0x1  }
0x8a: {  	s1 =	srdreg.scid  }
0x8b: {  	s0 =	sand.u32 $0x1, s1  }
0x8c: {  	s17 =	sshll.u32 s0, $0xA;
	s2 =	sadd.s32 s3, s2  }
0x8d: {  	s2 =	sadd.s32 s2, s17  }
0x8e: {  	[smem:$0x3FC6] =	sst s2  }
0x8f: {  	_ = 	snop  }
0x90: {  	s18 =	sld [smem:$0x3FC8];
	(tm) =	ssettm $0x1  }
0x91: {  	s19 =	sld [smem:$0x3FFB];
	_ =	sdelay $0x3  }
0x92: {  	_ =	strace s19  }
0x93: {  	s2 =	sld [smem:$0x3FFC];
	_ =	sdelay $0x3  }
0x94: {  	_ =	strace s2  }
0x95: {  	s2 =	sld [smem:$0x3FFD];
	_ =	sdelay $0x3  }
0x96: {  	_ =	strace s2  }
0x97: {  	_ =	strace $0x8FFFFFFF  }
0x98: {  	s20 =	sld [smem:$0x3FDB];
	_ =	sdelay $0x1  }
0x99: {  	s4 =	simm.s32 $_scs_section_size  }
0x9a: {  	s5 =	simm.s32 $_size__tile_overlayer_lowered;
	s6 =	simm.s32 $_tile_overlayer_lowered  }
0x9b: {  	s7 =	simm.s32 $0x1BFF;
	s21 =	sshll.u32 s6, $0x1;
	s4 =	sadd.s32 s4, s20  }
0x9c: {  	s22 =	simm.s32 $0x0;
	s5 =	sshll.u32 s5, $0x1;
	s6 =	sadd.s32 s21, s4  }
0x9d: {  	[timem:s22], [sflag:s7] =	dma.local [hbm:s6], s5  }
0x9e: {  	_ =	swait.ge [sflag:s7], s5  }
0x9f: {  	s5 =	ssub.s32 $0x0, s5;
	[sflag:s7] =	ssyncset.done $0x0  }
0xa0: {  	[sflag:s7] =	ssyncadd.s32 s5;
	_ =	sdelay $0x1  }
0xa1: {  	s23 =	simm.s32 $0x1B8B  }
0xa2: {  	_ =	swait.ge [sflag:s23], $0x1  }
0xa3: {  	[sflag:s23] =	ssyncset.done $0x0  }
0xa4: {  	[sflag:s23] =	ssyncadd.s32 $0xFFFFFFFF  }
0xa5: {  	s5 =	sld [smem:$0x0]  }
0xa6: {  	s6 =	sand.u32 $0xFFFFFFFE, s1  }
0xa7: {  	p0 =	sne.s32 s1, s6  }
0xa8: {  	s6 =	sshll.u32 @p0 s6, $0xE  }
0xa9: {  	s6 =	sadd.s32 @p0 $0x11B8D, s6;
	s7 =	sshll.u32 @p0 s5, $0x11  }
0xaa: {  	s6 =	sor.u32 @p0 s7, s6  }
0xab: {  	[sflag:s6] =	ssyncadd.remote.s32 @p0 $0x1;
	_ =	sdelay $0x1  }
0xac: {  	s6 =	simm.s32 @p0 $0x1B8D  }
0xad: {  	_ =	swait.eq @p0 [sflag:s6], $0x1  }
0xae: {  	[sflag:s6] =	ssyncadd.s32 @p0 $0xFFFFFFFF  }
0xaf: {  	s7 =	sshll.u32 @!p0 s1, $0xE  }
0xb0: {  	s7 =	sor.u32 @!p0 $0x4000, s7;
	s6 =	simm.s32 @!p0 $0x1B8D  }
0xb1: {  	s5 =	sshll.u32 @!p0 s5, $0x11;
	s7 =	sadd.s32 @!p0 $0x11B8D, s7;
	_ =	swait.eq @!p0 [sflag:s6], $0x1  }
0xb2: {  	s5 =	sor.u32 @!p0 s5, s7;
	[sflag:s6] =	ssyncadd.s32 @!p0 $0xFFFFFFFF  }
0xb3: {  	s25 =	simm.s32 $0x1B8E;
	s24 =	sld [smem:$0x3FFE];
	[sflag:s5] =	ssyncadd.remote.s32 @!p0 $0x1  }
0xb4: {  	s26 =	simm.s32 $execute0_lowered;
	[smem:$0x3FD2] =	sst s25  }
0xb5: {  	s6 =	sshll.u32 s26, $0x1;
	_ =	strace $0x80000049;
	[dreg:$0x1] =	wrdreg $0xFFFFFFFF  }
0xb6: {  	s28 =	simm.s32 $_size_execute0_lowered;
	s4 =	sadd.s32 s4, s6;
	[dreg:$0x0] =	wrdreg $0x0  }
0xb7: {  	s6 =	sshll.u32 s28, $0x1;
	[dreg:$0x2] =	wrdreg s4  }
0xb8: {  	[dreg:$0x3] =	wrdreg s6  }
0xb9: {  	[dreg:$0x4] =	wrdreg $0xC0  }
0xba: {  	_ =	task [dreg:s22], $0x5FFFF  }
0xbb: {  	[dreg:$0x1] =	wrdreg $0xFFFFFFFF  }
0xbc: {  	[dreg:$0x0] =	wrdreg $0x60  }
0xbd: {  	[dreg:$0x2] =	wrdreg s24  }
0xbe: {  	[dreg:$0x3] =	wrdreg s18  }
0xbf: {  	[dreg:$0x4] =	wrdreg $0xA  }
0xc0: {  	_ =	task.clear_ibuf [dreg:s22], $0x5FFFF;
	_ =	strace $0x90000049  }
0xc1: {  	s29 =	simm.s32 $0xA;
	_ =	strace $0x8000004B  }
0xc2: {  	_ =	swait.ge [sflag:s29], $0x1  }
0xc3: {  	[sflag:s29] =	ssyncadd.s32 $0xFFFFFFFF  }
0xc4: {  	_ =	strace $0x9000004B  }
0xc5: {  	_ =	sfence  }
0xc6: {  	s30 =	sld [smem:$0x0];
	_ =	sdelay $0x2  }
0xc7: {  	s31 =	sshll.u32 s1, $0xD;
	s1 =	sshrl.u32 s1, $0x2  }
0xc8: {  	s4 =	sand.u32 $0x4000, s31;
	s1 =	sadd.s32 s1, s30  }
0xc9: {  	s0 =	sor.u32 s4, s0;
	s1 =	sshll.u32 s1, $0x11  }
0xca: {  	s0 =	sor.u32 s1, s0  }
0xcb: {  	s0 =	sadd.s32 $0x8F2B, s0  }
0xcc: {  	[sflag:s0] =	ssyncadd.remote.s32 $0x1  }
0xcd: {  	_ =	sfence.sel $0xFFFF  }
0xce: {  	[dreg:$0x0] =	wrdreg $0xFFFFFFFF;
	(pc) =	sbr.abs _section_cstart, $3  }
0xcf: {  	[dreg:$0x1] =	wrdreg $0xFFFFFFFF  }
0xd0: {  	_ =	task.clear_ibuf [dreg:s22], $0x2FFFF;
	_ =	strace $0x9FFFFFFF  }
0xd1: {  	(tm) =	ssettm $0x7FFFFFFF  }
tec
execute0_lowered:
.L_overlay_start_1:
0x0: {  	(tag) =	ssettag $0x1  }
0x1: {  	s0 =	srdreg.scid  }
0x2: {  	s2 =	stileid.u32;
	s4 =	rddreg [dreg:$0x0]  }
0x3: {  	s3 =	simm.s32 $0x0;
	s10 =	simm.s32 $0x3;
	s11 =	simm.s32 $0xA00  }
0x4: {  	s13 =	simm.s32 $0xD200;
	s14 =	simm.s32 $0xDA00;
	s15 =	simm.s32 $0xE200  }
0x5: {  	s16 =	simm.s32 $0xEA00;
	s17 =	simm.s32 $0xF200;
	s18 =	simm.s32 $0xFA00  }
0x6: {  	s19 =	simm.s32 $0x10200;
	s20 =	simm.s32 $0x10A00;
	s21 =	simm.s32 $0x11200  }
0x7: {  	s22 =	simm.s32 $0x11A00;
	s23 =	simm.s32 $0x12200;
	s24 =	simm.s32 $0x12A00  }
0x8: {  	s25 =	simm.s32 $0x13200;
	s28 =	simm.s32 $0x14200;
	s29 =	simm.s32 $0x14A00  }
0x9: {  	s30 =	simm.s32 $0x15200;
	s31 =	simm.s32 $0x1;
	s0 =	sand.u32 $0x1, s0  }
0xa: {  	s1 =	sshll.u32 s2, $0x1;
	s5 =	smul.u32 $0x1340, s2;
	s2 =	rddreg [dreg:$0x1]  }
0xb: {  	s1 =	sor.u32 s0, s1;
	s6 =	smul.u32 $0x9A0, s0;
	s0 =	ssub.s32 $0x2, s0  }
0xc: {  	[smem:$0x7FF] =	sst s3;
	s1 =	smul.u32 $0x9A0, s1;
	s7 =	sshrl.u32 s0, $0x1  }
0xd: {  	_ =	strace $0x8000004A;
	s5 =	sadd.s32 s6, s5;
	s0 =	ssub.s32 s0, s7  }
0xe: {  	s7 =	simm.s32 $0x0;
	s1 =	sshrl.u32 s1, $0x3;
	s6 =	sadd.s32 $0x38, s5  }
0xf: {  	s5 =	sshrl.u32 s5, $0x3;
	s0 =	smax.u32 s0, $0x1;
	s1 =	sadd.s32 s1, s4  }
.Ltmp0:
0x10: {  	s4 =	sadd.s32 $0x743400, s4;
	s6 =	sshrl.u32 s6, $0x3;
	(pc) =	sbr.rel .LBB2_1-.Ltmp0, $4  }
0x11: {  	s26 =	smul.u32 $0x300, s5;
	s5 =	sadd.s32 $0x100, s2;
	[dreg:$0x4] =	wrdreg s0  }
0x12: {  	v2 =	vlaneseq.u32;
	s0 =	simm.s32 $0xB200;
	s8 =	smul.u32 $0x300, s6;
	s1 =	sadd.s32 $0x73BC00, s1  }
0x13: {  	vm0 =	vmmov $0xffff;
	v1 =	vshrl.u32 v2, $0x3;
	s6 =	sadd.s32 $0x200, s2;
	[dreg:$0x3] =	wrdreg s1;
	s9 =	sadd.s32 s26, s4  }
0x14: {  	v0 =	vand.u32 $0x7, v2;
	v2 =	vor.u32 $0x8, v2;
	v1 =	vmul.u32 $0x8, v1;
	s26 =	simm.s32 $0x13A00;
	s1 =	simm.s32 $0x2;
	s8 =	sadd.s32 s8, s4  }
.LBB2_5:
0x15: {  	s7 =	rddreg [dreg:$0x5]  }
0x16: {  	s4 =	rddreg [dreg:$0x4];
	s7 =	sadd.s32 $0x1, s7  }
0x17: {  	p0 =	sne.s32 s7, s4  }
.Ltmp1:
0x18: {  	_ = 	snop;
	(pc) =	sbr.rel @!p0 .LBB2_6-.Ltmp1, $1  }
0x19: {  	_ =	sdelay $0x3  }
.LBB2_1:
0x1a: {  	[dreg:$0x5] =	wrdreg s7  }
0x1b: {  	s4 =	rddreg [dreg:$0x3]  }
0x1c: {  	[tilespmem:s3], [sflag:$0x3] =	stream.linear.gather [hbm4b:s4+s3], $0x9A0, $0x38;
	[tilespmem:$0x15A00] =	vst v63  }
0x1d: {  	_ =	swait.ge [sflag:s10], $0x9A0  }
0x1e: {  	[sflag:s10] =	ssyncset.done $0x0  }
0x1f: {  	[sflag:s10] =	ssyncadd.s32 $0xFFFFF660  }
0x20: {  	v3 =	vld [tilespmem:$0x0];
	_ =	sdelay $0x4  }
0x21: {  	v4 =	vshrl.u32 v3, $0x3  }
0x22: {  	v4 =	vmul.u32 $0x30, v4  }
0x23: {  	v3 =	vand.u32 $0x7, v3  }
0x24: {  	v3 =	vor.u32 v3, v4  }
0x25: {  	v4 =	vperm.xlane v3, v0;
	_ =	sdelay $0x1  }
0x26: {  	v4 =	vadd.s32 v1, v4;
	_ =	sdelay $0x3  }
0x27: {  	v3 =	vperm.xlane v3, v2  }
0x28: {  	[tilespmem:s11], [sflag:$0x1] =	stream.indirect_vreg.gather [hbm4b:s2+s3], $0x80, v4, vm0, $0xb8;
	[tilespmem:$0x15A00] =	vst v63  }
0x29: {  	s7 =	simm.s32 $0x1200;
	v3 =	vadd.s32 v1, v3  }
0x2a: {  	[tilespmem:s7], [sflag:$0x1] =	stream.indirect_vreg.gather [hbm4b:s5+s3], $0x80, v4, vm0, $0xb8;
	[tilespmem:$0x15A00] =	vst v63  }
0x2b: {  	s12 =	simm.s32 $0x1A00  }
0x2c: {  	[tilespmem:s12], [sflag:$0x1] =	stream.indirect_vreg.gather [hbm4b:s6+s3], $0x80, v4, vm0, $0xb8;
	[tilespmem:$0x15A00] =	vst v63  }
0x2d: {  	s7 =	simm.s32 $0x2200  }
0x2e: {  	[tilespmem:s7], [sflag:$0x1] =	stream.indirect_vreg.gather [hbm4b:s2+s3], $0x80, v3, vm0, $0xb8;
	[tilespmem:$0x15A00] =	vst v63  }
0x2f: {  	s12 =	simm.s32 $0x2A00  }
0x30: {  	[tilespmem:s12], [sflag:$0x1] =	stream.indirect_vreg.gather [hbm4b:s5+s3], $0x80, v3, vm0, $0xb8;
	[tilespmem:$0x15A00] =	vst v63  }
0x31: {  	s7 =	simm.s32 $0x3200  }
0x32: {  	[tilespmem:s7], [sflag:$0x1] =	stream.indirect_vreg.gather [hbm4b:s6+s3], $0x80, v3, vm0, $0xb8;
	[tilespmem:$0x15A00] =	vst v63  }
0x33: {  	v3 =	vld [tilespmem:$0x10];
	_ =	sdelay $0x4  }
0x34: {  	v61 =	vshrl.u32 v3, $0x3  }
0x35: {  	v4 =	vmul.u32 $0x30, v61  }
0x36: {  	v3 =	vand.u32 $0x7, v3  }
0x37: {  	v3 =	vor.u32 v3, v4  }
0x38: {  	v4 =	vperm.xlane v3, v0;
	_ =	sdelay $0x1  }
0x39: {  	v4 =	vadd.s32 v1, v4;
	_ =	sdelay $0x3  }
0x3a: {  	s12 =	simm.s32 $0x3A00;
	v3 =	vperm.xlane v3, v2  }
0x3b: {  	[tilespmem:s12], [sflag:$0x1] =	stream.indirect_vreg.gather [hbm4b:s2+s3], $0x80, v4, vm0, $0xb8;
	[tilespmem:$0x15A00] =	vst v63  }
0x3c: {  	s7 =	simm.s32 $0x4200;
	v3 =	vadd.s32 v1, v3  }
0x3d: {  	[tilespmem:s7], [sflag:$0x1] =	stream.indirect_vreg.gather [hbm4b:s5+s3], $0x80, v4, vm0, $0xb8;
	[tilespmem:$0x15A00] =	vst v63  }
0x3e: {  	s12 =	simm.s32 $0x4A00  }
0x3f: {  	[tilespmem:s12], [sflag:$0x1] =	stream.indirect_vreg.gather [hbm4b:s6+s3], $0x80, v4, vm0, $0xb8;
	[tilespmem:$0x15A00] =	vst v63  }
0x40: {  	s7 =	simm.s32 $0x5200  }
0x41: {  	[tilespmem:s7], [sflag:$0x1] =	stream.indirect_vreg.gather [hbm4b:s2+s3], $0x80, v3, vm0, $0xb8;
	[tilespmem:$0x15A00] =	vst v63  }
0x42: {  	s12 =	simm.s32 $0x5A00  }
0x43: {  	[tilespmem:s12], [sflag:$0x1] =	stream.indirect_vreg.gather [hbm4b:s5+s3], $0x80, v3, vm0, $0xb8;
	[tilespmem:$0x15A00] =	vst v63  }
0x44: {  	s7 =	simm.s32 $0x6200  }
0x45: {  	[tilespmem:s7], [sflag:$0x1] =	stream.indirect_vreg.gather [hbm4b:s6+s3], $0x80, v3, vm0, $0xb8;
	[tilespmem:$0x15A00] =	vst v63  }
0x46: {  	v3 =	vld [tilespmem:$0x20];
	_ =	sdelay $0x4  }
0x47: {  	v62 =	vshrl.u32 v3, $0x3  }
0x48: {  	v4 =	vmul.u32 $0x30, v62  }
0x49: {  	v3 =	vand.u32 $0x7, v3  }
0x4a: {  	v3 =	vor.u32 v3, v4  }
0x4b: {  	v4 =	vperm.xlane v3, v0;
	_ =	sdelay $0x1  }
0x4c: {  	v4 =	vadd.s32 v1, v4;
	_ =	sdelay $0x3  }
0x4d: {  	s12 =	simm.s32 $0x6A00;
	v3 =	vperm.xlane v3, v2  }
0x4e: {  	[tilespmem:s12], [sflag:$0x1] =	stream.indirect_vreg.gather [hbm4b:s2+s3], $0x80, v4, vm0, $0xb8;
	[tilespmem:$0x15A00] =	vst v63  }
0x4f: {  	s7 =	simm.s32 $0x7200;
	v3 =	vadd.s32 v1, v3  }
0x50: {  	[tilespmem:s7], [sflag:$0x1] =	stream.indirect_vreg.gather [hbm4b:s5+s3], $0x80, v4, vm0, $0xb8;
	[tilespmem:$0x15A00] =	vst v63  }
0x51: {  	s12 =	simm.s32 $0x7A00  }
0x52: {  	[tilespmem:s12], [sflag:$0x1] =	stream.indirect_vreg.gather [hbm4b:s6+s3], $0x80, v4, vm0, $0xb8;
	[tilespmem:$0x15A00] =	vst v63  }
0x53: {  	s7 =	simm.s32 $0x8200  }
0x54: {  	[tilespmem:s7], [sflag:$0x1] =	stream.indirect_vreg.gather [hbm4b:s2+s3], $0x80, v3, vm0, $0xb8;
	[tilespmem:$0x15A00] =	vst v63  }
0x55: {  	s12 =	simm.s32 $0x8A00  }
0x56: {  	[tilespmem:s12], [sflag:$0x1] =	stream.indirect_vreg.gather [hbm4b:s5+s3], $0x80, v3, vm0, $0xb8;
	[tilespmem:$0x15A00] =	vst v63  }
0x57: {  	s7 =	simm.s32 $0x9200  }
0x58: {  	[tilespmem:s7], [sflag:$0x1] =	stream.indirect_vreg.gather [hbm4b:s6+s3], $0x80, v3, vm0, $0xb8;
	[tilespmem:$0x15A00] =	vst v63  }
0x59: {  	v3 =	vld.msk [tilespmem:$0x30], $0xff;
	_ =	sdelay $0x4  }
0x5a: {  	v63 =	vshrl.u32 v3, $0x3  }
0x5b: {  	v4 =	vmul.u32 $0x30, v63  }
0x5c: {  	v3 =	vand.u32 $0x7, v3  }
0x5d: {  	v3 =	vor.u32 v3, v4  }
0x5e: {  	v3 =	vperm.xlane v3, v0;
	_ =	sdelay $0x1  }
0x5f: {  	v3 =	vadd.s32 v1, v3;
	_ =	sdelay $0x3  }
0x60: {  	s12 =	simm.s32 $0x9A00  }
0x61: {  	[tilespmem:s12], [sflag:$0x1] =	stream.indirect_vreg.gather [hbm4b:s2+s3], $0x80, v3, vm0, $0xb8;
	[tilespmem:$0x15A00] =	vst v63  }
.Ltmp2:
0x62: {  	_ = 	snop;
	(pc) =	sbr.rel .LBB2_2-.Ltmp2, $4  }
0x63: {  	s7 =	simm.s32 $0xA200  }
0x64: {  	[tilespmem:s7], [sflag:$0x1] =	stream.indirect_vreg.gather [hbm4b:s5+s3], $0x80, v3, vm0, $0xb8;
	[tilespmem:$0x15A00] =	vst v63  }
0x65: {  	s4 =	simm.s32 $0x58;
	s12 =	simm.s32 $0xAA00;
	s7 =	simm.s32 $0x0  }
0x66: {  	[tilespmem:s12], [sflag:$0x1] =	stream.indirect_vreg.gather [hbm4b:s6+s3], $0x80, v3, vm0, $0xb8;
	[tilespmem:$0x15A00] =	vst v63  }
.LBB2_4:
0x67: {  	_ =	swait.ge [sflag:s1], $0xA800;
	s12 =	sadd.s32 s7, s8;
	s7 =	sadd.s32 $0x2A00, s7  }
0x68: {  	[sflag:s1] =	ssyncset.done $0x0;
	p0 =	sne.s32 s7, $0x39C00  }
.Ltmp3:
0x69: {  	[sflag:s1] =	ssyncadd.s32 $0xFFFF5800;
	(pc) =	sbr.rel @!p0 .LBB2_5-.Ltmp3, $4  }
0x6a: {  	[hbm4b:s12+s3] =	stream.linear.scatter [tilespmem:s0], [sflag:$0x3], $0xA800, $0x38;
	[tilespmem:$0x15A00] =	vst v63  }
0x6b: {  	_ =	swait.ge [sflag:s10], $0xA800  }
0x6c: {  	[sflag:s10] =	ssyncset.done $0x0  }
0x6d: {  	s4 =	sadd.s32 $0x70, s4;
	[sflag:s10] =	ssyncadd.s32 $0xFFFF5800  }
.LBB2_2:
0x6e: {  	v3 =	vld [tilespmem:s4+$0xFFFFFFE0];
	_ =	sdelay $0x4  }
0x6f: {  	v4 =	vshrl.u32 v3, $0x3  }
0x70: {  	v4 =	vmul.u32 $0x30, v4  }
0x71: {  	v3 =	vand.u32 $0x7, v3  }
0x72: {  	v3 =	vor.u32 v3, v4  }
0x73: {  	v4 =	vperm.xlane v3, v0;
	_ =	sdelay $0x1  }
0x74: {  	v4 =	vadd.s32 v1, v4;
	_ =	sdelay $0x3  }
0x75: {  	v3 =	vperm.xlane v3, v2  }
0x76: {  	[tilespmem:s0], [sflag:$0x2] =	stream.indirect_vreg.gather [hbm4b:s2+s3], $0x80, v4, vm0, $0xb8;
	[tilespmem:$0x15A00] =	vst v63  }
0x77: {  	s12 =	simm.s32 $0xBA00;
	v3 =	vadd.s32 v1, v3  }
0x78: {  	[tilespmem:s12], [sflag:$0x2] =	stream.indirect_vreg.gather [hbm4b:s5+s3], $0x80, v4, vm0, $0xb8;
	[tilespmem:$0x15A00] =	vst v63  }
0x79: {  	s12 =	simm.s32 $0xC200  }
0x7a: {  	[tilespmem:s12], [sflag:$0x2] =	stream.indirect_vreg.gather [hbm4b:s6+s3], $0x80, v4, vm0, $0xb8;
	[tilespmem:$0x15A00] =	vst v63  }
0x7b: {  	s12 =	simm.s32 $0xCA00  }
0x7c: {  	[tilespmem:s12], [sflag:$0x2] =	stream.indirect_vreg.gather [hbm4b:s2+s3], $0x80, v3, vm0, $0xb8;
	[tilespmem:$0x15A00] =	vst v63  }
0x7d: {  	_ = 	snop  }
0x7e: {  	[tilespmem:s13], [sflag:$0x2] =	stream.indirect_vreg.gather [hbm4b:s5+s3], $0x80, v3, vm0, $0xb8;
	[tilespmem:$0x15A00] =	vst v63  }
0x7f: {  	_ = 	snop  }
0x80: {  	[tilespmem:s14], [sflag:$0x2] =	stream.indirect_vreg.gather [hbm4b:s6+s3], $0x80, v3, vm0, $0xb8;
	[tilespmem:$0x15A00] =	vst v63  }
0x81: {  	v3 =	vld [tilespmem:s4+$0xFFFFFFF0];
	_ =	sdelay $0x4  }
0x82: {  	v61 =	vshrl.u32 v3, $0x3  }
0x83: {  	v4 =	vmul.u32 $0x30, v61  }
0x84: {  	v3 =	vand.u32 $0x7, v3  }
0x85: {  	v3 =	vor.u32 v3, v4  }
0x86: {  	v4 =	vperm.xlane v3, v0;
	_ =	sdelay $0x1  }
0x87: {  	v4 =	vadd.s32 v1, v4;
	_ =	sdelay $0x3  }
0x88: {  	v3 =	vperm.xlane v3, v2  }
0x89: {  	[tilespmem:s15], [sflag:$0x2] =	stream.indirect_vreg.gather [hbm4b:s2+s3], $0x80, v4, vm0, $0xb8;
	[tilespmem:$0x15A00] =	vst v63  }
0x8a: {  	v3 =	vadd.s32 v1, v3  }
0x8b: {  	[tilespmem:s16], [sflag:$0x2] =	stream.indirect_vreg.gather [hbm4b:s5+s3], $0x80, v4, vm0, $0xb8;
	[tilespmem:$0x15A00] =	vst v63  }
0x8c: {  	_ = 	snop  }
0x8d: {  	[tilespmem:s17], [sflag:$0x2] =	stream.indirect_vreg.gather [hbm4b:s6+s3], $0x80, v4, vm0, $0xb8;
	[tilespmem:$0x15A00] =	vst v63  }
0x8e: {  	_ = 	snop  }
0x8f: {  	[tilespmem:s18], [sflag:$0x2] =	stream.indirect_vreg.gather [hbm4b:s2+s3], $0x80, v3, vm0, $0xb8;
	[tilespmem:$0x15A00] =	vst v63  }
0x90: {  	_ = 	snop  }
0x91: {  	[tilespmem:s19], [sflag:$0x2] =	stream.indirect_vreg.gather [hbm4b:s5+s3], $0x80, v3, vm0, $0xb8;
	[tilespmem:$0x15A00] =	vst v63  }
0x92: {  	_ = 	snop  }
0x93: {  	[tilespmem:s20], [sflag:$0x2] =	stream.indirect_vreg.gather [hbm4b:s6+s3], $0x80, v3, vm0, $0xb8;
	[tilespmem:$0x15A00] =	vst v63  }
0x94: {  	v3 =	vld [tilespmem:s4+$0x0];
	_ =	sdelay $0x4  }
0x95: {  	v62 =	vshrl.u32 v3, $0x3  }
0x96: {  	v4 =	vmul.u32 $0x30, v62  }
0x97: {  	v3 =	vand.u32 $0x7, v3  }
0x98: {  	v3 =	vor.u32 v3, v4  }
0x99: {  	v4 =	vperm.xlane v3, v0;
	_ =	sdelay $0x1  }
0x9a: {  	v4 =	vadd.s32 v1, v4;
	_ =	sdelay $0x3  }
0x9b: {  	v3 =	vperm.xlane v3, v2  }
0x9c: {  	[tilespmem:s21], [sflag:$0x2] =	stream.indirect_vreg.gather [hbm4b:s2+s3], $0x80, v4, vm0, $0xb8;
	[tilespmem:$0x15A00] =	vst v63  }
0x9d: {  	v3 =	vadd.s32 v1, v3  }
0x9e: {  	[tilespmem:s22], [sflag:$0x2] =	stream.indirect_vreg.gather [hbm4b:s5+s3], $0x80, v4, vm0, $0xb8;
	[tilespmem:$0x15A00] =	vst v63  }
0x9f: {  	_ = 	snop  }
0xa0: {  	[tilespmem:s23], [sflag:$0x2] =	stream.indirect_vreg.gather [hbm4b:s6+s3], $0x80, v4, vm0, $0xb8;
	[tilespmem:$0x15A00] =	vst v63  }
0xa1: {  	_ = 	snop  }
0xa2: {  	[tilespmem:s24], [sflag:$0x2] =	stream.indirect_vreg.gather [hbm4b:s2+s3], $0x80, v3, vm0, $0xb8;
	[tilespmem:$0x15A00] =	vst v63  }
0xa3: {  	_ = 	snop  }
0xa4: {  	[tilespmem:s25], [sflag:$0x2] =	stream.indirect_vreg.gather [hbm4b:s5+s3], $0x80, v3, vm0, $0xb8;
	[tilespmem:$0x15A00] =	vst v63  }
0xa5: {  	_ = 	snop  }
0xa6: {  	[tilespmem:s26], [sflag:$0x2] =	stream.indirect_vreg.gather [hbm4b:s6+s3], $0x80, v3, vm0, $0xb8;
	[tilespmem:$0x15A00] =	vst v63  }
0xa7: {  	v3 =	vld.msk [tilespmem:s4+$0x10], $0xff;
	_ =	sdelay $0x4  }
0xa8: {  	v63 =	vshrl.u32 v3, $0x3  }
0xa9: {  	v4 =	vmul.u32 $0x30, v63  }
0xaa: {  	v3 =	vand.u32 $0x7, v3  }
0xab: {  	v3 =	vor.u32 v3, v4  }
0xac: {  	v3 =	vperm.xlane v3, v0;
	_ =	sdelay $0x1  }
0xad: {  	v3 =	vadd.s32 v1, v3;
	_ =	sdelay $0x4  }
0xae: {  	[tilespmem:s28], [sflag:$0x2] =	stream.indirect_vreg.gather [hbm4b:s2+s3], $0x80, v3, vm0, $0xb8;
	[tilespmem:$0x15A00] =	vst v63  }
0xaf: {  	_ = 	snop  }
0xb0: {  	[tilespmem:s29], [sflag:$0x2] =	stream.indirect_vreg.gather [hbm4b:s5+s3], $0x80, v3, vm0, $0xb8;
	[tilespmem:$0x15A00] =	vst v63  }
0xb1: {  	_ = 	snop  }
0xb2: {  	[tilespmem:s30], [sflag:$0x2] =	stream.indirect_vreg.gather [hbm4b:s6+s3], $0x80, v3, vm0, $0xb8;
	[tilespmem:$0x15A00] =	vst v63  }
0xb3: {  	_ =	swait.ge [sflag:s31], $0xA800  }
0xb4: {  	p0 =	seq.s32 s7, $0x37200;
	[sflag:s31] =	ssyncset.done $0x0  }
.Ltmp4:
0xb5: {  	s12 =	sadd.s32 s7, s9;
	[sflag:s31] =	ssyncadd.s32 $0xFFFF5800;
	(pc) =	sbr.rel @p0 .LBB2_4-.Ltmp4, $4  }
0xb6: {  	[hbm4b:s12+s3] =	stream.linear.scatter [tilespmem:s11], [sflag:$0x3], $0xA800, $0x38;
	[tilespmem:$0x15A00] =	vst v63  }
0xb7: {  	_ =	swait.ge [sflag:s10], $0xA800  }
0xb8: {  	[sflag:s10] =	ssyncset.done $0x0  }
0xb9: {  	[sflag:s10] =	ssyncadd.s32 $0xFFFF5800  }
0xba: {  	v3 =	vld [tilespmem:s4+$0x18];
	_ =	sdelay $0x4  }
0xbb: {  	v4 =	vshrl.u32 v3, $0x3  }
0xbc: {  	v4 =	vmul.u32 $0x30, v4  }
0xbd: {  	v3 =	vand.u32 $0x7, v3  }
0xbe: {  	v3 =	vor.u32 v3, v4  }
0xbf: {  	v4 =	vperm.xlane v3, v0;
	_ =	sdelay $0x1  }
0xc0: {  	v4 =	vadd.s32 v1, v4;
	_ =	sdelay $0x3  }
0xc1: {  	v3 =	vperm.xlane v3, v2  }
0xc2: {  	[tilespmem:s11], [sflag:$0x1] =	stream.indirect_vreg.gather [hbm4b:s2+s3], $0x80, v4, vm0, $0xb8;
	[tilespmem:$0x15A00] =	vst v63  }
0xc3: {  	s12 =	simm.s32 $0x1200;
	v3 =	vadd.s32 v1, v3  }
0xc4: {  	[tilespmem:s12], [sflag:$0x1] =	stream.indirect_vreg.gather [hbm4b:s5+s3], $0x80, v4, vm0, $0xb8;
	[tilespmem:$0x15A00] =	vst v63  }
0xc5: {  	s12 =	simm.s32 $0x1A00  }
0xc6: {  	[tilespmem:s12], [sflag:$0x1] =	stream.indirect_vreg.gather [hbm4b:s6+s3], $0x80, v4, vm0, $0xb8;
	[tilespmem:$0x15A00] =	vst v63  }
0xc7: {  	s12 =	simm.s32 $0x2200  }
0xc8: {  	[tilespmem:s12], [sflag:$0x1] =	stream.indirect_vreg.gather [hbm4b:s2+s3], $0x80, v3, vm0, $0xb8;
	[tilespmem:$0x15A00] =	vst v63  }
0xc9: {  	s12 =	simm.s32 $0x2A00  }
0xca: {  	[tilespmem:s12], [sflag:$0x1] =	stream.indirect_vreg.gather [hbm4b:s5+s3], $0x80, v3, vm0, $0xb8;
	[tilespmem:$0x15A00] =	vst v63  }
0xcb: {  	s12 =	simm.s32 $0x3200  }
0xcc: {  	[tilespmem:s12], [sflag:$0x1] =	stream.indirect_vreg.gather [hbm4b:s6+s3], $0x80, v3, vm0, $0xb8;
	[tilespmem:$0x15A00] =	vst v63  }
0xcd: {  	v3 =	vld [tilespmem:s4+$0x28];
	_ =	sdelay $0x4  }
0xce: {  	v61 =	vshrl.u32 v3, $0x3  }
0xcf: {  	v4 =	vmul.u32 $0x30, v61  }
0xd0: {  	v3 =	vand.u32 $0x7, v3  }
0xd1: {  	v3 =	vor.u32 v3, v4  }
0xd2: {  	v4 =	vperm.xlane v3, v0;
	_ =	sdelay $0x1  }
0xd3: {  	v4 =	vadd.s32 v1, v4;
	_ =	sdelay $0x3  }
0xd4: {  	s12 =	simm.s32 $0x3A00;
	v3 =	vperm.xlane v3, v2  }
0xd5: {  	[tilespmem:s12], [sflag:$0x1] =	stream.indirect_vreg.gather [hbm4b:s2+s3], $0x80, v4, vm0, $0xb8;
	[tilespmem:$0x15A00] =	vst v63  }
0xd6: {  	v3 =	vadd.s32 v1, v3;
	s12 =	simm.s32 $0x4200  }
0xd7: {  	[tilespmem:s12], [sflag:$0x1] =	stream.indirect_vreg.gather [hbm4b:s5+s3], $0x80, v4, vm0, $0xb8;
	[tilespmem:$0x15A00] =	vst v63  }
0xd8: {  	s12 =	simm.s32 $0x4A00  }
0xd9: {  	[tilespmem:s12], [sflag:$0x1] =	stream.indirect_vreg.gather [hbm4b:s6+s3], $0x80, v4, vm0, $0xb8;
	[tilespmem:$0x15A00] =	vst v63  }
0xda: {  	s12 =	simm.s32 $0x5200  }
0xdb: {  	[tilespmem:s12], [sflag:$0x1] =	stream.indirect_vreg.gather [hbm4b:s2+s3], $0x80, v3, vm0, $0xb8;
	[tilespmem:$0x15A00] =	vst v63  }
0xdc: {  	s12 =	simm.s32 $0x5A00  }
0xdd: {  	[tilespmem:s12], [sflag:$0x1] =	stream.indirect_vreg.gather [hbm4b:s5+s3], $0x80, v3, vm0, $0xb8;
	[tilespmem:$0x15A00] =	vst v63  }
0xde: {  	s12 =	simm.s32 $0x6200  }
0xdf: {  	[tilespmem:s12], [sflag:$0x1] =	stream.indirect_vreg.gather [hbm4b:s6+s3], $0x80, v3, vm0, $0xb8;
	[tilespmem:$0x15A00] =	vst v63  }
0xe0: {  	v3 =	vld [tilespmem:s4+$0x38];
	_ =	sdelay $0x4  }
0xe1: {  	v62 =	vshrl.u32 v3, $0x3  }
0xe2: {  	v4 =	vmul.u32 $0x30, v62  }
0xe3: {  	v3 =	vand.u32 $0x7, v3  }
0xe4: {  	v3 =	vor.u32 v3, v4  }
0xe5: {  	v4 =	vperm.xlane v3, v0;
	_ =	sdelay $0x1  }
0xe6: {  	v4 =	vadd.s32 v1, v4;
	_ =	sdelay $0x3  }
0xe7: {  	s12 =	simm.s32 $0x6A00;
	v3 =	vperm.xlane v3, v2  }
0xe8: {  	[tilespmem:s12], [sflag:$0x1] =	stream.indirect_vreg.gather [hbm4b:s2+s3], $0x80, v4, vm0, $0xb8;
	[tilespmem:$0x15A00] =	vst v63  }
0xe9: {  	v3 =	vadd.s32 v1, v3;
	s12 =	simm.s32 $0x7200  }
0xea: {  	[tilespmem:s12], [sflag:$0x1] =	stream.indirect_vreg.gather [hbm4b:s5+s3], $0x80, v4, vm0, $0xb8;
	[tilespmem:$0x15A00] =	vst v63  }
0xeb: {  	s12 =	simm.s32 $0x7A00  }
0xec: {  	[tilespmem:s12], [sflag:$0x1] =	stream.indirect_vreg.gather [hbm4b:s6+s3], $0x80, v4, vm0, $0xb8;
	[tilespmem:$0x15A00] =	vst v63  }
0xed: {  	s12 =	simm.s32 $0x8200  }
0xee: {  	[tilespmem:s12], [sflag:$0x1] =	stream.indirect_vreg.gather [hbm4b:s2+s3], $0x80, v3, vm0, $0xb8;
	[tilespmem:$0x15A00] =	vst v63  }
0xef: {  	s12 =	simm.s32 $0x8A00  }
0xf0: {  	[tilespmem:s12], [sflag:$0x1] =	stream.indirect_vreg.gather [hbm4b:s5+s3], $0x80, v3, vm0, $0xb8;
	[tilespmem:$0x15A00] =	vst v63  }
0xf1: {  	s12 =	simm.s32 $0x9200  }
0xf2: {  	[tilespmem:s12], [sflag:$0x1] =	stream.indirect_vreg.gather [hbm4b:s6+s3], $0x80, v3, vm0, $0xb8;
	[tilespmem:$0x15A00] =	vst v63  }
0xf3: {  	v3 =	vld.msk [tilespmem:s4+$0x48], $0xff;
	_ =	sdelay $0x4  }
0xf4: {  	v63 =	vshrl.u32 v3, $0x3  }
0xf5: {  	v4 =	vmul.u32 $0x30, v63  }
0xf6: {  	v3 =	vand.u32 $0x7, v3  }
0xf7: {  	v3 =	vor.u32 v3, v4  }
0xf8: {  	v3 =	vperm.xlane v3, v0;
	_ =	sdelay $0x1  }
0xf9: {  	v3 =	vadd.s32 v1, v3;
	_ =	sdelay $0x3  }
0xfa: {  	s12 =	simm.s32 $0x9A00  }
0xfb: {  	[tilespmem:s12], [sflag:$0x1] =	stream.indirect_vreg.gather [hbm4b:s2+s3], $0x80, v3, vm0, $0xb8;
	[tilespmem:$0x15A00] =	vst v63  }
.Ltmp5:
0xfc: {  	_ = 	snop;
	(pc) =	sbr.rel .LBB2_4-.Ltmp5, $4  }
0xfd: {  	s12 =	simm.s32 $0xA200  }
0xfe: {  	[tilespmem:s12], [sflag:$0x1] =	stream.indirect_vreg.gather [hbm4b:s5+s3], $0x80, v3, vm0, $0xb8;
	[tilespmem:$0x15A00] =	vst v63  }
0xff: {  	s12 =	simm.s32 $0xAA00  }
0x100: {  	[tilespmem:s12], [sflag:$0x1] =	stream.indirect_vreg.gather [hbm4b:s6+s3], $0x80, v3, vm0, $0xb8;
	[tilespmem:$0x15A00] =	vst v63  }
.LBB2_6:
0x101: {  	_ =	sfence.sel $0x180000  }
0x102: {  	[bflag:$0x0] =	sbarrier.arrive $0xFFFF  }
0x103: {  	_ =	strace $0x9000004A  }
0x104: {  	s0 =	stileid.u32;
	[bflag:$0x2] =	sbarrier.arrive $0xFFFF  }
0x105: {  	p0 =	sne.s32 s0, $0x0;
	s0 =	rddreg [dreg:$0x2]  }
0x106: {  	s0 =	sadd.s32 @!p0 $0x100000, s0  }
0x107: {  	[sflag:s0] =	ssyncadd.tile.s32 @!p0 $0x1;
	_ =	shalt  }
.Lfunc_end2:
_tile_overlayer_lowered:
.L_overlay_start_2:
0x108: {  	(tag) =	ssettag $0x2  }
0x109: {  	s0 =	rddreg [dreg:$0x0];
	s2 =	stileid.u32  }
0x10a: {  	s1 =	rddreg [dreg:$0x1];
	p0 =	sne.s32 s2, $0x0  }
0x10b: {  	s3 =	rddreg [dreg:$0x2];
	[bflag:$0x3] =	sbarrier.arrive $0xFFFF;
	s2 =	simm.s32 @!p0 $0x1C03  }
0x10c: {  	[timem:s3], [sflag:s2] =	dma.local @!p0 [hbm:s0], s1  }
0x10d: {  	s0 =	simm.s32 @!p0 $0x3  }
0x10e: {  	_ =	swait.ge @!p0 [sflag:s0], s1  }
0x10f: {  	s1 =	ssub.s32 @!p0 $0x0, s1;
	[sflag:s0] =	ssyncset.done @!p0 $0x0  }
0x110: {  	[sflag:s0] =	ssyncadd.s32 @!p0 s1  }
0x111: {  	[bflag:$0x3] =	sbarrier.arrive $0xFFFF  }
0x112: {  	_ =	shalt  }

// kernel: kernel.16.cloned.1.call-start
scs
__scs_entry_jumppad:
0x0: {  	(pc) =	sbr.rel $0x88, $3  }
0x1: {  	(tag) =	ssettag $0x0;
	lr =	simm.s32 $0x1  }
0x2: {  	[smem:$0x3F9F] =	sst lr;
	_ =	strace $0xD0000000  }
0x3: {  	_ = 	snop  }
0x4: {  	_ = 	snop  }
0x5: {  	_ = 	snop  }
0x6: {  	_ = 	snop  }
0x7: {  	_ = 	snop  }
__scs_overlays_trampoline_lowered:
0x8: {  	[smem:$0x3FAE] =	sst s0  }
0x9: {  	[smem:$0x3FAF] =	sst s1  }
0xa: {  	[smem:$0x3FB0] =	sst s2  }
0xb: {  	[smem:$0x3FB1] =	sst s3  }
0xc: {  	[smem:$0x3FB2] =	sst s4  }
0xd: {  	[smem:$0x3FB3] =	sst s5  }
0xe: {  	[smem:$0x3FB4] =	sst s6  }
0xf: {  	[smem:$0x3FB5] =	sst s7  }
0x10: {  	[smem:$0x3FB6] =	sst s8  }
0x11: {  	[smem:$0x3FB7] =	sst s9;
	s0 =	simm.s32 @!p0 $0x0  }
0x12: {  	s1 =	sld [smem:$0x3F9D];
	s0 =	simm.s32 @p0 $0x1  }
0x13: {  	[smem:$0x3FB8] =	sst s0;
	s0 =	simm.s32 @!p1 $0x0  }
0x14: {  	s2 =	sld [smem:$0x3F9C];
	s0 =	simm.s32 @p1 $0x1  }
0x15: {  	[smem:$0x3FB9] =	sst s0;
	s0 =	simm.s32 @!p2 $0x0  }
0x16: {  	s3 =	sld [smem:$0x3FDB];
	s0 =	simm.s32 @p2 $0x1  }
0x17: {  	s4 =	simm.s32 $0x1BF5;
	[smem:$0x3FBB] =	sst s0  }
0x18: {  	s0 =	sld [smem:$0x3F9E];
	_ =	swait.ge [sflag:s4], $0x0  }
0x19: {  	s7 =	sld [smem:$0x3F9F]  }
0x1a: {  	s8 =	sadd.s32 $0xFFFFE003, lr  }
0x1b: {  	s9 =	sadd.s32 $0xFFFFFEF7, lr;
	s5 =	simm.s32 $0xFFFFFFFF;
	p2 =	slt.u32 s8, $0xFFFFF086  }
0x1c: {  	p1 =	slt.u32 s9, $0xF7A;
	s5 =	simm.s32 @!p2 $0x0  }
0x1d: {  	s5 =	simm.s32 @p1 $0x1;
	p0 =	seq.s32 s7, s2  }
0x1e: {  	s7 =	smul.u32 @!p0 $0xF7A, s2;
	p2 =	seq.s32 @!p0 s5, $0x0  }
0x1f: {  	s9 =	smul.u32 $0xF7A, s1;
	s8 =	simm.s32 @!p0 $0x1BF5;
	p2 =	por !p2, p0  }
0x20: {  	[sflag:s8] =	ssyncset.s32 @!p0 $0xFFFFF086;
	s6 =	sadd.s32 @!p0 s3, s7;
	s7 =	simm.s32 @!p0 $0x108  }
0x21: {  	s3 =	sadd.s32 s3, s9;
	s6 =	sadd.s32 @!p0 $0x88, s6;
	s7 =	simm.s32 @p2 $0x1082  }
0x22: {  	[simem:s7], [sflag:s8] =	dma.local @!p0 [hbm:s6], $0xF7A  }
0x23: {  	s9 =	sor.u32 $0xD0000000, s2;
	s6 =	simm.s32 $0x108;
	_ =	swait.ge @!p0 [sflag:s8], $0x0  }
0x24: {  	s3 =	sadd.s32 $0x88, s3;
	s6 =	simm.s32 @!p1 $0x1082;
	[sflag:s4] =	ssyncset.s32 $0xFFFFF086  }
0x25: {  	[simem:s6], [sflag:s4] =	dma.local [hbm:s3], $0xF7A  }
0x26: {  	[smem:$0x3F9F] =	sst s1;
	(tag) =	ssettag s2;
	_ =	strace s9  }
0x27: {  	s1 =	sld [smem:$0x3FAF]  }
0x28: {  	s2 =	sld [smem:$0x3FB0]  }
0x29: {  	s4 =	sld [smem:$0x3FB2]  }
0x2a: {  	p0 =	seq.s32 s5, $0x0;
	s5 =	sld [smem:$0x3FB3]  }
0x2b: {  	s6 =	sld [smem:$0x3FB4]  }
0x2c: {  	s7 =	sld [smem:$0x3FB5]  }
0x2d: {  	s3 =	simm.s32 $0x108;
	s8 =	sld [smem:$0x3FB6]  }
0x2e: {  	s3 =	simm.s32 @!p0 $0x1082;
	s9 =	sld [smem:$0x3FB7]  }
0x2f: {  	lr =	sadd.s32 s0, s3;
	s0 =	sld [smem:$0x3FAE]  }
0x30: {  	s3 =	sld [smem:$0x3FB1]  }
0x31: {  	[smem:$0x3FBA] =	sst s10  }
0x32: {  	s10 =	sld [smem:$0x3FB8];
	_ =	sdelay $0x3  }
0x33: {  	p0 =	seq.s32 s10, $0x1;
	s10 =	sld [smem:$0x3FBA];
	_ =	sdelay $0x3  }
0x34: {  	[smem:$0x3FBA] =	sst s10  }
0x35: {  	s10 =	sld [smem:$0x3FB9];
	_ =	sdelay $0x3  }
0x36: {  	p1 =	seq.s32 s10, $0x1;
	s10 =	sld [smem:$0x3FBA];
	_ =	sdelay $0x3  }
0x37: {  	[smem:$0x3FBA] =	sst s10  }
0x38: {  	s10 =	sld [smem:$0x3FBB]  }
0x39: {  	_ = 	snop;
	(pc) =	sbr.ind lr, $3  }
0x3a: {  	_ = 	snop  }
0x3b: {  	_ = 	snop  }
0x3c: {  	p2 =	seq.s32 s10, $0x1;
	s10 =	sld [smem:$0x3FBA]  }
0x3d: {  	_ =	shalt  }
0x3e: {  	_ =	shalt  }
0x3f: {  	_ =	shalt  }
0x40: {  	_ =	shalt  }
0x41: {  	_ =	shalt  }
0x42: {  	_ =	shalt  }
0x43: {  	_ =	shalt  }
0x44: {  	_ =	shalt  }
0x45: {  	_ =	shalt  }
0x46: {  	_ =	shalt  }
0x47: {  	_ =	shalt  }
0x48: {  	_ =	shalt  }
0x49: {  	_ =	shalt  }
0x4a: {  	_ =	shalt  }
0x4b: {  	_ =	shalt  }
0x4c: {  	_ =	shalt  }
0x4d: {  	_ =	shalt  }
0x4e: {  	_ =	shalt  }
0x4f: {  	_ =	shalt  }
0x50: {  	_ =	shalt  }
0x51: {  	_ =	shalt  }
0x52: {  	_ =	shalt  }
0x53: {  	_ =	shalt  }
0x54: {  	_ =	shalt  }
0x55: {  	_ =	shalt  }
0x56: {  	_ =	shalt  }
0x57: {  	_ =	shalt  }
0x58: {  	_ =	shalt  }
0x59: {  	_ =	shalt  }
0x5a: {  	_ =	shalt  }
0x5b: {  	_ =	shalt  }
0x5c: {  	_ =	shalt  }
0x5d: {  	_ =	shalt  }
0x5e: {  	_ =	shalt  }
0x5f: {  	_ =	shalt  }
0x60: {  	_ =	shalt  }
0x61: {  	_ =	shalt  }
0x62: {  	_ =	shalt  }
0x63: {  	_ =	shalt  }
0x64: {  	_ =	shalt  }
0x65: {  	_ =	shalt  }
0x66: {  	_ =	shalt  }
0x67: {  	_ =	shalt  }
0x68: {  	_ =	shalt  }
0x69: {  	_ =	shalt  }
0x6a: {  	_ =	shalt  }
0x6b: {  	_ =	shalt  }
0x6c: {  	_ =	shalt  }
0x6d: {  	_ =	shalt  }
0x6e: {  	_ =	shalt  }
0x6f: {  	_ =	shalt  }
0x70: {  	_ =	shalt  }
0x71: {  	_ =	shalt  }
0x72: {  	_ =	shalt  }
0x73: {  	_ =	shalt  }
0x74: {  	_ =	shalt  }
0x75: {  	_ =	shalt  }
0x76: {  	_ =	shalt  }
0x77: {  	_ =	shalt  }
0x78: {  	_ =	shalt  }
0x79: {  	_ =	shalt  }
0x7a: {  	_ =	shalt  }
0x7b: {  	_ =	shalt  }
0x7c: {  	_ =	shalt  }
0x7d: {  	_ =	shalt  }
0x7e: {  	_ =	shalt  }
0x7f: {  	_ =	shalt  }
0x80: {  	_ =	shalt  }
0x81: {  	_ =	shalt  }
0x82: {  	_ =	shalt  }
0x83: {  	_ =	shalt  }
0x84: {  	_ =	shalt  }
0x85: {  	_ =	shalt  }
0x86: {  	_ =	shalt  }
0x87: {  	_ =	shalt  }
.Lfunc_end0:
.L_simem_size_0:
called_computation.2_lowered:
.L_overlay_start_0:
0x88: {  	s2 =	sld [smem:$0x3FD9]  }
0x89: {  	s3 =	sld [smem:$0x3FFE];
	_ =	sdelay $0x1  }
0x8a: {  	s1 =	srdreg.scid  }
0x8b: {  	s0 =	sand.u32 $0x1, s1  }
0x8c: {  	s17 =	sshll.u32 s0, $0xA;
	s2 =	sadd.s32 s3, s2  }
0x8d: {  	s2 =	sadd.s32 s2, s17  }
0x8e: {  	[smem:$0x3FC6] =	sst s2  }
0x8f: {  	_ = 	snop  }
0x90: {  	s18 =	sld [smem:$0x3FC8];
	(tm) =	ssettm $0x1  }
0x91: {  	s19 =	sld [smem:$0x3FFB];
	_ =	sdelay $0x3  }
0x92: {  	_ =	strace s19  }
0x93: {  	s2 =	sld [smem:$0x3FFC];
	_ =	sdelay $0x3  }
0x94: {  	_ =	strace s2  }
0x95: {  	s2 =	sld [smem:$0x3FFD];
	_ =	sdelay $0x3  }
0x96: {  	_ =	strace s2  }
0x97: {  	_ =	strace $0x8FFFFFFF  }
0x98: {  	s20 =	sld [smem:$0x3FDB];
	_ =	sdelay $0x1  }
0x99: {  	s4 =	simm.s32 $_scs_section_size  }
0x9a: {  	s5 =	simm.s32 $_size__tile_overlayer_lowered;
	s6 =	simm.s32 $_tile_overlayer_lowered  }
0x9b: {  	s7 =	simm.s32 $0x1BFF;
	s21 =	sshll.u32 s6, $0x1;
	s4 =	sadd.s32 s4, s20  }
0x9c: {  	s22 =	simm.s32 $0x0;
	s5 =	sshll.u32 s5, $0x1;
	s6 =	sadd.s32 s21, s4  }
0x9d: {  	[timem:s22], [sflag:s7] =	dma.local [hbm:s6], s5  }
0x9e: {  	_ =	swait.ge [sflag:s7], s5  }
0x9f: {  	s5 =	ssub.s32 $0x0, s5;
	[sflag:s7] =	ssyncset.done $0x0  }
0xa0: {  	[sflag:s7] =	ssyncadd.s32 s5;
	_ =	sdelay $0x1  }
0xa1: {  	s23 =	simm.s32 $0x1B8B  }
0xa2: {  	_ =	swait.ge [sflag:s23], $0x1  }
0xa3: {  	[sflag:s23] =	ssyncset.done $0x0  }
0xa4: {  	[sflag:s23] =	ssyncadd.s32 $0xFFFFFFFF  }
0xa5: {  	s5 =	sld [smem:$0x0]  }
0xa6: {  	s6 =	sand.u32 $0xFFFFFFFE, s1  }
0xa7: {  	p0 =	sne.s32 s1, s6  }
0xa8: {  	s6 =	sshll.u32 @p0 s6, $0xE  }
0xa9: {  	s6 =	sadd.s32 @p0 $0x11B8D, s6;
	s7 =	sshll.u32 @p0 s5, $0x11  }
0xaa: {  	s6 =	sor.u32 @p0 s7, s6  }
0xab: {  	[sflag:s6] =	ssyncadd.remote.s32 @p0 $0x1;
	_ =	sdelay $0x1  }
0xac: {  	s6 =	simm.s32 @p0 $0x1B8D  }
0xad: {  	_ =	swait.eq @p0 [sflag:s6], $0x1  }
0xae: {  	[sflag:s6] =	ssyncadd.s32 @p0 $0xFFFFFFFF  }
0xaf: {  	s7 =	sshll.u32 @!p0 s1, $0xE  }
0xb0: {  	s7 =	sor.u32 @!p0 $0x4000, s7;
	s6 =	simm.s32 @!p0 $0x1B8D  }
0xb1: {  	s5 =	sshll.u32 @!p0 s5, $0x11;
	s7 =	sadd.s32 @!p0 $0x11B8D, s7;
	_ =	swait.eq @!p0 [sflag:s6], $0x1  }
0xb2: {  	s5 =	sor.u32 @!p0 s5, s7;
	[sflag:s6] =	ssyncadd.s32 @!p0 $0xFFFFFFFF  }
0xb3: {  	s25 =	simm.s32 $0x1B8E;
	s24 =	sld [smem:$0x3FFE];
	[sflag:s5] =	ssyncadd.remote.s32 @!p0 $0x1  }
0xb4: {  	s26 =	simm.s32 $execute0_lowered;
	[smem:$0x3FD2] =	sst s25  }
0xb5: {  	s6 =	sshll.u32 s26, $0x1;
	_ =	strace $0x8000004C;
	[dreg:$0x1] =	wrdreg $0xFFFFFFFF  }
0xb6: {  	s28 =	simm.s32 $_size_execute0_lowered;
	s4 =	sadd.s32 s4, s6;
	[dreg:$0x0] =	wrdreg $0x0  }
0xb7: {  	s6 =	sshll.u32 s28, $0x1;
	[dreg:$0x2] =	wrdreg s4  }
0xb8: {  	[dreg:$0x3] =	wrdreg s6  }
0xb9: {  	[dreg:$0x4] =	wrdreg $0xC0  }
0xba: {  	_ =	task [dreg:s22], $0x5FFFF  }
0xbb: {  	[dreg:$0x1] =	wrdreg $0xFFFFFFFF  }
0xbc: {  	[dreg:$0x0] =	wrdreg $0x60  }
0xbd: {  	[dreg:$0x2] =	wrdreg s24  }
0xbe: {  	[dreg:$0x3] =	wrdreg s18  }
0xbf: {  	[dreg:$0x4] =	wrdreg $0xB  }
0xc0: {  	_ =	task.clear_ibuf [dreg:s22], $0x5FFFF;
	_ =	strace $0x9000004C  }
0xc1: {  	s29 =	simm.s32 $0xB;
	_ =	strace $0x8000004E  }
0xc2: {  	_ =	swait.ge [sflag:s29], $0x1  }
0xc3: {  	[sflag:s29] =	ssyncadd.s32 $0xFFFFFFFF  }
0xc4: {  	_ =	strace $0x9000004E  }
0xc5: {  	_ =	sfence  }
0xc6: {  	s30 =	sld [smem:$0x0];
	_ =	sdelay $0x2  }
0xc7: {  	s31 =	sshll.u32 s1, $0xD;
	s1 =	sshrl.u32 s1, $0x2  }
0xc8: {  	s4 =	sand.u32 $0x4000, s31;
	s1 =	sadd.s32 s1, s30  }
0xc9: {  	s0 =	sor.u32 s4, s0;
	s1 =	sshll.u32 s1, $0x11  }
0xca: {  	s0 =	sor.u32 s1, s0  }
0xcb: {  	s0 =	sadd.s32 $0x8F2B, s0  }
0xcc: {  	[sflag:s0] =	ssyncadd.remote.s32 $0x1  }
0xcd: {  	_ =	sfence.sel $0xFFFF  }
0xce: {  	[dreg:$0x0] =	wrdreg $0xFFFFFFFF;
	(pc) =	sbr.abs _section_cstart, $3  }
0xcf: {  	[dreg:$0x1] =	wrdreg $0xFFFFFFFF  }
0xd0: {  	_ =	task.clear_ibuf [dreg:s22], $0x2FFFF;
	_ =	strace $0x9FFFFFFF  }
0xd1: {  	(tm) =	ssettm $0x7FFFFFFF  }
tec
execute0_lowered:
.L_overlay_start_1:
0x0: {  	(tag) =	ssettag $0x1  }
0x1: {  	s0 =	srdreg.scid  }
0x2: {  	s2 =	stileid.u32;
	s4 =	rddreg [dreg:$0x0]  }
0x3: {  	s3 =	simm.s32 $0x0;
	s10 =	simm.s32 $0x3;
	s11 =	simm.s32 $0xA00  }
0x4: {  	s13 =	simm.s32 $0xD200;
	s14 =	simm.s32 $0xDA00;
	s15 =	simm.s32 $0xE200  }
0x5: {  	s16 =	simm.s32 $0xEA00;
	s17 =	simm.s32 $0xF200;
	s18 =	simm.s32 $0xFA00  }
0x6: {  	s19 =	simm.s32 $0x10200;
	s20 =	simm.s32 $0x10A00;
	s21 =	simm.s32 $0x11200  }
0x7: {  	s22 =	simm.s32 $0x11A00;
	s23 =	simm.s32 $0x12200;
	s24 =	simm.s32 $0x12A00  }
0x8: {  	s25 =	simm.s32 $0x13200;
	s28 =	simm.s32 $0x14200;
	s29 =	simm.s32 $0x14A00  }
0x9: {  	s30 =	simm.s32 $0x15200;
	s31 =	simm.s32 $0x1;
	s0 =	sand.u32 $0x1, s0  }
0xa: {  	s1 =	sshll.u32 s2, $0x1;
	s5 =	smul.u32 $0x1340, s2;
	s2 =	rddreg [dreg:$0x1]  }
0xb: {  	s1 =	sor.u32 s0, s1;
	s6 =	smul.u32 $0x9A0, s0;
	s0 =	ssub.s32 $0x2, s0  }
0xc: {  	[smem:$0x7FF] =	sst s3;
	s1 =	smul.u32 $0x9A0, s1;
	s7 =	sshrl.u32 s0, $0x1  }
0xd: {  	_ =	strace $0x8000004D;
	s5 =	sadd.s32 s6, s5;
	s0 =	ssub.s32 s0, s7  }
0xe: {  	s7 =	simm.s32 $0x0;
	s1 =	sshrl.u32 s1, $0x3;
	s6 =	sadd.s32 $0x38, s5  }
0xf: {  	s5 =	sshrl.u32 s5, $0x3;
	s0 =	smax.u32 s0, $0x1;
	s1 =	sadd.s32 s1, s4  }
.Ltmp0:
0x10: {  	s4 =	sadd.s32 $0xE7B400, s4;
	s6 =	sshrl.u32 s6, $0x3;
	(pc) =	sbr.rel .LBB2_1-.Ltmp0, $4  }
0x11: {  	s26 =	smul.u32 $0x300, s5;
	s5 =	sadd.s32 $0x100, s2;
	[dreg:$0x4] =	wrdreg s0  }
0x12: {  	v2 =	vlaneseq.u32;
	s0 =	simm.s32 $0xB200;
	s8 =	smul.u32 $0x300, s6;
	s1 =	sadd.s32 $0x73E400, s1  }
0x13: {  	vm0 =	vmmov $0xffff;
	v1 =	vshrl.u32 v2, $0x3;
	s6 =	sadd.s32 $0x200, s2;
	[dreg:$0x3] =	wrdreg s1;
	s9 =	sadd.s32 s26, s4  }
0x14: {  	v0 =	vand.u32 $0x7, v2;
	v2 =	vor.u32 $0x8, v2;
	v1 =	vmul.u32 $0x8, v1;
	s26 =	simm.s32 $0x13A00;
	s1 =	simm.s32 $0x2;
	s8 =	sadd.s32 s8, s4  }
.LBB2_5:
0x15: {  	s7 =	rddreg [dreg:$0x5]  }
0x16: {  	s4 =	rddreg [dreg:$0x4];
	s7 =	sadd.s32 $0x1, s7  }
0x17: {  	p0 =	sne.s32 s7, s4  }
.Ltmp1:
0x18: {  	_ = 	snop;
	(pc) =	sbr.rel @!p0 .LBB2_6-.Ltmp1, $1  }
0x19: {  	_ =	sdelay $0x3  }
.LBB2_1:
0x1a: {  	[dreg:$0x5] =	wrdreg s7  }
0x1b: {  	s4 =	rddreg [dreg:$0x3]  }
0x1c: {  	[tilespmem:s3], [sflag:$0x3] =	stream.linear.gather [hbm4b:s4+s3], $0x9A0, $0x38;
	[tilespmem:$0x15A00] =	vst v63  }
0x1d: {  	_ =	swait.ge [sflag:s10], $0x9A0  }
0x1e: {  	[sflag:s10] =	ssyncset.done $0x0  }
0x1f: {  	[sflag:s10] =	ssyncadd.s32 $0xFFFFF660  }
0x20: {  	v3 =	vld [tilespmem:$0x0];
	_ =	sdelay $0x4  }
0x21: {  	v4 =	vshrl.u32 v3, $0x3  }
0x22: {  	v4 =	vmul.u32 $0x30, v4  }
0x23: {  	v3 =	vand.u32 $0x7, v3  }
0x24: {  	v3 =	vor.u32 v3, v4  }
0x25: {  	v4 =	vperm.xlane v3, v0;
	_ =	sdelay $0x1  }
0x26: {  	v4 =	vadd.s32 v1, v4;
	_ =	sdelay $0x3  }
0x27: {  	v3 =	vperm.xlane v3, v2  }
0x28: {  	[tilespmem:s11], [sflag:$0x1] =	stream.indirect_vreg.gather [hbm4b:s2+s3], $0x80, v4, vm0, $0xb8;
	[tilespmem:$0x15A00] =	vst v63  }
0x29: {  	s7 =	simm.s32 $0x1200;
	v3 =	vadd.s32 v1, v3  }
0x2a: {  	[tilespmem:s7], [sflag:$0x1] =	stream.indirect_vreg.gather [hbm4b:s5+s3], $0x80, v4, vm0, $0xb8;
	[tilespmem:$0x15A00] =	vst v63  }
0x2b: {  	s12 =	simm.s32 $0x1A00  }
0x2c: {  	[tilespmem:s12], [sflag:$0x1] =	stream.indirect_vreg.gather [hbm4b:s6+s3], $0x80, v4, vm0, $0xb8;
	[tilespmem:$0x15A00] =	vst v63  }
0x2d: {  	s7 =	simm.s32 $0x2200  }
0x2e: {  	[tilespmem:s7], [sflag:$0x1] =	stream.indirect_vreg.gather [hbm4b:s2+s3], $0x80, v3, vm0, $0xb8;
	[tilespmem:$0x15A00] =	vst v63  }
0x2f: {  	s12 =	simm.s32 $0x2A00  }
0x30: {  	[tilespmem:s12], [sflag:$0x1] =	stream.indirect_vreg.gather [hbm4b:s5+s3], $0x80, v3, vm0, $0xb8;
	[tilespmem:$0x15A00] =	vst v63  }
0x31: {  	s7 =	simm.s32 $0x3200  }
0x32: {  	[tilespmem:s7], [sflag:$0x1] =	stream.indirect_vreg.gather [hbm4b:s6+s3], $0x80, v3, vm0, $0xb8;
	[tilespmem:$0x15A00] =	vst v63  }
0x33: {  	v3 =	vld [tilespmem:$0x10];
	_ =	sdelay $0x4  }
0x34: {  	v61 =	vshrl.u32 v3, $0x3  }
0x35: {  	v4 =	vmul.u32 $0x30, v61  }
0x36: {  	v3 =	vand.u32 $0x7, v3  }
0x37: {  	v3 =	vor.u32 v3, v4  }
0x38: {  	v4 =	vperm.xlane v3, v0;
	_ =	sdelay $0x1  }
0x39: {  	v4 =	vadd.s32 v1, v4;
	_ =	sdelay $0x3  }
0x3a: {  	s12 =	simm.s32 $0x3A00;
	v3 =	vperm.xlane v3, v2  }
0x3b: {  	[tilespmem:s12], [sflag:$0x1] =	stream.indirect_vreg.gather [hbm4b:s2+s3], $0x80, v4, vm0, $0xb8;
	[tilespmem:$0x15A00] =	vst v63  }
0x3c: {  	s7 =	simm.s32 $0x4200;
	v3 =	vadd.s32 v1, v3  }
0x3d: {  	[tilespmem:s7], [sflag:$0x1] =	stream.indirect_vreg.gather [hbm4b:s5+s3], $0x80, v4, vm0, $0xb8;
	[tilespmem:$0x15A00] =	vst v63  }
0x3e: {  	s12 =	simm.s32 $0x4A00  }
0x3f: {  	[tilespmem:s12], [sflag:$0x1] =	stream.indirect_vreg.gather [hbm4b:s6+s3], $0x80, v4, vm0, $0xb8;
	[tilespmem:$0x15A00] =	vst v63  }
0x40: {  	s7 =	simm.s32 $0x5200  }
0x41: {  	[tilespmem:s7], [sflag:$0x1] =	stream.indirect_vreg.gather [hbm4b:s2+s3], $0x80, v3, vm0, $0xb8;
	[tilespmem:$0x15A00] =	vst v63  }
0x42: {  	s12 =	simm.s32 $0x5A00  }
0x43: {  	[tilespmem:s12], [sflag:$0x1] =	stream.indirect_vreg.gather [hbm4b:s5+s3], $0x80, v3, vm0, $0xb8;
	[tilespmem:$0x15A00] =	vst v63  }
0x44: {  	s7 =	simm.s32 $0x6200  }
0x45: {  	[tilespmem:s7], [sflag:$0x1] =	stream.indirect_vreg.gather [hbm4b:s6+s3], $0x80, v3, vm0, $0xb8;
	[tilespmem:$0x15A00] =	vst v63  }
0x46: {  	v3 =	vld [tilespmem:$0x20];
	_ =	sdelay $0x4  }
0x47: {  	v62 =	vshrl.u32 v3, $0x3  }
0x48: {  	v4 =	vmul.u32 $0x30, v62  }
0x49: {  	v3 =	vand.u32 $0x7, v3  }
0x4a: {  	v3 =	vor.u32 v3, v4  }
0x4b: {  	v4 =	vperm.xlane v3, v0;
	_ =	sdelay $0x1  }
0x4c: {  	v4 =	vadd.s32 v1, v4;
	_ =	sdelay $0x3  }
0x4d: {  	s12 =	simm.s32 $0x6A00;
	v3 =	vperm.xlane v3, v2  }
0x4e: {  	[tilespmem:s12], [sflag:$0x1] =	stream.indirect_vreg.gather [hbm4b:s2+s3], $0x80, v4, vm0, $0xb8;
	[tilespmem:$0x15A00] =	vst v63  }
0x4f: {  	s7 =	simm.s32 $0x7200;
	v3 =	vadd.s32 v1, v3  }
0x50: {  	[tilespmem:s7], [sflag:$0x1] =	stream.indirect_vreg.gather [hbm4b:s5+s3], $0x80, v4, vm0, $0xb8;
	[tilespmem:$0x15A00] =	vst v63  }
0x51: {  	s12 =	simm.s32 $0x7A00  }
0x52: {  	[tilespmem:s12], [sflag:$0x1] =	stream.indirect_vreg.gather [hbm4b:s6+s3], $0x80, v4, vm0, $0xb8;
	[tilespmem:$0x15A00] =	vst v63  }
0x53: {  	s7 =	simm.s32 $0x8200  }
0x54: {  	[tilespmem:s7], [sflag:$0x1] =	stream.indirect_vreg.gather [hbm4b:s2+s3], $0x80, v3, vm0, $0xb8;
	[tilespmem:$0x15A00] =	vst v63  }
0x55: {  	s12 =	simm.s32 $0x8A00  }
0x56: {  	[tilespmem:s12], [sflag:$0x1] =	stream.indirect_vreg.gather [hbm4b:s5+s3], $0x80, v3, vm0, $0xb8;
	[tilespmem:$0x15A00] =	vst v63  }
0x57: {  	s7 =	simm.s32 $0x9200  }
0x58: {  	[tilespmem:s7], [sflag:$0x1] =	stream.indirect_vreg.gather [hbm4b:s6+s3], $0x80, v3, vm0, $0xb8;
	[tilespmem:$0x15A00] =	vst v63  }
0x59: {  	v3 =	vld.msk [tilespmem:$0x30], $0xff;
	_ =	sdelay $0x4  }
0x5a: {  	v63 =	vshrl.u32 v3, $0x3  }
0x5b: {  	v4 =	vmul.u32 $0x30, v63  }
0x5c: {  	v3 =	vand.u32 $0x7, v3  }
0x5d: {  	v3 =	vor.u32 v3, v4  }
0x5e: {  	v3 =	vperm.xlane v3, v0;
	_ =	sdelay $0x1  }
0x5f: {  	v3 =	vadd.s32 v1, v3;
	_ =	sdelay $0x3  }
0x60: {  	s12 =	simm.s32 $0x9A00  }
0x61: {  	[tilespmem:s12], [sflag:$0x1] =	stream.indirect_vreg.gather [hbm4b:s2+s3], $0x80, v3, vm0, $0xb8;
	[tilespmem:$0x15A00] =	vst v63  }
.Ltmp2:
0x62: {  	_ = 	snop;
	(pc) =	sbr.rel .LBB2_2-.Ltmp2, $4  }
0x63: {  	s7 =	simm.s32 $0xA200  }
0x64: {  	[tilespmem:s7], [sflag:$0x1] =	stream.indirect_vreg.gather [hbm4b:s5+s3], $0x80, v3, vm0, $0xb8;
	[tilespmem:$0x15A00] =	vst v63  }
0x65: {  	s4 =	simm.s32 $0x58;
	s12 =	simm.s32 $0xAA00;
	s7 =	simm.s32 $0x0  }
0x66: {  	[tilespmem:s12], [sflag:$0x1] =	stream.indirect_vreg.gather [hbm4b:s6+s3], $0x80, v3, vm0, $0xb8;
	[tilespmem:$0x15A00] =	vst v63  }
.LBB2_4:
0x67: {  	_ =	swait.ge [sflag:s1], $0xA800;
	s12 =	sadd.s32 s7, s8;
	s7 =	sadd.s32 $0x2A00, s7  }
0x68: {  	[sflag:s1] =	ssyncset.done $0x0;
	p0 =	sne.s32 s7, $0x39C00  }
.Ltmp3:
0x69: {  	[sflag:s1] =	ssyncadd.s32 $0xFFFF5800;
	(pc) =	sbr.rel @!p0 .LBB2_5-.Ltmp3, $4  }
0x6a: {  	[hbm4b:s12+s3] =	stream.linear.scatter [tilespmem:s0], [sflag:$0x3], $0xA800, $0x38;
	[tilespmem:$0x15A00] =	vst v63  }
0x6b: {  	_ =	swait.ge [sflag:s10], $0xA800  }
0x6c: {  	[sflag:s10] =	ssyncset.done $0x0  }
0x6d: {  	s4 =	sadd.s32 $0x70, s4;
	[sflag:s10] =	ssyncadd.s32 $0xFFFF5800  }
.LBB2_2:
0x6e: {  	v3 =	vld [tilespmem:s4+$0xFFFFFFE0];
	_ =	sdelay $0x4  }
0x6f: {  	v4 =	vshrl.u32 v3, $0x3  }
0x70: {  	v4 =	vmul.u32 $0x30, v4  }
0x71: {  	v3 =	vand.u32 $0x7, v3  }
0x72: {  	v3 =	vor.u32 v3, v4  }
0x73: {  	v4 =	vperm.xlane v3, v0;
	_ =	sdelay $0x1  }
0x74: {  	v4 =	vadd.s32 v1, v4;
	_ =	sdelay $0x3  }
0x75: {  	v3 =	vperm.xlane v3, v2  }
0x76: {  	[tilespmem:s0], [sflag:$0x2] =	stream.indirect_vreg.gather [hbm4b:s2+s3], $0x80, v4, vm0, $0xb8;
	[tilespmem:$0x15A00] =	vst v63  }
0x77: {  	s12 =	simm.s32 $0xBA00;
	v3 =	vadd.s32 v1, v3  }
0x78: {  	[tilespmem:s12], [sflag:$0x2] =	stream.indirect_vreg.gather [hbm4b:s5+s3], $0x80, v4, vm0, $0xb8;
	[tilespmem:$0x15A00] =	vst v63  }
0x79: {  	s12 =	simm.s32 $0xC200  }
0x7a: {  	[tilespmem:s12], [sflag:$0x2] =	stream.indirect_vreg.gather [hbm4b:s6+s3], $0x80, v4, vm0, $0xb8;
	[tilespmem:$0x15A00] =	vst v63  }
0x7b: {  	s12 =	simm.s32 $0xCA00  }
0x7c: {  	[tilespmem:s12], [sflag:$0x2] =	stream.indirect_vreg.gather [hbm4b:s2+s3], $0x80, v3, vm0, $0xb8;
	[tilespmem:$0x15A00] =	vst v63  }
0x7d: {  	_ = 	snop  }
0x7e: {  	[tilespmem:s13], [sflag:$0x2] =	stream.indirect_vreg.gather [hbm4b:s5+s3], $0x80, v3, vm0, $0xb8;
	[tilespmem:$0x15A00] =	vst v63  }
0x7f: {  	_ = 	snop  }
0x80: {  	[tilespmem:s14], [sflag:$0x2] =	stream.indirect_vreg.gather [hbm4b:s6+s3], $0x80, v3, vm0, $0xb8;
	[tilespmem:$0x15A00] =	vst v63  }
0x81: {  	v3 =	vld [tilespmem:s4+$0xFFFFFFF0];
	_ =	sdelay $0x4  }
0x82: {  	v61 =	vshrl.u32 v3, $0x3  }
0x83: {  	v4 =	vmul.u32 $0x30, v61  }
0x84: {  	v3 =	vand.u32 $0x7, v3  }
0x85: {  	v3 =	vor.u32 v3, v4  }
0x86: {  	v4 =	vperm.xlane v3, v0;
	_ =	sdelay $0x1  }
0x87: {  	v4 =	vadd.s32 v1, v4;
	_ =	sdelay $0x3  }
0x88: {  	v3 =	vperm.xlane v3, v2  }
0x89: {  	[tilespmem:s15], [sflag:$0x2] =	stream.indirect_vreg.gather [hbm4b:s2+s3], $0x80, v4, vm0, $0xb8;
	[tilespmem:$0x15A00] =	vst v63  }
0x8a: {  	v3 =	vadd.s32 v1, v3  }
0x8b: {  	[tilespmem:s16], [sflag:$0x2] =	stream.indirect_vreg.gather [hbm4b:s5+s3], $0x80, v4, vm0, $0xb8;
	[tilespmem:$0x15A00] =	vst v63  }
0x8c: {  	_ = 	snop  }
0x8d: {  	[tilespmem:s17], [sflag:$0x2] =	stream.indirect_vreg.gather [hbm4b:s6+s3], $0x80, v4, vm0, $0xb8;
	[tilespmem:$0x15A00] =	vst v63  }
0x8e: {  	_ = 	snop  }
0x8f: {  	[tilespmem:s18], [sflag:$0x2] =	stream.indirect_vreg.gather [hbm4b:s2+s3], $0x80, v3, vm0, $0xb8;
	[tilespmem:$0x15A00] =	vst v63  }
0x90: {  	_ = 	snop  }
0x91: {  	[tilespmem:s19], [sflag:$0x2] =	stream.indirect_vreg.gather [hbm4b:s5+s3], $0x80, v3, vm0, $0xb8;
	[tilespmem:$0x15A00] =	vst v63  }
0x92: {  	_ = 	snop  }
0x93: {  	[tilespmem:s20], [sflag:$0x2] =	stream.indirect_vreg.gather [hbm4b:s6+s3], $0x80, v3, vm0, $0xb8;
	[tilespmem:$0x15A00] =	vst v63  }
0x94: {  	v3 =	vld [tilespmem:s4+$0x0];
	_ =	sdelay $0x4  }
0x95: {  	v62 =	vshrl.u32 v3, $0x3  }
0x96: {  	v4 =	vmul.u32 $0x30, v62  }
0x97: {  	v3 =	vand.u32 $0x7, v3  }
0x98: {  	v3 =	vor.u32 v3, v4  }
0x99: {  	v4 =	vperm.xlane v3, v0;
	_ =	sdelay $0x1  }
0x9a: {  	v4 =	vadd.s32 v1, v4;
	_ =	sdelay $0x3  }
0x9b: {  	v3 =	vperm.xlane v3, v2  }
0x9c: {  	[tilespmem:s21], [sflag:$0x2] =	stream.indirect_vreg.gather [hbm4b:s2+s3], $0x80, v4, vm0, $0xb8;
	[tilespmem:$0x15A00] =	vst v63  }
0x9d: {  	v3 =	vadd.s32 v1, v3  }
0x9e: {  	[tilespmem:s22], [sflag:$0x2] =	stream.indirect_vreg.gather [hbm4b:s5+s3], $0x80, v4, vm0, $0xb8;
	[tilespmem:$0x15A00] =	vst v63  }
0x9f: {  	_ = 	snop  }
0xa0: {  	[tilespmem:s23], [sflag:$0x2] =	stream.indirect_vreg.gather [hbm4b:s6+s3], $0x80, v4, vm0, $0xb8;
	[tilespmem:$0x15A00] =	vst v63  }
0xa1: {  	_ = 	snop  }
0xa2: {  	[tilespmem:s24], [sflag:$0x2] =	stream.indirect_vreg.gather [hbm4b:s2+s3], $0x80, v3, vm0, $0xb8;
	[tilespmem:$0x15A00] =	vst v63  }
0xa3: {  	_ = 	snop  }
0xa4: {  	[tilespmem:s25], [sflag:$0x2] =	stream.indirect_vreg.gather [hbm4b:s5+s3], $0x80, v3, vm0, $0xb8;
	[tilespmem:$0x15A00] =	vst v63  }
0xa5: {  	_ = 	snop  }
0xa6: {  	[tilespmem:s26], [sflag:$0x2] =	stream.indirect_vreg.gather [hbm4b:s6+s3], $0x80, v3, vm0, $0xb8;
	[tilespmem:$0x15A00] =	vst v63  }
0xa7: {  	v3 =	vld.msk [tilespmem:s4+$0x10], $0xff;
	_ =	sdelay $0x4  }
0xa8: {  	v63 =	vshrl.u32 v3, $0x3  }
0xa9: {  	v4 =	vmul.u32 $0x30, v63  }
0xaa: {  	v3 =	vand.u32 $0x7, v3  }
0xab: {  	v3 =	vor.u32 v3, v4  }
0xac: {  	v3 =	vperm.xlane v3, v0;
	_ =	sdelay $0x1  }
0xad: {  	v3 =	vadd.s32 v1, v3;
	_ =	sdelay $0x4  }
0xae: {  	[tilespmem:s28], [sflag:$0x2] =	stream.indirect_vreg.gather [hbm4b:s2+s3], $0x80, v3, vm0, $0xb8;
	[tilespmem:$0x15A00] =	vst v63  }
0xaf: {  	_ = 	snop  }
0xb0: {  	[tilespmem:s29], [sflag:$0x2] =	stream.indirect_vreg.gather [hbm4b:s5+s3], $0x80, v3, vm0, $0xb8;
	[tilespmem:$0x15A00] =	vst v63  }
0xb1: {  	_ = 	snop  }
0xb2: {  	[tilespmem:s30], [sflag:$0x2] =	stream.indirect_vreg.gather [hbm4b:s6+s3], $0x80, v3, vm0, $0xb8;
	[tilespmem:$0x15A00] =	vst v63  }
0xb3: {  	_ =	swait.ge [sflag:s31], $0xA800  }
0xb4: {  	p0 =	seq.s32 s7, $0x37200;
	[sflag:s31] =	ssyncset.done $0x0  }
.Ltmp4:
0xb5: {  	s12 =	sadd.s32 s7, s9;
	[sflag:s31] =	ssyncadd.s32 $0xFFFF5800;
	(pc) =	sbr.rel @p0 .LBB2_4-.Ltmp4, $4  }
0xb6: {  	[hbm4b:s12+s3] =	stream.linear.scatter [tilespmem:s11], [sflag:$0x3], $0xA800, $0x38;
	[tilespmem:$0x15A00] =	vst v63  }
0xb7: {  	_ =	swait.ge [sflag:s10], $0xA800  }
0xb8: {  	[sflag:s10] =	ssyncset.done $0x0  }
0xb9: {  	[sflag:s10] =	ssyncadd.s32 $0xFFFF5800  }
0xba: {  	v3 =	vld [tilespmem:s4+$0x18];
	_ =	sdelay $0x4  }
0xbb: {  	v4 =	vshrl.u32 v3, $0x3  }
0xbc: {  	v4 =	vmul.u32 $0x30, v4  }
0xbd: {  	v3 =	vand.u32 $0x7, v3  }
0xbe: {  	v3 =	vor.u32 v3, v4  }
0xbf: {  	v4 =	vperm.xlane v3, v0;
	_ =	sdelay $0x1  }
0xc0: {  	v4 =	vadd.s32 v1, v4;
	_ =	sdelay $0x3  }
0xc1: {  	v3 =	vperm.xlane v3, v2  }
0xc2: {  	[tilespmem:s11], [sflag:$0x1] =	stream.indirect_vreg.gather [hbm4b:s2+s3], $0x80, v4, vm0, $0xb8;
	[tilespmem:$0x15A00] =	vst v63  }
0xc3: {  	s12 =	simm.s32 $0x1200;
	v3 =	vadd.s32 v1, v3  }
0xc4: {  	[tilespmem:s12], [sflag:$0x1] =	stream.indirect_vreg.gather [hbm4b:s5+s3], $0x80, v4, vm0, $0xb8;
	[tilespmem:$0x15A00] =	vst v63  }
0xc5: {  	s12 =	simm.s32 $0x1A00  }
0xc6: {  	[tilespmem:s12], [sflag:$0x1] =	stream.indirect_vreg.gather [hbm4b:s6+s3], $0x80, v4, vm0, $0xb8;
	[tilespmem:$0x15A00] =	vst v63  }
0xc7: {  	s12 =	simm.s32 $0x2200  }
0xc8: {  	[tilespmem:s12], [sflag:$0x1] =	stream.indirect_vreg.gather [hbm4b:s2+s3], $0x80, v3, vm0, $0xb8;
	[tilespmem:$0x15A00] =	vst v63  }
0xc9: {  	s12 =	simm.s32 $0x2A00  }
0xca: {  	[tilespmem:s12], [sflag:$0x1] =	stream.indirect_vreg.gather [hbm4b:s5+s3], $0x80, v3, vm0, $0xb8;
	[tilespmem:$0x15A00] =	vst v63  }
0xcb: {  	s12 =	simm.s32 $0x3200  }
0xcc: {  	[tilespmem:s12], [sflag:$0x1] =	stream.indirect_vreg.gather [hbm4b:s6+s3], $0x80, v3, vm0, $0xb8;
	[tilespmem:$0x15A00] =	vst v63  }
0xcd: {  	v3 =	vld [tilespmem:s4+$0x28];
	_ =	sdelay $0x4  }
0xce: {  	v61 =	vshrl.u32 v3, $0x3  }
0xcf: {  	v4 =	vmul.u32 $0x30, v61  }
0xd0: {  	v3 =	vand.u32 $0x7, v3  }
0xd1: {  	v3 =	vor.u32 v3, v4  }
0xd2: {  	v4 =	vperm.xlane v3, v0;
	_ =	sdelay $0x1  }
0xd3: {  	v4 =	vadd.s32 v1, v4;
	_ =	sdelay $0x3  }
0xd4: {  	s12 =	simm.s32 $0x3A00;
	v3 =	vperm.xlane v3, v2  }
0xd5: {  	[tilespmem:s12], [sflag:$0x1] =	stream.indirect_vreg.gather [hbm4b:s2+s3], $0x80, v4, vm0, $0xb8;
	[tilespmem:$0x15A00] =	vst v63  }
0xd6: {  	v3 =	vadd.s32 v1, v3;
	s12 =	simm.s32 $0x4200  }
0xd7: {  	[tilespmem:s12], [sflag:$0x1] =	stream.indirect_vreg.gather [hbm4b:s5+s3], $0x80, v4, vm0, $0xb8;
	[tilespmem:$0x15A00] =	vst v63  }
0xd8: {  	s12 =	simm.s32 $0x4A00  }
0xd9: {  	[tilespmem:s12], [sflag:$0x1] =	stream.indirect_vreg.gather [hbm4b:s6+s3], $0x80, v4, vm0, $0xb8;
	[tilespmem:$0x15A00] =	vst v63  }
0xda: {  	s12 =	simm.s32 $0x5200  }
0xdb: {  	[tilespmem:s12], [sflag:$0x1] =	stream.indirect_vreg.gather [hbm4b:s2+s3], $0x80, v3, vm0, $0xb8;
	[tilespmem:$0x15A00] =	vst v63  }
0xdc: {  	s12 =	simm.s32 $0x5A00  }
0xdd: {  	[tilespmem:s12], [sflag:$0x1] =	stream.indirect_vreg.gather [hbm4b:s5+s3], $0x80, v3, vm0, $0xb8;
	[tilespmem:$0x15A00] =	vst v63  }
0xde: {  	s12 =	simm.s32 $0x6200  }
0xdf: {  	[tilespmem:s12], [sflag:$0x1] =	stream.indirect_vreg.gather [hbm4b:s6+s3], $0x80, v3, vm0, $0xb8;
	[tilespmem:$0x15A00] =	vst v63  }
0xe0: {  	v3 =	vld [tilespmem:s4+$0x38];
	_ =	sdelay $0x4  }
0xe1: {  	v62 =	vshrl.u32 v3, $0x3  }
0xe2: {  	v4 =	vmul.u32 $0x30, v62  }
0xe3: {  	v3 =	vand.u32 $0x7, v3  }
0xe4: {  	v3 =	vor.u32 v3, v4  }
0xe5: {  	v4 =	vperm.xlane v3, v0;
	_ =	sdelay $0x1  }
0xe6: {  	v4 =	vadd.s32 v1, v4;
	_ =	sdelay $0x3  }
0xe7: {  	s12 =	simm.s32 $0x6A00;
	v3 =	vperm.xlane v3, v2  }
0xe8: {  	[tilespmem:s12], [sflag:$0x1] =	stream.indirect_vreg.gather [hbm4b:s2+s3], $0x80, v4, vm0, $0xb8;
	[tilespmem:$0x15A00] =	vst v63  }
0xe9: {  	v3 =	vadd.s32 v1, v3;
	s12 =	simm.s32 $0x7200  }
0xea: {  	[tilespmem:s12], [sflag:$0x1] =	stream.indirect_vreg.gather [hbm4b:s5+s3], $0x80, v4, vm0, $0xb8;
	[tilespmem:$0x15A00] =	vst v63  }
0xeb: {  	s12 =	simm.s32 $0x7A00  }
0xec: {  	[tilespmem:s12], [sflag:$0x1] =	stream.indirect_vreg.gather [hbm4b:s6+s3], $0x80, v4, vm0, $0xb8;
	[tilespmem:$0x15A00] =	vst v63  }
0xed: {  	s12 =	simm.s32 $0x8200  }
0xee: {  	[tilespmem:s12], [sflag:$0x1] =	stream.indirect_vreg.gather [hbm4b:s2+s3], $0x80, v3, vm0, $0xb8;
	[tilespmem:$0x15A00] =	vst v63  }
0xef: {  	s12 =	simm.s32 $0x8A00  }
0xf0: {  	[tilespmem:s12], [sflag:$0x1] =	stream.indirect_vreg.gather [hbm4b:s5+s3], $0x80, v3, vm0, $0xb8;
	[tilespmem:$0x15A00] =	vst v63  }
0xf1: {  	s12 =	simm.s32 $0x9200  }
0xf2: {  	[tilespmem:s12], [sflag:$0x1] =	stream.indirect_vreg.gather [hbm4b:s6+s3], $0x80, v3, vm0, $0xb8;
	[tilespmem:$0x15A00] =	vst v63  }
0xf3: {  	v3 =	vld.msk [tilespmem:s4+$0x48], $0xff;
	_ =	sdelay $0x4  }
0xf4: {  	v63 =	vshrl.u32 v3, $0x3  }
0xf5: {  	v4 =	vmul.u32 $0x30, v63  }
0xf6: {  	v3 =	vand.u32 $0x7, v3  }
0xf7: {  	v3 =	vor.u32 v3, v4  }
0xf8: {  	v3 =	vperm.xlane v3, v0;
	_ =	sdelay $0x1  }
0xf9: {  	v3 =	vadd.s32 v1, v3;
	_ =	sdelay $0x3  }
0xfa: {  	s12 =	simm.s32 $0x9A00  }
0xfb: {  	[tilespmem:s12], [sflag:$0x1] =	stream.indirect_vreg.gather [hbm4b:s2+s3], $0x80, v3, vm0, $0xb8;
	[tilespmem:$0x15A00] =	vst v63  }
.Ltmp5:
0xfc: {  	_ = 	snop;
	(pc) =	sbr.rel .LBB2_4-.Ltmp5, $4  }
0xfd: {  	s12 =	simm.s32 $0xA200  }
0xfe: {  	[tilespmem:s12], [sflag:$0x1] =	stream.indirect_vreg.gather [hbm4b:s5+s3], $0x80, v3, vm0, $0xb8;
	[tilespmem:$0x15A00] =	vst v63  }
0xff: {  	s12 =	simm.s32 $0xAA00  }
0x100: {  	[tilespmem:s12], [sflag:$0x1] =	stream.indirect_vreg.gather [hbm4b:s6+s3], $0x80, v3, vm0, $0xb8;
	[tilespmem:$0x15A00] =	vst v63  }
.LBB2_6:
0x101: {  	_ =	sfence.sel $0x180000  }
0x102: {  	[bflag:$0x0] =	sbarrier.arrive $0xFFFF  }
0x103: {  	_ =	strace $0x9000004D  }
0x104: {  	s0 =	stileid.u32;
	[bflag:$0x2] =	sbarrier.arrive $0xFFFF  }
0x105: {  	p0 =	sne.s32 s0, $0x0;
	s0 =	rddreg [dreg:$0x2]  }
0x106: {  	s0 =	sadd.s32 @!p0 $0x100000, s0  }
0x107: {  	[sflag:s0] =	ssyncadd.tile.s32 @!p0 $0x1;
	_ =	shalt  }
.Lfunc_end2:
_tile_overlayer_lowered:
.L_overlay_start_2:
0x108: {  	(tag) =	ssettag $0x2  }
0x109: {  	s0 =	rddreg [dreg:$0x0];
	s2 =	stileid.u32  }
0x10a: {  	s1 =	rddreg [dreg:$0x1];
	p0 =	sne.s32 s2, $0x0  }
0x10b: {  	s3 =	rddreg [dreg:$0x2];
	[bflag:$0x3] =	sbarrier.arrive $0xFFFF;
	s2 =	simm.s32 @!p0 $0x1C03  }
0x10c: {  	[timem:s3], [sflag:s2] =	dma.local @!p0 [hbm:s0], s1  }
0x10d: {  	s0 =	simm.s32 @!p0 $0x3  }
0x10e: {  	_ =	swait.ge @!p0 [sflag:s0], s1  }
0x10f: {  	s1 =	ssub.s32 @!p0 $0x0, s1;
	[sflag:s0] =	ssyncset.done @!p0 $0x0  }
0x110: {  	[sflag:s0] =	ssyncadd.s32 @!p0 s1  }
0x111: {  	[bflag:$0x3] =	sbarrier.arrive $0xFFFF  }
0x112: {  	_ =	shalt  }

// kernel: kernel.19.cloned.1.call-start
scs
__scs_entry_jumppad:
0x0: {  	(pc) =	sbr.rel $0x88, $3  }
0x1: {  	(tag) =	ssettag $0x0;
	lr =	simm.s32 $0x1  }
0x2: {  	[smem:$0x3F9F] =	sst lr;
	_ =	strace $0xD0000000  }
0x3: {  	_ = 	snop  }
0x4: {  	_ = 	snop  }
0x5: {  	_ = 	snop  }
0x6: {  	_ = 	snop  }
0x7: {  	_ = 	snop  }
__scs_overlays_trampoline_lowered:
0x8: {  	[smem:$0x3FAE] =	sst s0  }
0x9: {  	[smem:$0x3FAF] =	sst s1  }
0xa: {  	[smem:$0x3FB0] =	sst s2  }
0xb: {  	[smem:$0x3FB1] =	sst s3  }
0xc: {  	[smem:$0x3FB2] =	sst s4  }
0xd: {  	[smem:$0x3FB3] =	sst s5  }
0xe: {  	[smem:$0x3FB4] =	sst s6  }
0xf: {  	[smem:$0x3FB5] =	sst s7  }
0x10: {  	[smem:$0x3FB6] =	sst s8  }
0x11: {  	[smem:$0x3FB7] =	sst s9;
	s0 =	simm.s32 @!p0 $0x0  }
0x12: {  	s1 =	sld [smem:$0x3F9D];
	s0 =	simm.s32 @p0 $0x1  }
0x13: {  	[smem:$0x3FB8] =	sst s0;
	s0 =	simm.s32 @!p1 $0x0  }
0x14: {  	s2 =	sld [smem:$0x3F9C];
	s0 =	simm.s32 @p1 $0x1  }
0x15: {  	[smem:$0x3FB9] =	sst s0;
	s0 =	simm.s32 @!p2 $0x0  }
0x16: {  	s3 =	sld [smem:$0x3FDB];
	s0 =	simm.s32 @p2 $0x1  }
0x17: {  	s4 =	simm.s32 $0x1BF5;
	[smem:$0x3FBB] =	sst s0  }
0x18: {  	s0 =	sld [smem:$0x3F9E];
	_ =	swait.ge [sflag:s4], $0x0  }
0x19: {  	s7 =	sld [smem:$0x3F9F]  }
0x1a: {  	s8 =	sadd.s32 $0xFFFFE003, lr  }
0x1b: {  	s9 =	sadd.s32 $0xFFFFFEF7, lr;
	s5 =	simm.s32 $0xFFFFFFFF;
	p2 =	slt.u32 s8, $0xFFFFF086  }
0x1c: {  	p1 =	slt.u32 s9, $0xF7A;
	s5 =	simm.s32 @!p2 $0x0  }
0x1d: {  	s5 =	simm.s32 @p1 $0x1;
	p0 =	seq.s32 s7, s2  }
0x1e: {  	s7 =	smul.u32 @!p0 $0xF7A, s2;
	p2 =	seq.s32 @!p0 s5, $0x0  }
0x1f: {  	s9 =	smul.u32 $0xF7A, s1;
	s8 =	simm.s32 @!p0 $0x1BF5;
	p2 =	por !p2, p0  }
0x20: {  	[sflag:s8] =	ssyncset.s32 @!p0 $0xFFFFF086;
	s6 =	sadd.s32 @!p0 s3, s7;
	s7 =	simm.s32 @!p0 $0x108  }
0x21: {  	s3 =	sadd.s32 s3, s9;
	s6 =	sadd.s32 @!p0 $0x88, s6;
	s7 =	simm.s32 @p2 $0x1082  }
0x22: {  	[simem:s7], [sflag:s8] =	dma.local @!p0 [hbm:s6], $0xF7A  }
0x23: {  	s9 =	sor.u32 $0xD0000000, s2;
	s6 =	simm.s32 $0x108;
	_ =	swait.ge @!p0 [sflag:s8], $0x0  }
0x24: {  	s3 =	sadd.s32 $0x88, s3;
	s6 =	simm.s32 @!p1 $0x1082;
	[sflag:s4] =	ssyncset.s32 $0xFFFFF086  }
0x25: {  	[simem:s6], [sflag:s4] =	dma.local [hbm:s3], $0xF7A  }
0x26: {  	[smem:$0x3F9F] =	sst s1;
	(tag) =	ssettag s2;
	_ =	strace s9  }
0x27: {  	s1 =	sld [smem:$0x3FAF]  }
0x28: {  	s2 =	sld [smem:$0x3FB0]  }
0x29: {  	s4 =	sld [smem:$0x3FB2]  }
0x2a: {  	p0 =	seq.s32 s5, $0x0;
	s5 =	sld [smem:$0x3FB3]  }
0x2b: {  	s6 =	sld [smem:$0x3FB4]  }
0x2c: {  	s7 =	sld [smem:$0x3FB5]  }
0x2d: {  	s3 =	simm.s32 $0x108;
	s8 =	sld [smem:$0x3FB6]  }
0x2e: {  	s3 =	simm.s32 @!p0 $0x1082;
	s9 =	sld [smem:$0x3FB7]  }
0x2f: {  	lr =	sadd.s32 s0, s3;
	s0 =	sld [smem:$0x3FAE]  }
0x30: {  	s3 =	sld [smem:$0x3FB1]  }
0x31: {  	[smem:$0x3FBA] =	sst s10  }
0x32: {  	s10 =	sld [smem:$0x3FB8];
	_ =	sdelay $0x3  }
0x33: {  	p0 =	seq.s32 s10, $0x1;
	s10 =	sld [smem:$0x3FBA];
	_ =	sdelay $0x3  }
0x34: {  	[smem:$0x3FBA] =	sst s10  }
0x35: {  	s10 =	sld [smem:$0x3FB9];
	_ =	sdelay $0x3  }
0x36: {  	p1 =	seq.s32 s10, $0x1;
	s10 =	sld [smem:$0x3FBA];
	_ =	sdelay $0x3  }
0x37: {  	[smem:$0x3FBA] =	sst s10  }
0x38: {  	s10 =	sld [smem:$0x3FBB]  }
0x39: {  	_ = 	snop;
	(pc) =	sbr.ind lr, $3  }
0x3a: {  	_ = 	snop  }
0x3b: {  	_ = 	snop  }
0x3c: {  	p2 =	seq.s32 s10, $0x1;
	s10 =	sld [smem:$0x3FBA]  }
0x3d: {  	_ =	shalt  }
0x3e: {  	_ =	shalt  }
0x3f: {  	_ =	shalt  }
0x40: {  	_ =	shalt  }
0x41: {  	_ =	shalt  }
0x42: {  	_ =	shalt  }
0x43: {  	_ =	shalt  }
0x44: {  	_ =	shalt  }
0x45: {  	_ =	shalt  }
0x46: {  	_ =	shalt  }
0x47: {  	_ =	shalt  }
0x48: {  	_ =	shalt  }
0x49: {  	_ =	shalt  }
0x4a: {  	_ =	shalt  }
0x4b: {  	_ =	shalt  }
0x4c: {  	_ =	shalt  }
0x4d: {  	_ =	shalt  }
0x4e: {  	_ =	shalt  }
0x4f: {  	_ =	shalt  }
0x50: {  	_ =	shalt  }
0x51: {  	_ =	shalt  }
0x52: {  	_ =	shalt  }
0x53: {  	_ =	shalt  }
0x54: {  	_ =	shalt  }
0x55: {  	_ =	shalt  }
0x56: {  	_ =	shalt  }
0x57: {  	_ =	shalt  }
0x58: {  	_ =	shalt  }
0x59: {  	_ =	shalt  }
0x5a: {  	_ =	shalt  }
0x5b: {  	_ =	shalt  }
0x5c: {  	_ =	shalt  }
0x5d: {  	_ =	shalt  }
0x5e: {  	_ =	shalt  }
0x5f: {  	_ =	shalt  }
0x60: {  	_ =	shalt  }
0x61: {  	_ =	shalt  }
0x62: {  	_ =	shalt  }
0x63: {  	_ =	shalt  }
0x64: {  	_ =	shalt  }
0x65: {  	_ =	shalt  }
0x66: {  	_ =	shalt  }
0x67: {  	_ =	shalt  }
0x68: {  	_ =	shalt  }
0x69: {  	_ =	shalt  }
0x6a: {  	_ =	shalt  }
0x6b: {  	_ =	shalt  }
0x6c: {  	_ =	shalt  }
0x6d: {  	_ =	shalt  }
0x6e: {  	_ =	shalt  }
0x6f: {  	_ =	shalt  }
0x70: {  	_ =	shalt  }
0x71: {  	_ =	shalt  }
0x72: {  	_ =	shalt  }
0x73: {  	_ =	shalt  }
0x74: {  	_ =	shalt  }
0x75: {  	_ =	shalt  }
0x76: {  	_ =	shalt  }
0x77: {  	_ =	shalt  }
0x78: {  	_ =	shalt  }
0x79: {  	_ =	shalt  }
0x7a: {  	_ =	shalt  }
0x7b: {  	_ =	shalt  }
0x7c: {  	_ =	shalt  }
0x7d: {  	_ =	shalt  }
0x7e: {  	_ =	shalt  }
0x7f: {  	_ =	shalt  }
0x80: {  	_ =	shalt  }
0x81: {  	_ =	shalt  }
0x82: {  	_ =	shalt  }
0x83: {  	_ =	shalt  }
0x84: {  	_ =	shalt  }
0x85: {  	_ =	shalt  }
0x86: {  	_ =	shalt  }
0x87: {  	_ =	shalt  }
.Lfunc_end0:
.L_simem_size_0:
called_computation.3_lowered:
.L_overlay_start_0:
0x88: {  	s2 =	sld [smem:$0x3FD9]  }
0x89: {  	s3 =	sld [smem:$0x3FFE];
	_ =	sdelay $0x1  }
0x8a: {  	s1 =	srdreg.scid  }
0x8b: {  	s0 =	sand.u32 $0x1, s1  }
0x8c: {  	s17 =	sshll.u32 s0, $0xA;
	s2 =	sadd.s32 s3, s2  }
0x8d: {  	s2 =	sadd.s32 s2, s17  }
0x8e: {  	[smem:$0x3FC6] =	sst s2  }
0x8f: {  	_ = 	snop  }
0x90: {  	s18 =	sld [smem:$0x3FC8]  }
0x91: {  	s4 =	sld [smem:$0x3FD0];
	(tm) =	ssettm $0x1  }
0x92: {  	s19 =	sld [smem:$0x3FFB];
	_ =	sdelay $0x3  }
0x93: {  	_ =	strace s19  }
0x94: {  	s2 =	sld [smem:$0x3FFC];
	_ =	sdelay $0x3  }
0x95: {  	_ =	strace s2  }
0x96: {  	s2 =	sld [smem:$0x3FFD];
	_ =	sdelay $0x3  }
0x97: {  	_ =	strace s2  }
0x98: {  	_ =	strace $0x8FFFFFFF  }
0x99: {  	s20 =	sld [smem:$0x3FDB];
	_ =	sdelay $0x1  }
0x9a: {  	s5 =	simm.s32 $_scs_section_size  }
0x9b: {  	s6 =	simm.s32 $_size__tile_overlayer_lowered;
	s7 =	simm.s32 $_tile_overlayer_lowered  }
0x9c: {  	s8 =	simm.s32 $0x1BFF;
	s21 =	sshll.u32 s7, $0x1;
	s5 =	sadd.s32 s5, s20  }
0x9d: {  	s22 =	simm.s32 $0x0;
	s6 =	sshll.u32 s6, $0x1;
	s7 =	sadd.s32 s21, s5  }
0x9e: {  	[timem:s22], [sflag:s8] =	dma.local [hbm:s7], s6  }
0x9f: {  	_ =	swait.ge [sflag:s8], s6  }
0xa0: {  	s6 =	ssub.s32 $0x0, s6;
	[sflag:s8] =	ssyncset.done $0x0  }
0xa1: {  	[sflag:s8] =	ssyncadd.s32 s6;
	_ =	sdelay $0x1  }
0xa2: {  	s23 =	simm.s32 $0x1B8B  }
0xa3: {  	_ =	swait.ge [sflag:s23], $0x1  }
0xa4: {  	[sflag:s23] =	ssyncset.done $0x0  }
0xa5: {  	[sflag:s23] =	ssyncadd.s32 $0xFFFFFFFF  }
0xa6: {  	s6 =	sld [smem:$0x0]  }
0xa7: {  	s7 =	sand.u32 $0xFFFFFFFE, s1  }
0xa8: {  	p0 =	sne.s32 s1, s7  }
0xa9: {  	s7 =	sshll.u32 @p0 s7, $0xE  }
0xaa: {  	s7 =	sadd.s32 @p0 $0x11B8D, s7;
	s8 =	sshll.u32 @p0 s6, $0x11  }
0xab: {  	s7 =	sor.u32 @p0 s8, s7  }
0xac: {  	[sflag:s7] =	ssyncadd.remote.s32 @p0 $0x1;
	_ =	sdelay $0x1  }
0xad: {  	s7 =	simm.s32 @p0 $0x1B8D  }
0xae: {  	_ =	swait.eq @p0 [sflag:s7], $0x1  }
0xaf: {  	[sflag:s7] =	ssyncadd.s32 @p0 $0xFFFFFFFF  }
0xb0: {  	s8 =	sshll.u32 @!p0 s1, $0xE  }
0xb1: {  	s8 =	sor.u32 @!p0 $0x4000, s8;
	s7 =	simm.s32 @!p0 $0x1B8D  }
0xb2: {  	s6 =	sshll.u32 @!p0 s6, $0x11;
	s8 =	sadd.s32 @!p0 $0x11B8D, s8;
	_ =	swait.eq @!p0 [sflag:s7], $0x1  }
0xb3: {  	s6 =	sor.u32 @!p0 s6, s8;
	[sflag:s7] =	ssyncadd.s32 @!p0 $0xFFFFFFFF  }
0xb4: {  	s25 =	simm.s32 $0x1B8E;
	s24 =	sld [smem:$0x3FFE];
	[sflag:s6] =	ssyncadd.remote.s32 @!p0 $0x1  }
0xb5: {  	s26 =	simm.s32 $execute0_lowered;
	[smem:$0x3FD2] =	sst s25  }
0xb6: {  	s7 =	sshll.u32 s26, $0x1;
	_ =	strace $0x8000004F;
	[dreg:$0x1] =	wrdreg $0xFFFFFFFF  }
0xb7: {  	s28 =	simm.s32 $_size_execute0_lowered;
	s5 =	sadd.s32 s5, s7;
	[dreg:$0x0] =	wrdreg $0x0  }
0xb8: {  	s7 =	sshll.u32 s28, $0x1;
	[dreg:$0x2] =	wrdreg s5  }
0xb9: {  	[dreg:$0x3] =	wrdreg s7  }
0xba: {  	[dreg:$0x4] =	wrdreg $0xC0  }
0xbb: {  	_ =	task [dreg:s22], $0x5FFFF  }
0xbc: {  	[dreg:$0x1] =	wrdreg $0xFFFFFFFF  }
0xbd: {  	[dreg:$0x0] =	wrdreg $0x60  }
0xbe: {  	[dreg:$0x2] =	wrdreg s24  }
0xbf: {  	[dreg:$0x3] =	wrdreg s18  }
0xc0: {  	[dreg:$0x4] =	wrdreg s4  }
0xc1: {  	[dreg:$0x5] =	wrdreg $0xC  }
0xc2: {  	_ =	task.clear_ibuf [dreg:s22], $0x6FFFF;
	_ =	strace $0x9000004F  }
0xc3: {  	s29 =	simm.s32 $0xC;
	_ =	strace $0x80000051  }
0xc4: {  	_ =	swait.ge [sflag:s29], $0x1  }
0xc5: {  	[sflag:s29] =	ssyncadd.s32 $0xFFFFFFFF  }
0xc6: {  	_ =	strace $0x90000051  }
0xc7: {  	_ =	sfence  }
0xc8: {  	s30 =	sld [smem:$0x0];
	_ =	sdelay $0x2  }
0xc9: {  	s31 =	sshll.u32 s1, $0xD;
	s1 =	sshrl.u32 s1, $0x2  }
0xca: {  	s4 =	sand.u32 $0x4000, s31;
	s1 =	sadd.s32 s1, s30  }
0xcb: {  	s0 =	sor.u32 s4, s0;
	s1 =	sshll.u32 s1, $0x11  }
0xcc: {  	s0 =	sor.u32 s1, s0  }
0xcd: {  	s0 =	sadd.s32 $0x8F2B, s0  }
0xce: {  	[sflag:s0] =	ssyncadd.remote.s32 $0x1  }
0xcf: {  	_ =	sfence.sel $0xFFFF  }
0xd0: {  	[dreg:$0x0] =	wrdreg $0xFFFFFFFF;
	(pc) =	sbr.abs _section_cstart, $3  }
0xd1: {  	[dreg:$0x1] =	wrdreg $0xFFFFFFFF  }
0xd2: {  	_ =	task.clear_ibuf [dreg:s22], $0x2FFFF;
	_ =	strace $0x9FFFFFFF  }
0xd3: {  	(tm) =	ssettm $0x7FFFFFFF  }
tec
execute0_lowered:
.L_overlay_start_1:
0x0: {  	(tag) =	ssettag $0x1  }
0x1: {  	s0 =	rddreg [dreg:$0x0]  }
0x2: {  	s1 =	rddreg [dreg:$0x1];
	s2 =	srdreg.scid  }
0x3: {  	s4 =	stileid.u32;
	s7 =	rddreg [dreg:$0x2];
	s10 =	simm.s32 $0x3  }
0x4: {  	s11 =	simm.s32 $0xA00;
	s13 =	simm.s32 $0xD200;
	s14 =	simm.s32 $0xDA00  }
0x5: {  	s15 =	simm.s32 $0xE200;
	s16 =	simm.s32 $0xEA00;
	s17 =	simm.s32 $0xF200  }
0x6: {  	s18 =	simm.s32 $0xFA00;
	s19 =	simm.s32 $0x10200;
	s20 =	simm.s32 $0x10A00  }
0x7: {  	s21 =	simm.s32 $0x11200;
	s22 =	simm.s32 $0x11A00;
	s23 =	simm.s32 $0x12200  }
0x8: {  	s28 =	simm.s32 $0x14200;
	s29 =	simm.s32 $0x14A00;
	s30 =	simm.s32 $0x15200  }
0x9: {  	s2 =	sand.u32 $0x1, s2;
	s3 =	sshll.u32 s4, $0x1;
	s4 =	smul.u32 $0x1340, s4  }
0xa: {  	s31 =	simm.s32 $0x1;
	s5 =	sor.u32 s2, s3;
	s6 =	smul.u32 $0x9A0, s2  }
0xb: {  	s3 =	simm.s32 $0x0;
	s2 =	ssub.s32 $0x2, s2;
	s5 =	smul.u32 $0x9A0, s5  }
0xc: {  	[smem:$0x7FF] =	sst s3;
	s25 =	sshrl.u32 s2, $0x1;
	s4 =	sadd.s32 s6, s4  }
0xd: {  	_ =	strace $0x80000050;
	s2 =	ssub.s32 s2, s25;
	s25 =	simm.s32 $0x13200  }
0xe: {  	s5 =	sshrl.u32 s5, $0x3;
	s6 =	sadd.s32 $0x38, s4;
	s4 =	sshrl.u32 s4, $0x3  }
0xf: {  	s2 =	smax.u32 s2, $0x1;
	s0 =	sadd.s32 s5, s0;
	s26 =	smul.u32 $0x300, s4  }
.Ltmp0:
0x10: {  	s24 =	sshrl.u32 s6, $0x3;
	s5 =	sadd.s32 $0x100, s1;
	(pc) =	sbr.rel .LBB2_1-.Ltmp0, $4  }
0x11: {  	s6 =	sadd.s32 $0x200, s1;
	[dreg:$0x5] =	wrdreg s2;
	s2 =	simm.s32 $0x2  }
0x12: {  	v2 =	vlaneseq.u32;
	s8 =	smul.u32 $0x300, s24;
	s0 =	sadd.s32 $0x740C00, s0;
	s24 =	simm.s32 $0x12A00  }
0x13: {  	vm0 =	vmmov $0xffff;
	v1 =	vshrl.u32 v2, $0x3;
	[dreg:$0x4] =	wrdreg s0;
	s9 =	sadd.s32 s26, s7;
	s0 =	simm.s32 $0xB200  }
0x14: {  	v0 =	vand.u32 $0x7, v2;
	v2 =	vor.u32 $0x8, v2;
	v1 =	vmul.u32 $0x8, v1;
	s26 =	simm.s32 $0x13A00;
	s8 =	sadd.s32 s8, s7;
	s7 =	simm.s32 $0x0  }
.LBB2_5:
0x15: {  	s7 =	rddreg [dreg:$0x6]  }
0x16: {  	s4 =	rddreg [dreg:$0x5];
	s7 =	sadd.s32 $0x1, s7  }
0x17: {  	p0 =	sne.s32 s7, s4  }
.Ltmp1:
0x18: {  	_ = 	snop;
	(pc) =	sbr.rel @!p0 .LBB2_6-.Ltmp1, $1  }
0x19: {  	_ =	sdelay $0x3  }
.LBB2_1:
0x1a: {  	[dreg:$0x6] =	wrdreg s7  }
0x1b: {  	s4 =	rddreg [dreg:$0x4]  }
0x1c: {  	[tilespmem:s3], [sflag:$0x3] =	stream.linear.gather [hbm4b:s4+s3], $0x9A0, $0x38;
	[tilespmem:$0x15A00] =	vst v63  }
0x1d: {  	_ =	swait.ge [sflag:s10], $0x9A0  }
0x1e: {  	[sflag:s10] =	ssyncset.done $0x0  }
0x1f: {  	[sflag:s10] =	ssyncadd.s32 $0xFFFFF660  }
0x20: {  	v3 =	vld [tilespmem:$0x0];
	_ =	sdelay $0x4  }
0x21: {  	v4 =	vshrl.u32 v3, $0x3  }
0x22: {  	v4 =	vmul.u32 $0x30, v4  }
0x23: {  	v3 =	vand.u32 $0x7, v3  }
0x24: {  	v3 =	vor.u32 v3, v4  }
0x25: {  	v4 =	vperm.xlane v3, v0;
	_ =	sdelay $0x1  }
0x26: {  	v4 =	vadd.s32 v1, v4;
	_ =	sdelay $0x3  }
0x27: {  	v3 =	vperm.xlane v3, v2  }
0x28: {  	[tilespmem:s11], [sflag:$0x1] =	stream.indirect_vreg.gather [hbm4b:s1+s3], $0x80, v4, vm0, $0xb8;
	[tilespmem:$0x15A00] =	vst v63  }
0x29: {  	s7 =	simm.s32 $0x1200;
	v3 =	vadd.s32 v1, v3  }
0x2a: {  	[tilespmem:s7], [sflag:$0x1] =	stream.indirect_vreg.gather [hbm4b:s5+s3], $0x80, v4, vm0, $0xb8;
	[tilespmem:$0x15A00] =	vst v63  }
0x2b: {  	s12 =	simm.s32 $0x1A00  }
0x2c: {  	[tilespmem:s12], [sflag:$0x1] =	stream.indirect_vreg.gather [hbm4b:s6+s3], $0x80, v4, vm0, $0xb8;
	[tilespmem:$0x15A00] =	vst v63  }
0x2d: {  	s7 =	simm.s32 $0x2200  }
0x2e: {  	[tilespmem:s7], [sflag:$0x1] =	stream.indirect_vreg.gather [hbm4b:s1+s3], $0x80, v3, vm0, $0xb8;
	[tilespmem:$0x15A00] =	vst v63  }
0x2f: {  	s12 =	simm.s32 $0x2A00  }
0x30: {  	[tilespmem:s12], [sflag:$0x1] =	stream.indirect_vreg.gather [hbm4b:s5+s3], $0x80, v3, vm0, $0xb8;
	[tilespmem:$0x15A00] =	vst v63  }
0x31: {  	s7 =	simm.s32 $0x3200  }
0x32: {  	[tilespmem:s7], [sflag:$0x1] =	stream.indirect_vreg.gather [hbm4b:s6+s3], $0x80, v3, vm0, $0xb8;
	[tilespmem:$0x15A00] =	vst v63  }
0x33: {  	v3 =	vld [tilespmem:$0x10];
	_ =	sdelay $0x4  }
0x34: {  	v61 =	vshrl.u32 v3, $0x3  }
0x35: {  	v4 =	vmul.u32 $0x30, v61  }
0x36: {  	v3 =	vand.u32 $0x7, v3  }
0x37: {  	v3 =	vor.u32 v3, v4  }
0x38: {  	v4 =	vperm.xlane v3, v0;
	_ =	sdelay $0x1  }
0x39: {  	v4 =	vadd.s32 v1, v4;
	_ =	sdelay $0x3  }
0x3a: {  	s12 =	simm.s32 $0x3A00;
	v3 =	vperm.xlane v3, v2  }
0x3b: {  	[tilespmem:s12], [sflag:$0x1] =	stream.indirect_vreg.gather [hbm4b:s1+s3], $0x80, v4, vm0, $0xb8;
	[tilespmem:$0x15A00] =	vst v63  }
0x3c: {  	s7 =	simm.s32 $0x4200;
	v3 =	vadd.s32 v1, v3  }
0x3d: {  	[tilespmem:s7], [sflag:$0x1] =	stream.indirect_vreg.gather [hbm4b:s5+s3], $0x80, v4, vm0, $0xb8;
	[tilespmem:$0x15A00] =	vst v63  }
0x3e: {  	s12 =	simm.s32 $0x4A00  }
0x3f: {  	[tilespmem:s12], [sflag:$0x1] =	stream.indirect_vreg.gather [hbm4b:s6+s3], $0x80, v4, vm0, $0xb8;
	[tilespmem:$0x15A00] =	vst v63  }
0x40: {  	s7 =	simm.s32 $0x5200  }
0x41: {  	[tilespmem:s7], [sflag:$0x1] =	stream.indirect_vreg.gather [hbm4b:s1+s3], $0x80, v3, vm0, $0xb8;
	[tilespmem:$0x15A00] =	vst v63  }
0x42: {  	s12 =	simm.s32 $0x5A00  }
0x43: {  	[tilespmem:s12], [sflag:$0x1] =	stream.indirect_vreg.gather [hbm4b:s5+s3], $0x80, v3, vm0, $0xb8;
	[tilespmem:$0x15A00] =	vst v63  }
0x44: {  	s7 =	simm.s32 $0x6200  }
0x45: {  	[tilespmem:s7], [sflag:$0x1] =	stream.indirect_vreg.gather [hbm4b:s6+s3], $0x80, v3, vm0, $0xb8;
	[tilespmem:$0x15A00] =	vst v63  }
0x46: {  	v3 =	vld [tilespmem:$0x20];
	_ =	sdelay $0x4  }
0x47: {  	v62 =	vshrl.u32 v3, $0x3  }
0x48: {  	v4 =	vmul.u32 $0x30, v62  }
0x49: {  	v3 =	vand.u32 $0x7, v3  }
0x4a: {  	v3 =	vor.u32 v3, v4  }
0x4b: {  	v4 =	vperm.xlane v3, v0;
	_ =	sdelay $0x1  }
0x4c: {  	v4 =	vadd.s32 v1, v4;
	_ =	sdelay $0x3  }
0x4d: {  	s12 =	simm.s32 $0x6A00;
	v3 =	vperm.xlane v3, v2  }
0x4e: {  	[tilespmem:s12], [sflag:$0x1] =	stream.indirect_vreg.gather [hbm4b:s1+s3], $0x80, v4, vm0, $0xb8;
	[tilespmem:$0x15A00] =	vst v63  }
0x4f: {  	s7 =	simm.s32 $0x7200;
	v3 =	vadd.s32 v1, v3  }
0x50: {  	[tilespmem:s7], [sflag:$0x1] =	stream.indirect_vreg.gather [hbm4b:s5+s3], $0x80, v4, vm0, $0xb8;
	[tilespmem:$0x15A00] =	vst v63  }
0x51: {  	s12 =	simm.s32 $0x7A00  }
0x52: {  	[tilespmem:s12], [sflag:$0x1] =	stream.indirect_vreg.gather [hbm4b:s6+s3], $0x80, v4, vm0, $0xb8;
	[tilespmem:$0x15A00] =	vst v63  }
0x53: {  	s7 =	simm.s32 $0x8200  }
0x54: {  	[tilespmem:s7], [sflag:$0x1] =	stream.indirect_vreg.gather [hbm4b:s1+s3], $0x80, v3, vm0, $0xb8;
	[tilespmem:$0x15A00] =	vst v63  }
0x55: {  	s12 =	simm.s32 $0x8A00  }
0x56: {  	[tilespmem:s12], [sflag:$0x1] =	stream.indirect_vreg.gather [hbm4b:s5+s3], $0x80, v3, vm0, $0xb8;
	[tilespmem:$0x15A00] =	vst v63  }
0x57: {  	s7 =	simm.s32 $0x9200  }
0x58: {  	[tilespmem:s7], [sflag:$0x1] =	stream.indirect_vreg.gather [hbm4b:s6+s3], $0x80, v3, vm0, $0xb8;
	[tilespmem:$0x15A00] =	vst v63  }
0x59: {  	v3 =	vld.msk [tilespmem:$0x30], $0xff;
	_ =	sdelay $0x4  }
0x5a: {  	v63 =	vshrl.u32 v3, $0x3  }
0x5b: {  	v4 =	vmul.u32 $0x30, v63  }
0x5c: {  	v3 =	vand.u32 $0x7, v3  }
0x5d: {  	v3 =	vor.u32 v3, v4  }
0x5e: {  	v3 =	vperm.xlane v3, v0;
	_ =	sdelay $0x1  }
0x5f: {  	v3 =	vadd.s32 v1, v3;
	_ =	sdelay $0x3  }
0x60: {  	s12 =	simm.s32 $0x9A00  }
0x61: {  	[tilespmem:s12], [sflag:$0x1] =	stream.indirect_vreg.gather [hbm4b:s1+s3], $0x80, v3, vm0, $0xb8;
	[tilespmem:$0x15A00] =	vst v63  }
.Ltmp2:
0x62: {  	_ = 	snop;
	(pc) =	sbr.rel .LBB2_2-.Ltmp2, $4  }
0x63: {  	s7 =	simm.s32 $0xA200  }
0x64: {  	[tilespmem:s7], [sflag:$0x1] =	stream.indirect_vreg.gather [hbm4b:s5+s3], $0x80, v3, vm0, $0xb8;
	[tilespmem:$0x15A00] =	vst v63  }
0x65: {  	s4 =	simm.s32 $0x58;
	s12 =	simm.s32 $0xAA00;
	s7 =	simm.s32 $0x0  }
0x66: {  	[tilespmem:s12], [sflag:$0x1] =	stream.indirect_vreg.gather [hbm4b:s6+s3], $0x80, v3, vm0, $0xb8;
	[tilespmem:$0x15A00] =	vst v63  }
.LBB2_4:
0x67: {  	_ =	swait.ge [sflag:s2], $0xA800;
	s12 =	sadd.s32 s7, s8;
	s7 =	sadd.s32 $0x2A00, s7  }
0x68: {  	[sflag:s2] =	ssyncset.done $0x0;
	p0 =	sne.s32 s7, $0x39C00  }
.Ltmp3:
0x69: {  	[sflag:s2] =	ssyncadd.s32 $0xFFFF5800;
	(pc) =	sbr.rel @!p0 .LBB2_5-.Ltmp3, $4  }
0x6a: {  	[hbm4b:s12+s3] =	stream.linear.scatter [tilespmem:s0], [sflag:$0x3], $0xA800, $0x38;
	[tilespmem:$0x15A00] =	vst v63  }
0x6b: {  	_ =	swait.ge [sflag:s10], $0xA800  }
0x6c: {  	[sflag:s10] =	ssyncset.done $0x0  }
0x6d: {  	s4 =	sadd.s32 $0x70, s4;
	[sflag:s10] =	ssyncadd.s32 $0xFFFF5800  }
.LBB2_2:
0x6e: {  	v3 =	vld [tilespmem:s4+$0xFFFFFFE0];
	_ =	sdelay $0x4  }
0x6f: {  	v4 =	vshrl.u32 v3, $0x3  }
0x70: {  	v4 =	vmul.u32 $0x30, v4  }
0x71: {  	v3 =	vand.u32 $0x7, v3  }
0x72: {  	v3 =	vor.u32 v3, v4  }
0x73: {  	v4 =	vperm.xlane v3, v0;
	_ =	sdelay $0x1  }
0x74: {  	v4 =	vadd.s32 v1, v4;
	_ =	sdelay $0x3  }
0x75: {  	v3 =	vperm.xlane v3, v2  }
0x76: {  	[tilespmem:s0], [sflag:$0x2] =	stream.indirect_vreg.gather [hbm4b:s1+s3], $0x80, v4, vm0, $0xb8;
	[tilespmem:$0x15A00] =	vst v63  }
0x77: {  	s12 =	simm.s32 $0xBA00;
	v3 =	vadd.s32 v1, v3  }
0x78: {  	[tilespmem:s12], [sflag:$0x2] =	stream.indirect_vreg.gather [hbm4b:s5+s3], $0x80, v4, vm0, $0xb8;
	[tilespmem:$0x15A00] =	vst v63  }
0x79: {  	s12 =	simm.s32 $0xC200  }
0x7a: {  	[tilespmem:s12], [sflag:$0x2] =	stream.indirect_vreg.gather [hbm4b:s6+s3], $0x80, v4, vm0, $0xb8;
	[tilespmem:$0x15A00] =	vst v63  }
0x7b: {  	s12 =	simm.s32 $0xCA00  }
0x7c: {  	[tilespmem:s12], [sflag:$0x2] =	stream.indirect_vreg.gather [hbm4b:s1+s3], $0x80, v3, vm0, $0xb8;
	[tilespmem:$0x15A00] =	vst v63  }
0x7d: {  	_ = 	snop  }
0x7e: {  	[tilespmem:s13], [sflag:$0x2] =	stream.indirect_vreg.gather [hbm4b:s5+s3], $0x80, v3, vm0, $0xb8;
	[tilespmem:$0x15A00] =	vst v63  }
0x7f: {  	_ = 	snop  }
0x80: {  	[tilespmem:s14], [sflag:$0x2] =	stream.indirect_vreg.gather [hbm4b:s6+s3], $0x80, v3, vm0, $0xb8;
	[tilespmem:$0x15A00] =	vst v63  }
0x81: {  	v3 =	vld [tilespmem:s4+$0xFFFFFFF0];
	_ =	sdelay $0x4  }
0x82: {  	v61 =	vshrl.u32 v3, $0x3  }
0x83: {  	v4 =	vmul.u32 $0x30, v61  }
0x84: {  	v3 =	vand.u32 $0x7, v3  }
0x85: {  	v3 =	vor.u32 v3, v4  }
0x86: {  	v4 =	vperm.xlane v3, v0;
	_ =	sdelay $0x1  }
0x87: {  	v4 =	vadd.s32 v1, v4;
	_ =	sdelay $0x3  }
0x88: {  	v3 =	vperm.xlane v3, v2  }
0x89: {  	[tilespmem:s15], [sflag:$0x2] =	stream.indirect_vreg.gather [hbm4b:s1+s3], $0x80, v4, vm0, $0xb8;
	[tilespmem:$0x15A00] =	vst v63  }
0x8a: {  	v3 =	vadd.s32 v1, v3  }
0x8b: {  	[tilespmem:s16], [sflag:$0x2] =	stream.indirect_vreg.gather [hbm4b:s5+s3], $0x80, v4, vm0, $0xb8;
	[tilespmem:$0x15A00] =	vst v63  }
0x8c: {  	_ = 	snop  }
0x8d: {  	[tilespmem:s17], [sflag:$0x2] =	stream.indirect_vreg.gather [hbm4b:s6+s3], $0x80, v4, vm0, $0xb8;
	[tilespmem:$0x15A00] =	vst v63  }
0x8e: {  	_ = 	snop  }
0x8f: {  	[tilespmem:s18], [sflag:$0x2] =	stream.indirect_vreg.gather [hbm4b:s1+s3], $0x80, v3, vm0, $0xb8;
	[tilespmem:$0x15A00] =	vst v63  }
0x90: {  	_ = 	snop  }
0x91: {  	[tilespmem:s19], [sflag:$0x2] =	stream.indirect_vreg.gather [hbm4b:s5+s3], $0x80, v3, vm0, $0xb8;
	[tilespmem:$0x15A00] =	vst v63  }
0x92: {  	_ = 	snop  }
0x93: {  	[tilespmem:s20], [sflag:$0x2] =	stream.indirect_vreg.gather [hbm4b:s6+s3], $0x80, v3, vm0, $0xb8;
	[tilespmem:$0x15A00] =	vst v63  }
0x94: {  	v3 =	vld [tilespmem:s4+$0x0];
	_ =	sdelay $0x4  }
0x95: {  	v62 =	vshrl.u32 v3, $0x3  }
0x96: {  	v4 =	vmul.u32 $0x30, v62  }
0x97: {  	v3 =	vand.u32 $0x7, v3  }
0x98: {  	v3 =	vor.u32 v3, v4  }
0x99: {  	v4 =	vperm.xlane v3, v0;
	_ =	sdelay $0x1  }
0x9a: {  	v4 =	vadd.s32 v1, v4;
	_ =	sdelay $0x3  }
0x9b: {  	v3 =	vperm.xlane v3, v2  }
0x9c: {  	[tilespmem:s21], [sflag:$0x2] =	stream.indirect_vreg.gather [hbm4b:s1+s3], $0x80, v4, vm0, $0xb8;
	[tilespmem:$0x15A00] =	vst v63  }
0x9d: {  	v3 =	vadd.s32 v1, v3  }
0x9e: {  	[tilespmem:s22], [sflag:$0x2] =	stream.indirect_vreg.gather [hbm4b:s5+s3], $0x80, v4, vm0, $0xb8;
	[tilespmem:$0x15A00] =	vst v63  }
0x9f: {  	_ = 	snop  }
0xa0: {  	[tilespmem:s23], [sflag:$0x2] =	stream.indirect_vreg.gather [hbm4b:s6+s3], $0x80, v4, vm0, $0xb8;
	[tilespmem:$0x15A00] =	vst v63  }
0xa1: {  	_ = 	snop  }
0xa2: {  	[tilespmem:s24], [sflag:$0x2] =	stream.indirect_vreg.gather [hbm4b:s1+s3], $0x80, v3, vm0, $0xb8;
	[tilespmem:$0x15A00] =	vst v63  }
0xa3: {  	_ = 	snop  }
0xa4: {  	[tilespmem:s25], [sflag:$0x2] =	stream.indirect_vreg.gather [hbm4b:s5+s3], $0x80, v3, vm0, $0xb8;
	[tilespmem:$0x15A00] =	vst v63  }
0xa5: {  	_ = 	snop  }
0xa6: {  	[tilespmem:s26], [sflag:$0x2] =	stream.indirect_vreg.gather [hbm4b:s6+s3], $0x80, v3, vm0, $0xb8;
	[tilespmem:$0x15A00] =	vst v63  }
0xa7: {  	v3 =	vld.msk [tilespmem:s4+$0x10], $0xff;
	_ =	sdelay $0x4  }
0xa8: {  	v63 =	vshrl.u32 v3, $0x3  }
0xa9: {  	v4 =	vmul.u32 $0x30, v63  }
0xaa: {  	v3 =	vand.u32 $0x7, v3  }
0xab: {  	v3 =	vor.u32 v3, v4  }
0xac: {  	v3 =	vperm.xlane v3, v0;
	_ =	sdelay $0x1  }
0xad: {  	v3 =	vadd.s32 v1, v3;
	_ =	sdelay $0x4  }
0xae: {  	[tilespmem:s28], [sflag:$0x2] =	stream.indirect_vreg.gather [hbm4b:s1+s3], $0x80, v3, vm0, $0xb8;
	[tilespmem:$0x15A00] =	vst v63  }
0xaf: {  	_ = 	snop  }
0xb0: {  	[tilespmem:s29], [sflag:$0x2] =	stream.indirect_vreg.gather [hbm4b:s5+s3], $0x80, v3, vm0, $0xb8;
	[tilespmem:$0x15A00] =	vst v63  }
0xb1: {  	_ = 	snop  }
0xb2: {  	[tilespmem:s30], [sflag:$0x2] =	stream.indirect_vreg.gather [hbm4b:s6+s3], $0x80, v3, vm0, $0xb8;
	[tilespmem:$0x15A00] =	vst v63  }
0xb3: {  	_ =	swait.ge [sflag:s31], $0xA800  }
0xb4: {  	p0 =	seq.s32 s7, $0x37200;
	[sflag:s31] =	ssyncset.done $0x0  }
.Ltmp4:
0xb5: {  	s12 =	sadd.s32 s7, s9;
	[sflag:s31] =	ssyncadd.s32 $0xFFFF5800;
	(pc) =	sbr.rel @p0 .LBB2_4-.Ltmp4, $4  }
0xb6: {  	[hbm4b:s12+s3] =	stream.linear.scatter [tilespmem:s11], [sflag:$0x3], $0xA800, $0x38;
	[tilespmem:$0x15A00] =	vst v63  }
0xb7: {  	_ =	swait.ge [sflag:s10], $0xA800  }
0xb8: {  	[sflag:s10] =	ssyncset.done $0x0  }
0xb9: {  	[sflag:s10] =	ssyncadd.s32 $0xFFFF5800  }
0xba: {  	v3 =	vld [tilespmem:s4+$0x18];
	_ =	sdelay $0x4  }
0xbb: {  	v4 =	vshrl.u32 v3, $0x3  }
0xbc: {  	v4 =	vmul.u32 $0x30, v4  }
0xbd: {  	v3 =	vand.u32 $0x7, v3  }
0xbe: {  	v3 =	vor.u32 v3, v4  }
0xbf: {  	v4 =	vperm.xlane v3, v0;
	_ =	sdelay $0x1  }
0xc0: {  	v4 =	vadd.s32 v1, v4;
	_ =	sdelay $0x3  }
0xc1: {  	v3 =	vperm.xlane v3, v2  }
0xc2: {  	[tilespmem:s11], [sflag:$0x1] =	stream.indirect_vreg.gather [hbm4b:s1+s3], $0x80, v4, vm0, $0xb8;
	[tilespmem:$0x15A00] =	vst v63  }
0xc3: {  	s12 =	simm.s32 $0x1200;
	v3 =	vadd.s32 v1, v3  }
0xc4: {  	[tilespmem:s12], [sflag:$0x1] =	stream.indirect_vreg.gather [hbm4b:s5+s3], $0x80, v4, vm0, $0xb8;
	[tilespmem:$0x15A00] =	vst v63  }
0xc5: {  	s12 =	simm.s32 $0x1A00  }
0xc6: {  	[tilespmem:s12], [sflag:$0x1] =	stream.indirect_vreg.gather [hbm4b:s6+s3], $0x80, v4, vm0, $0xb8;
	[tilespmem:$0x15A00] =	vst v63  }
0xc7: {  	s12 =	simm.s32 $0x2200  }
0xc8: {  	[tilespmem:s12], [sflag:$0x1] =	stream.indirect_vreg.gather [hbm4b:s1+s3], $0x80, v3, vm0, $0xb8;
	[tilespmem:$0x15A00] =	vst v63  }
0xc9: {  	s12 =	simm.s32 $0x2A00  }
0xca: {  	[tilespmem:s12], [sflag:$0x1] =	stream.indirect_vreg.gather [hbm4b:s5+s3], $0x80, v3, vm0, $0xb8;
	[tilespmem:$0x15A00] =	vst v63  }
0xcb: {  	s12 =	simm.s32 $0x3200  }
0xcc: {  	[tilespmem:s12], [sflag:$0x1] =	stream.indirect_vreg.gather [hbm4b:s6+s3], $0x80, v3, vm0, $0xb8;
	[tilespmem:$0x15A00] =	vst v63  }
0xcd: {  	v3 =	vld [tilespmem:s4+$0x28];
	_ =	sdelay $0x4  }
0xce: {  	v61 =	vshrl.u32 v3, $0x3  }
0xcf: {  	v4 =	vmul.u32 $0x30, v61  }
0xd0: {  	v3 =	vand.u32 $0x7, v3  }
0xd1: {  	v3 =	vor.u32 v3, v4  }
0xd2: {  	v4 =	vperm.xlane v3, v0;
	_ =	sdelay $0x1  }
0xd3: {  	v4 =	vadd.s32 v1, v4;
	_ =	sdelay $0x3  }
0xd4: {  	s12 =	simm.s32 $0x3A00;
	v3 =	vperm.xlane v3, v2  }
0xd5: {  	[tilespmem:s12], [sflag:$0x1] =	stream.indirect_vreg.gather [hbm4b:s1+s3], $0x80, v4, vm0, $0xb8;
	[tilespmem:$0x15A00] =	vst v63  }
0xd6: {  	v3 =	vadd.s32 v1, v3;
	s12 =	simm.s32 $0x4200  }
0xd7: {  	[tilespmem:s12], [sflag:$0x1] =	stream.indirect_vreg.gather [hbm4b:s5+s3], $0x80, v4, vm0, $0xb8;
	[tilespmem:$0x15A00] =	vst v63  }
0xd8: {  	s12 =	simm.s32 $0x4A00  }
0xd9: {  	[tilespmem:s12], [sflag:$0x1] =	stream.indirect_vreg.gather [hbm4b:s6+s3], $0x80, v4, vm0, $0xb8;
	[tilespmem:$0x15A00] =	vst v63  }
0xda: {  	s12 =	simm.s32 $0x5200  }
0xdb: {  	[tilespmem:s12], [sflag:$0x1] =	stream.indirect_vreg.gather [hbm4b:s1+s3], $0x80, v3, vm0, $0xb8;
	[tilespmem:$0x15A00] =	vst v63  }
0xdc: {  	s12 =	simm.s32 $0x5A00  }
0xdd: {  	[tilespmem:s12], [sflag:$0x1] =	stream.indirect_vreg.gather [hbm4b:s5+s3], $0x80, v3, vm0, $0xb8;
	[tilespmem:$0x15A00] =	vst v63  }
0xde: {  	s12 =	simm.s32 $0x6200  }
0xdf: {  	[tilespmem:s12], [sflag:$0x1] =	stream.indirect_vreg.gather [hbm4b:s6+s3], $0x80, v3, vm0, $0xb8;
	[tilespmem:$0x15A00] =	vst v63  }
0xe0: {  	v3 =	vld [tilespmem:s4+$0x38];
	_ =	sdelay $0x4  }
0xe1: {  	v62 =	vshrl.u32 v3, $0x3  }
0xe2: {  	v4 =	vmul.u32 $0x30, v62  }
0xe3: {  	v3 =	vand.u32 $0x7, v3  }
0xe4: {  	v3 =	vor.u32 v3, v4  }
0xe5: {  	v4 =	vperm.xlane v3, v0;
	_ =	sdelay $0x1  }
0xe6: {  	v4 =	vadd.s32 v1, v4;
	_ =	sdelay $0x3  }
0xe7: {  	s12 =	simm.s32 $0x6A00;
	v3 =	vperm.xlane v3, v2  }
0xe8: {  	[tilespmem:s12], [sflag:$0x1] =	stream.indirect_vreg.gather [hbm4b:s1+s3], $0x80, v4, vm0, $0xb8;
	[tilespmem:$0x15A00] =	vst v63  }
0xe9: {  	v3 =	vadd.s32 v1, v3;
	s12 =	simm.s32 $0x7200  }
0xea: {  	[tilespmem:s12], [sflag:$0x1] =	stream.indirect_vreg.gather [hbm4b:s5+s3], $0x80, v4, vm0, $0xb8;
	[tilespmem:$0x15A00] =	vst v63  }
0xeb: {  	s12 =	simm.s32 $0x7A00  }
0xec: {  	[tilespmem:s12], [sflag:$0x1] =	stream.indirect_vreg.gather [hbm4b:s6+s3], $0x80, v4, vm0, $0xb8;
	[tilespmem:$0x15A00] =	vst v63  }
0xed: {  	s12 =	simm.s32 $0x8200  }
0xee: {  	[tilespmem:s12], [sflag:$0x1] =	stream.indirect_vreg.gather [hbm4b:s1+s3], $0x80, v3, vm0, $0xb8;
	[tilespmem:$0x15A00] =	vst v63  }
0xef: {  	s12 =	simm.s32 $0x8A00  }
0xf0: {  	[tilespmem:s12], [sflag:$0x1] =	stream.indirect_vreg.gather [hbm4b:s5+s3], $0x80, v3, vm0, $0xb8;
	[tilespmem:$0x15A00] =	vst v63  }
0xf1: {  	s12 =	simm.s32 $0x9200  }
0xf2: {  	[tilespmem:s12], [sflag:$0x1] =	stream.indirect_vreg.gather [hbm4b:s6+s3], $0x80, v3, vm0, $0xb8;
	[tilespmem:$0x15A00] =	vst v63  }
0xf3: {  	v3 =	vld.msk [tilespmem:s4+$0x48], $0xff;
	_ =	sdelay $0x4  }
0xf4: {  	v63 =	vshrl.u32 v3, $0x3  }
0xf5: {  	v4 =	vmul.u32 $0x30, v63  }
0xf6: {  	v3 =	vand.u32 $0x7, v3  }
0xf7: {  	v3 =	vor.u32 v3, v4  }
0xf8: {  	v3 =	vperm.xlane v3, v0;
	_ =	sdelay $0x1  }
0xf9: {  	v3 =	vadd.s32 v1, v3;
	_ =	sdelay $0x3  }
0xfa: {  	s12 =	simm.s32 $0x9A00  }
0xfb: {  	[tilespmem:s12], [sflag:$0x1] =	stream.indirect_vreg.gather [hbm4b:s1+s3], $0x80, v3, vm0, $0xb8;
	[tilespmem:$0x15A00] =	vst v63  }
.Ltmp5:
0xfc: {  	_ = 	snop;
	(pc) =	sbr.rel .LBB2_4-.Ltmp5, $4  }
0xfd: {  	s12 =	simm.s32 $0xA200  }
0xfe: {  	[tilespmem:s12], [sflag:$0x1] =	stream.indirect_vreg.gather [hbm4b:s5+s3], $0x80, v3, vm0, $0xb8;
	[tilespmem:$0x15A00] =	vst v63  }
0xff: {  	s12 =	simm.s32 $0xAA00  }
0x100: {  	[tilespmem:s12], [sflag:$0x1] =	stream.indirect_vreg.gather [hbm4b:s6+s3], $0x80, v3, vm0, $0xb8;
	[tilespmem:$0x15A00] =	vst v63  }
.LBB2_6:
0x101: {  	_ =	sfence.sel $0x180000  }
0x102: {  	[bflag:$0x0] =	sbarrier.arrive $0xFFFF  }
0x103: {  	_ =	strace $0x90000050  }
0x104: {  	s0 =	stileid.u32;
	[bflag:$0x2] =	sbarrier.arrive $0xFFFF  }
0x105: {  	p0 =	sne.s32 s0, $0x0;
	s0 =	rddreg [dreg:$0x3]  }
0x106: {  	s0 =	sadd.s32 @!p0 $0x100000, s0  }
0x107: {  	[sflag:s0] =	ssyncadd.tile.s32 @!p0 $0x1;
	_ =	shalt  }
.Lfunc_end2:
_tile_overlayer_lowered:
.L_overlay_start_2:
0x108: {  	(tag) =	ssettag $0x2  }
0x109: {  	s0 =	rddreg [dreg:$0x0];
	s2 =	stileid.u32  }
0x10a: {  	s1 =	rddreg [dreg:$0x1];
	p0 =	sne.s32 s2, $0x0  }
0x10b: {  	s3 =	rddreg [dreg:$0x2];
	[bflag:$0x3] =	sbarrier.arrive $0xFFFF;
	s2 =	simm.s32 @!p0 $0x1C03  }
0x10c: {  	[timem:s3], [sflag:s2] =	dma.local @!p0 [hbm:s0], s1  }
0x10d: {  	s0 =	simm.s32 @!p0 $0x3  }
0x10e: {  	_ =	swait.ge @!p0 [sflag:s0], s1  }
0x10f: {  	s1 =	ssub.s32 @!p0 $0x0, s1;
	[sflag:s0] =	ssyncset.done @!p0 $0x0  }
0x110: {  	[sflag:s0] =	ssyncadd.s32 @!p0 s1  }
0x111: {  	[bflag:$0x3] =	sbarrier.arrive $0xFFFF  }
0x112: {  	_ =	shalt  }

</sc_bundles>
